<compile_context>
chip_gen: v7x
topology: tpu7x:2x2x1
jax: 0.10.2.dev20260603
libtpu: 0.0.44.dev20260713+nightly
codegen_flags: <defaults>
</compile_context>

<pallas_src>
import functools

import jax
import jax.numpy as jnp
from jax import lax
from jax.experimental import pallas as pl
from jax.experimental.pallas import tpu as pltpu
from jax.experimental.pallas import tpu_sc as plsc

_N = 10000
_E = 320000
_H = 128
_NC = 18
_G = 64

_NCORE = 2
_NSUB = 16
_NW = _NCORE * _NSUB
_EPT = _E // _NW
_K = 80
_NCHUNK = _EPT // _K
_KA = 80
_NPAD = 10240
_RPT = _NPAD // _NSUB
_ZR = 128

_BM = 2000
_CH = 2000
_NBLK = _N // _CH

_mesh = plsc.VectorSubcoreMesh(core_axis_name="c", subcore_axis_name="s")



@functools.partial(
    pl.kernel,
    out_type=(jax.ShapeDtypeStruct((_NPAD, 16), jnp.float32),
              jax.ShapeDtypeStruct((_NPAD, 16), jnp.float32)),
    mesh=_mesh,
    scratch_types=[
        pltpu.VMEM_SHARED((_NPAD, 16), jnp.float32),
        pltpu.VMEM((_K,), jnp.int32),
        pltpu.VMEM((_K, 16), jnp.float32),
        pltpu.VMEM((_RPT, 16), jnp.float32),
    ],
)
def _deg_kernel(dst_hbm, c0_hbm, c1_hbm, acc, dstb, onesb, zb):
    cid = lax.axis_index("c")
    sid = lax.axis_index("s")
    row0 = sid * _RPT

    def orow(i, c):
        onesb[i, :] = jnp.ones((16,), jnp.float32)
        return c
    lax.fori_loop(0, _K, orow, 0)

    def zrow(i, c):
        zb[i, :] = jnp.zeros((16,), jnp.float32)
        return c
    lax.fori_loop(0, _RPT, zrow, 0)
    pltpu.sync_copy(zb, acc.at[pl.ds(row0, _RPT), :])
    plsc.subcore_barrier()

    base = (cid * _NSUB + sid) * _EPT

    def step(k, c):
        off = pl.multiple_of(base + k * _K, 8)
        pltpu.sync_copy(dst_hbm.at[pl.ds(off, _K)], dstb)
        pltpu.sync_copy(onesb, acc.at[dstb], add=True)
        return c
    lax.fori_loop(0, _NCHUNK, step, 0)
    plsc.subcore_barrier()

    @pl.when(cid == 0)
    def _():
        pltpu.sync_copy(acc.at[pl.ds(row0, _RPT), :], c0_hbm.at[pl.ds(row0, _RPT), :])

    @pl.when(cid == 1)
    def _():
        pltpu.sync_copy(acc.at[pl.ds(row0, _RPT), :], c1_hbm.at[pl.ds(row0, _RPT), :])



_NBUF = 3
_NCAP = 126
_NGRP = _NCAP // _NBUF
_EPTP = _NCAP * _KA

_AGG_SCRATCH = [
    pltpu.VMEM_SHARED((_NPAD, _H), jnp.float32),
    pltpu.VMEM((2, _NBUF, _KA), jnp.int32),
    pltpu.VMEM((2, _NBUF, _KA), jnp.int32),
    pltpu.VMEM((_KA, _H), jnp.float32),
    pltpu.VMEM((_KA, _H), jnp.float32),
    pltpu.VMEM((_KA, _H), jnp.float32),
    pltpu.VMEM((_ZR, _H), jnp.float32),
    pltpu.SemaphoreType.DMA,
    pltpu.SemaphoreType.DMA,
]


def _agg_body(ap_hbm, src_hbm, dst_hbm, p0_hbm, p1_hbm, acc,
              ebs, ebd, rows0, rows1, rows2, zb, semg, semi):
    cid = lax.axis_index("c")
    sid = lax.axis_index("s")
    row0 = sid * _RPT
    wid = cid * _NSUB + sid
    rows = (rows0, rows1, rows2)

    pltpu.async_copy(src_hbm.at[wid, 0], ebs.at[0], semi)
    pltpu.async_copy(dst_hbm.at[wid, 0], ebd.at[0], semi)

    def zrow(i, c):
        for j in range(8):
            zb[i, pl.ds(j * 16, 16)] = jnp.zeros((16,), jnp.float32)
        return c
    lax.fori_loop(0, _ZR, zrow, 0)
    for t in range(_RPT // _ZR):
        pltpu.sync_copy(zb, acc.at[pl.ds(row0 + t * _ZR, _ZR), :])
    pltpu.make_async_copy(src_hbm.at[wid, 0], ebs.at[0], semi).wait()
    pltpu.make_async_copy(dst_hbm.at[wid, 0], ebd.at[0], semi).wait()
    plsc.subcore_barrier()

    def group(m, c):
        p = lax.rem(m, 2)

        @pl.when(m + 1 < _NGRP)
        def _():
            pltpu.async_copy(src_hbm.at[wid, m + 1], ebs.at[1 - p], semi)
            pltpu.async_copy(dst_hbm.at[wid, m + 1], ebd.at[1 - p], semi)

        descs = [
            pltpu.async_copy(ap_hbm.at[ebs.at[p, b]], rows[b], semg)
            for b in range(_NBUF)
        ]
        for b in range(_NBUF):
            descs[b].wait()
            pltpu.sync_copy(rows[b], acc.at[ebd.at[p, b]], add=True)

        @pl.when(m + 1 < _NGRP)
        def _():
            pltpu.make_async_copy(src_hbm.at[wid, m + 1], ebs.at[1 - p], semi).wait()
            pltpu.make_async_copy(dst_hbm.at[wid, m + 1], ebd.at[1 - p], semi).wait()
        return c
    lax.fori_loop(0, _NGRP, group, 0)
    plsc.subcore_barrier()

    @pl.when(cid == 0)
    def _():
        pltpu.sync_copy(acc.at[pl.ds(row0, _RPT), :], p0_hbm.at[pl.ds(row0, _RPT), :])

    @pl.when(cid == 1)
    def _():
        pltpu.sync_copy(acc.at[pl.ds(row0, _RPT), :], p1_hbm.at[pl.ds(row0, _RPT), :])


_agg_kernel = functools.partial(
    pl.kernel,
    out_type=(jax.ShapeDtypeStruct((_NPAD, _H), jnp.float32),
              jax.ShapeDtypeStruct((_NPAD, _H), jnp.float32)),
    mesh=_mesh,
    scratch_types=_AGG_SCRATCH,
)(_agg_body)



def _dinv_of(c0, c1):
    return lax.rsqrt(c0[:, 0:1] + c1[:, 0:1] + 1.0)


def _mm1_body(x_ref, w_ref, c0_ref, c1_ref, o_ref):
    dinv = _dinv_of(c0_ref[...], c1_ref[...])
    o_ref[...] = dinv * jnp.dot(x_ref[...], w_ref[...],
                                preferred_element_type=jnp.float32)


def _mm_first(x, W, c0, c1):
    return pl.pallas_call(
        _mm1_body,
        grid=(_N // _BM,),
        in_specs=[
            pl.BlockSpec((_BM, _H), lambda i: (i, 0)),
            pl.BlockSpec((_H, _H), lambda i: (0, 0)),
            pl.BlockSpec((_BM, 16), lambda i: (i, 0)),
            pl.BlockSpec((_BM, 16), lambda i: (i, 0)),
        ],
        out_specs=pl.BlockSpec((_BM, _H), lambda i: (i, 0)),
        out_shape=jax.ShapeDtypeStruct((_N, _H), jnp.float32),
    )(x, W, c0, c1)


def _mm_mid_body(p0_ref, p1_ref, ap_ref, c0_ref, c1_ref, b_ref, w_ref, o_ref):
    dinv = _dinv_of(c0_ref[...], c1_ref[...])
    h = dinv * (p0_ref[...] + p1_ref[...] + ap_ref[...]) + b_ref[...]
    h = jnp.maximum(h, 0.0)
    o_ref[...] = dinv * jnp.dot(h, w_ref[...], preferred_element_type=jnp.float32)


def _mm_mid(p0, p1, ap, c0, c1, b_row, W):
    return pl.pallas_call(
        _mm_mid_body,
        grid=(_N // _BM,),
        in_specs=[
            pl.BlockSpec((_BM, _H), lambda i: (i, 0)),
            pl.BlockSpec((_BM, _H), lambda i: (i, 0)),
            pl.BlockSpec((_BM, _H), lambda i: (i, 0)),
            pl.BlockSpec((_BM, 16), lambda i: (i, 0)),
            pl.BlockSpec((_BM, 16), lambda i: (i, 0)),
            pl.BlockSpec((1, _H), lambda i: (0, 0)),
            pl.BlockSpec((_H, _H), lambda i: (0, 0)),
        ],
        out_specs=pl.BlockSpec((_BM, _H), lambda i: (i, 0)),
        out_shape=jax.ShapeDtypeStruct((_N, _H), jnp.float32),
    )(p0, p1, ap, c0, c1, b_row, W)


def _pool_body(p0_ref, p1_ref, ap_ref, c0_ref, c1_ref, b_ref, bt_ref, cpad_ref,
               mx_ref, it_ref, o_ref, sums, cnt):
    i = pl.program_id(0)

    @pl.when(i == 0)
    def _():
        sums[...] = jnp.zeros_like(sums)
        cnt[...] = jnp.zeros_like(cnt)

    dinv = _dinv_of(c0_ref[...], c1_ref[...])
    h = dinv * (p0_ref[...] + p1_ref[...] + ap_ref[...]) + b_ref[...]
    bt = bt_ref[0]
    gi = lax.broadcasted_iota(jnp.int32, (_G, _CH), 0)
    s = (bt == gi).astype(jnp.float32)
    sums[...] += jnp.dot(s, h, preferred_element_type=jnp.float32)
    cnt[...] += jnp.sum(s, axis=1, keepdims=True)

    @pl.when(i == _NBLK - 1)
    def _():
        g = sums[...] / jnp.maximum(cnt[...], 1.0)
        cp = cpad_ref[...]
        cross = jnp.dot(g, cp, preferred_element_type=jnp.float32)
        cn2 = jnp.sum(cp * cp, axis=0, keepdims=True)
        gn2 = jnp.sum(g * g, axis=1, keepdims=True)
        d2 = jnp.maximum(gn2 + cn2 - 2.0 * cross, 0.0)
        dmin2 = jnp.minimum(d2[:, :64], d2[:, 64:])
        dist = jnp.sqrt(dmin2)
        lane64 = lax.broadcasted_iota(jnp.int32, (_G, 64), 1)
        md = jnp.min(jnp.where(lane64 < _NC, dist, 1e30), axis=1, keepdims=True)
        soft = 1.0 / (1.0 + jnp.exp(-(mx_ref[...] - md) * it_ref[...]))
        dist128 = jnp.concatenate([dist, dist], axis=1)
        lane = lax.broadcasted_iota(jnp.int32, (_G, _H), 1)
        o_ref[...] = jnp.where(lane < _NC, -dist128,
                               jnp.where(lane == _NC, soft, 0.0))


def _pool_head(p0, p1, ap, c0, c1, b_row, batch3, cpadT, mx_row, it_row):
    return pl.pallas_call(
        _pool_body,
        grid=(_NBLK,),
        in_specs=[
            pl.BlockSpec((_CH, _H), lambda i: (i, 0)),
            pl.BlockSpec((_CH, _H), lambda i: (i, 0)),
            pl.BlockSpec((_CH, _H), lambda i: (i, 0)),
            pl.BlockSpec((_CH, 16), lambda i: (i, 0)),
            pl.BlockSpec((_CH, 16), lambda i: (i, 0)),
            pl.BlockSpec((1, _H), lambda i: (0, 0)),
            pl.BlockSpec((1, 1, _CH), lambda i: (i, 0, 0)),
            pl.BlockSpec((_H, _H), lambda i: (0, 0)),
            pl.BlockSpec((1, _H), lambda i: (0, 0)),
            pl.BlockSpec((1, _H), lambda i: (0, 0)),
        ],
        out_specs=pl.BlockSpec((_G, _H), lambda i: (0, 0)),
        out_shape=jax.ShapeDtypeStruct((_G, _H), jnp.float32),
        scratch_shapes=[
            pltpu.VMEM((_G, _H), jnp.float32),
            pltpu.VMEM((_G, _H), jnp.float32),
        ],
    )(p0, p1, ap, c0, c1, b_row, batch3, cpadT, mx_row, it_row)



def kernel(x, edge_index, batch, W1, b1, W2, b2, W3, b3, centroids,
           std_scale, ac_temp, running_mean, running_var):
    src = edge_index[0]
    dst = edge_index[1]
    src3 = jnp.pad(src.reshape(_NW, _EPT), ((0, 0), (0, _EPTP - _EPT)),
                   constant_values=0).reshape(_NW, _NGRP, _NBUF, _KA)
    dst3 = jnp.pad(dst.reshape(_NW, _EPT), ((0, 0), (0, _EPTP - _EPT)),
                   constant_values=_N).reshape(_NW, _NGRP, _NBUF, _KA)

    c0, c1 = _deg_kernel(dst)

    a1 = _mm_first(x, W1, c0, c1)
    q0, q1 = _agg_kernel(a1, src3, dst3)
    a2 = _mm_mid(q0, q1, a1, c0, c1, b1.reshape(1, _H), W2)
    q0, q1 = _agg_kernel(a2, src3, dst3)
    a3 = _mm_mid(q0, q1, a2, c0, c1, b2.reshape(1, _H), W3)
    q0, q1 = _agg_kernel(a3, src3, dst3)

    cpadT = (jnp.zeros((_H, 128), jnp.float32)
             .at[:, :_NC].set(centroids[:, 0, :].T)
             .at[:, 64:64 + _NC].set(centroids[:, 1, :].T))
    max_ac = running_mean + jnp.clip(jnp.maximum(std_scale, 0.0), 0.0, 5.0) * jnp.sqrt(running_var)
    mx_row = jnp.full((1, _H), max_ac, jnp.float32)
    it_row = jnp.full((1, _H), 1.0 / ac_temp, jnp.float32)
    batch3 = batch.reshape(_NBLK, 1, _CH)

    o = _pool_head(q0, q1, a3, c0, c1, b3.reshape(1, _H), batch3, cpadT,
                   mx_row, it_row)
    return o[:, :_NC], o[:, _NC]

# --- scband reference (transcript-rebuilt; emitter-appended) ---
"""Pipeline reference for scband-malware-gnn-26603027431731 (READ-ONLY COPY).

The authoritative reference and input builder live on the scoring server;
editing this copy changes nothing except your own understanding.
"""

import jax, jax.numpy as jnp
import numpy as np

N = 10000
E = 320000
D = 128
H = 128
NC = 18
NCENT = 2
G = 64


def gcn_conv(x, src, dst, W, b, n_nodes):
    # PyG GCNConv: add self loops, symmetric normalization, linear, scatter-add
    loop = jnp.arange(n_nodes, dtype=src.dtype)
    src_l = jnp.concatenate([src, loop])
    dst_l = jnp.concatenate([dst, loop])
    h = x @ W
    deg = jnp.zeros((n_nodes,), dtype=x.dtype).at[dst_l].add(1.0)
    dinv = jnp.where(deg > 0, deg ** -0.5, 0.0)
    norm = dinv[src_l] * dinv[dst_l]
    msg = h[src_l] * norm[:, None]
    out = jnp.zeros((n_nodes, h.shape[1]), dtype=x.dtype).at[dst_l].add(msg)
    return out + b


def global_mean_pool(x, batch, num_graphs):
    sums = jax.ops.segment_sum(x, batch, num_segments=num_graphs)
    counts = jax.ops.segment_sum(jnp.ones((x.shape[0],), dtype=x.dtype), batch, num_segments=num_graphs)
    return sums / jnp.maximum(counts, 1.0)[:, None]


def setup_inputs(seed: int = 0) -> dict:
    key = jax.random.key(seed)
    ks = jax.random.split(key, 10)
    x = jax.random.normal(ks[0], (N, D), dtype=jnp.float32)
    edge_index = jax.random.randint(ks[1], (2, E), 0, N, dtype=jnp.int32)
    batch = jnp.sort(jax.random.randint(ks[2], (N,), 0, G, dtype=jnp.int32))
    W1 = jax.random.normal(ks[3], (D, H), dtype=jnp.float32) * (1.0 / np.sqrt(D))
    b1 = jnp.zeros((H,), dtype=jnp.float32)
    W2 = jax.random.normal(ks[4], (H, H), dtype=jnp.float32) * (1.0 / np.sqrt(H))
    b2 = jnp.zeros((H,), dtype=jnp.float32)
    W3 = jax.random.normal(ks[5], (H, H), dtype=jnp.float32) * (1.0 / np.sqrt(H))
    b3 = jnp.zeros((H,), dtype=jnp.float32)
    centroids = jax.random.normal(ks[6], (NC, NCENT, H), dtype=jnp.float32)
    std_scale = jnp.array(1.0, dtype=jnp.float32)
    ac_temp = jnp.array(1.0, dtype=jnp.float32)
    running_mean = jnp.array(1.0, dtype=jnp.float32)
    running_var = jnp.array(0.0, dtype=jnp.float32)
    return {"x": x, "edge_index": edge_index, "batch": batch,
            "W1": W1, "b1": b1, "W2": W2, "b2": b2, "W3": W3, "b3": b3,
            "centroids": centroids, "std_scale": std_scale, "ac_temp": ac_temp,
            "running_mean": running_mean, "running_var": running_var}


def reference(x, edge_index, batch, W1, b1, W2, b2, W3, b3, centroids, std_scale, ac_temp, running_mean, running_var):
    src, dst = edge_index[0], edge_index[1]
    h = gcn_conv(x, src, dst, W1, b1, N)
    h = jax.nn.relu(h)
    # dropout is identity in eval mode
    h = gcn_conv(h, src, dst, W2, b2, N)
    h = jax.nn.relu(h)
    h = gcn_conv(h, src, dst, W3, b3, N)
    g = global_mean_pool(h, batch, G)
    # CentroidLayer (reject_input=True, eval mode: running stats not updated)
    diff = centroids[None] - g[:, None, None]          # [G, NC, NCENT, H]
    dist_to_centroids = jnp.sqrt(jnp.sum(diff ** 2, axis=-1))  # [G, NC, NCENT]
    dist = jnp.min(dist_to_centroids, axis=2)          # [G, NC]
    y = -dist
    max_ac_dist = running_mean + jnp.clip(jax.nn.relu(std_scale), 0.0, 5.0) * jnp.sqrt(running_var)
    min_dist = jax.lax.stop_gradient(jnp.min(dist, axis=1, keepdims=True))
    accept_score = max_ac_dist - min_dist
    soft_accept_score = jax.nn.sigmoid(accept_score / ac_temp)
    out = jnp.concatenate([y, soft_accept_score], axis=1)  # [G, NC+1]
    logits = out[:, :-1]
    outlier_scores = out[:, -1]
    return (logits, outlier_scores)

if __name__ == "__main__":
    import jax
    _d = setup_inputs()
    print(jax.jit(kernel)(*tuple(_d.values())))

</pallas_src>

<mosaic_0001>
#map = affine_map<(d0, d1) -> (0)>
#map1 = affine_map<(d0, d1) -> (0, 0)>
module attributes {stable_mosaic.version = 14 : i64} {
  func.func @_deg_kernel(%arg0: i32, %arg1: i32, %arg2: memref<320000xi32, #tpu.memory_space<hbm>>, %arg3: memref<10240x16xf32, #tpu.memory_space<hbm>>, %arg4: memref<10240x16xf32, #tpu.memory_space<hbm>>, %arg5: memref<10240x16xf32, #tpu.memory_space<vmem_shared>>, %arg6: memref<80xi32, #tpu.memory_space<vmem>>, %arg7: memref<80x16xf32, #tpu.memory_space<vmem>>, %arg8: memref<640x16xf32, #tpu.memory_space<vmem>>) attributes {dimension_semantics = [#tpu.dimension_semantics<core_parallel>, #tpu.dimension_semantics<subcore_parallel>], iteration_bounds = array<i64: 2, 16>, scalar_prefetch = 0 : i64, scratch_operands = 4 : i64, tpu.core_type = #tpu.core_type<sc_vector_subcore>, window_params = [{transform_indices = #map}, {transform_indices = #map1}, {transform_indices = #map1}]} {
    %mul3A = arith.constant 640 : i32
    %mul3A_0 = arith.muli %arg1, %mul3A : i32
    %scan3A = arith.constant 0 : i32
    %scan3A_1 = arith.constant 0 : i32
    %scan3A_2 = arith.constant 80 : i32
    %scan3A_3 = arith.addi %scan3A_1, %scan3A_2 : i32
    %scan3A_4 = arith.constant 1 : i32
    scf.for %scan3A_30 = %scan3A_1 to %scan3A_3 step %scan3A_4  : i32 {
      %broadcast_in_dim3A = arith.constant 1.000000e+00 : f32
      %broadcast_in_dim3A_31 = vector.broadcast %broadcast_in_dim3A : f32 to vector<16xf32>
      %swap3A = arith.index_cast %scan3A_30 : i32 to index
      %swap3A_32 = arith.constant 0 : index
      %swap3A_33 = tpu.vector_load %arg7[%swap3A, %swap3A_32] {strides = array<i32>} : memref<80x16xf32, #tpu.memory_space<vmem>>, vector<1x16xf32>,
      %swap3A_34 = vector.shape_cast %swap3A_33 : vector<1x16xf32> to vector<16xf32>
      %swap3A_35 = vector.shape_cast %broadcast_in_dim3A_31 : vector<16xf32> to vector<1x16xf32>
      tpu.vector_store %arg7[%swap3A, %swap3A_32], %swap3A_35 {strides = array<i32>} : memref<80x16xf32, #tpu.memory_space<vmem>>, vector<1x16xf32>,
    }
    %scan3A_5 = arith.constant 80 : i32
    %scan3A_6 = arith.constant 0 : i32
    %scan3A_7 = arith.constant 0 : i32
    %scan3A_8 = arith.constant 640 : i32
    %scan3A_9 = arith.addi %scan3A_7, %scan3A_8 : i32
    %scan3A_10 = arith.constant 1 : i32
    scf.for %scan3A_30 = %scan3A_7 to %scan3A_9 step %scan3A_10  : i32 {
      %broadcast_in_dim3A = arith.constant 0.000000e+00 : f32
      %broadcast_in_dim3A_31 = vector.broadcast %broadcast_in_dim3A : f32 to vector<16xf32>
      %swap3A = arith.index_cast %scan3A_30 : i32 to index
      %swap3A_32 = arith.constant 0 : index
      %swap3A_33 = tpu.vector_load %arg8[%swap3A, %swap3A_32] {strides = array<i32>} : memref<640x16xf32, #tpu.memory_space<vmem>>, vector<1x16xf32>,
      %swap3A_34 = vector.shape_cast %swap3A_33 : vector<1x16xf32> to vector<16xf32>
      %swap3A_35 = vector.shape_cast %broadcast_in_dim3A_31 : vector<16xf32> to vector<1x16xf32>
      tpu.vector_store %arg8[%swap3A, %swap3A_32], %swap3A_35 {strides = array<i32>} : memref<640x16xf32, #tpu.memory_space<vmem>>, vector<1x16xf32>,
    }
    %scan3A_11 = arith.constant 640 : i32
    "tpu.region"() ({
      %run_scoped3A = tpu.sem_alloc : memref<!tpu.dma_semaphore, #tpu.memory_space<semaphore_mem>>
      %dma_start3A = arith.constant 0 : i32
      %dma_start3A_30 = tpu.memref_slice %arg5[%mul3A_0, %dma_start3A] : memref<10240x16xf32, #tpu.memory_space<vmem_shared>> -> memref<640x16xf32, #tpu.memory_space<vmem_shared>>
      %dma_start3A_31 = arith.constant 0 : i32
      %dma_start3A_32 = tpu.memref_slice %arg5[%mul3A_0, %dma_start3A_31] : memref<10240x16xf32, #tpu.memory_space<vmem_shared>> -> memref<640x16xf32, #tpu.memory_space<vmem_shared>>
      tpu.enqueue_dma source(%arg8 : memref<640x16xf32, #tpu.memory_space<vmem>>) target(%dma_start3A_32 : memref<640x16xf32, #tpu.memory_space<vmem_shared>>) target_semaphore(%run_scoped3A : memref<!tpu.dma_semaphore, #tpu.memory_space<semaphore_mem>>)
      %dma_wait3A = arith.constant 0 : i32
      %dma_wait3A_33 = tpu.memref_slice %arg5[%mul3A_0, %dma_wait3A] : memref<10240x16xf32, #tpu.memory_space<vmem_shared>> -> memref<640x16xf32, #tpu.memory_space<vmem_shared>>
      %dma_wait3A_34 = arith.constant 0 : i32
      %dma_wait3A_35 = tpu.memref_slice %arg5[%mul3A_0, %dma_wait3A_34] : memref<10240x16xf32, #tpu.memory_space<vmem_shared>> -> memref<640x16xf32, #tpu.memory_space<vmem_shared>>
      tpu.wait_dma2 semaphore(%run_scoped3A : memref<!tpu.dma_semaphore, #tpu.memory_space<semaphore_mem>>) src(%arg8 : memref<640x16xf32, #tpu.memory_space<vmem>>) dst(%dma_wait3A_35 : memref<640x16xf32, #tpu.memory_space<vmem_shared>>)
      tpu.yield
    }) : () -> ()
    %barrier3A = arith.constant 0 : index
    tpu.barrier barrier_id(%barrier3A)
    %mul3A_12 = arith.constant 16 : i32
    %mul3A_13 = arith.muli %arg0, %mul3A_12 : i32
    %add3A = arith.addi %mul3A_13, %arg1 : i32
    %mul3A_14 = arith.constant 10000 : i32
    %mul3A_15 = arith.muli %add3A, %mul3A_14 : i32
    %scan3A_16 = arith.constant 0 : i32
    %scan3A_17 = arith.constant 0 : i32
    %scan3A_18 = arith.constant 125 : i32
    %scan3A_19 = arith.addi %scan3A_17, %scan3A_18 : i32
    %scan3A_20 = arith.constant 1 : i32
    scf.for %scan3A_30 = %scan3A_17 to %scan3A_19 step %scan3A_20  : i32 {
      %mul3A_31 = arith.constant 80 : i32
      %mul3A_32 = arith.muli %scan3A_30, %mul3A_31 : i32
      %add3A_33 = arith.addi %mul3A_15, %mul3A_32 : i32
      %multiple_of3A = tpu.assume_multiple %add3A_33, 8 : i32
      "tpu.region"() ({
        %run_scoped3A = tpu.sem_alloc : memref<!tpu.dma_semaphore, #tpu.memory_space<semaphore_mem>>
        %dma_start3A = tpu.memref_slice %arg2[%multiple_of3A] : memref<320000xi32, #tpu.memory_space<hbm>> -> memref<80xi32, #tpu.memory_space<hbm>>
        %dma_start3A_34 = tpu.memref_slice %arg2[%multiple_of3A] : memref<320000xi32, #tpu.memory_space<hbm>> -> memref<80xi32, #tpu.memory_space<hbm>>
        tpu.enqueue_dma source(%dma_start3A_34 : memref<80xi32, #tpu.memory_space<hbm>>) target(%arg6 : memref<80xi32, #tpu.memory_space<vmem>>) target_semaphore(%run_scoped3A : memref<!tpu.dma_semaphore, #tpu.memory_space<semaphore_mem>>)
        %dma_wait3A = tpu.memref_slice %arg2[%multiple_of3A] : memref<320000xi32, #tpu.memory_space<hbm>> -> memref<80xi32, #tpu.memory_space<hbm>>
        %dma_wait3A_35 = tpu.memref_slice %arg2[%multiple_of3A] : memref<320000xi32, #tpu.memory_space<hbm>> -> memref<80xi32, #tpu.memory_space<hbm>>
        tpu.wait_dma2 semaphore(%run_scoped3A : memref<!tpu.dma_semaphore, #tpu.memory_space<semaphore_mem>>) src(%dma_wait3A_35 : memref<80xi32, #tpu.memory_space<hbm>>) dst(%arg6 : memref<80xi32, #tpu.memory_space<vmem>>)
        tpu.yield
      }) : () -> ()
      "tpu.region"() ({
        %run_scoped3A = tpu.sem_alloc : memref<!tpu.dma_semaphore, #tpu.memory_space<semaphore_mem>>
        %dma_start3A = arith.constant 0 : i32
        %dma_start3A_34 = arith.constant 0 : i32
        %dma_start3A_35 = tpu.memref_slice %arg5[%dma_start3A, %dma_start3A_34] : memref<10240x16xf32, #tpu.memory_space<vmem_shared>> -> memref<10240x16xf32, #tpu.memory_space<vmem_shared>>
        tpu.enqueue_indirect_dma source(%arg7 : memref<80x16xf32, #tpu.memory_space<vmem>>) target(%dma_start3A_35 : memref<10240x16xf32, #tpu.memory_space<vmem_shared>>) offsets(%arg6 : memref<80xi32, #tpu.memory_space<vmem>>) semaphore(%run_scoped3A : memref<!tpu.dma_semaphore, #tpu.memory_space<semaphore_mem>>) {add = true}
        %dma_wait3A = arith.constant 0 : i32
        %dma_wait3A_36 = arith.constant 0 : i32
        %dma_wait3A_37 = tpu.memref_slice %arg5[%dma_wait3A, %dma_wait3A_36] : memref<10240x16xf32, #tpu.memory_space<vmem_shared>> -> memref<10240x16xf32, #tpu.memory_space<vmem_shared>>
        tpu.wait_indirect_dma semaphore(%run_scoped3A : memref<!tpu.dma_semaphore, #tpu.memory_space<semaphore_mem>>) src(%arg7 : memref<80x16xf32, #tpu.memory_space<vmem>>) dst(%dma_wait3A_37 : memref<10240x16xf32, #tpu.memory_space<vmem_shared>>)
        tpu.yield
      }) : () -> ()
    }
    %scan3A_21 = arith.constant 125 : i32
    %barrier3A_22 = arith.constant 0 : index
    tpu.barrier barrier_id(%barrier3A_22)
    %eq3A = arith.constant 0 : i32
    %eq3A_23 = arith.cmpi eq, %arg0, %eq3A : i32
    %convert_element_type3A = arith.extui %eq3A_23 : i1 to i32
    %cond3A = arith.constant 0 : i32
    %cond3A_24 = arith.cmpi ne, %convert_element_type3A, %cond3A : i32
    scf.if %cond3A_24 {
      "tpu.region"() ({
        %run_scoped3A = tpu.sem_alloc : memref<!tpu.dma_semaphore, #tpu.memory_space<semaphore_mem>>
        %dma_start3A = arith.constant 0 : i32
        %dma_start3A_30 = tpu.memref_slice %arg3[%mul3A_0, %dma_start3A] : memref<10240x16xf32, #tpu.memory_space<hbm>> -> memref<640x16xf32, #tpu.memory_space<hbm>>
        %dma_start3A_31 = arith.constant 0 : i32
        %dma_start3A_32 = tpu.memref_slice %arg5[%mul3A_0, %dma_start3A_31] : memref<10240x16xf32, #tpu.memory_space<vmem_shared>> -> memref<640x16xf32, #tpu.memory_space<vmem_shared>>
        tpu.enqueue_dma source(%dma_start3A_32 : memref<640x16xf32, #tpu.memory_space<vmem_shared>>) target(%dma_start3A_30 : memref<640x16xf32, #tpu.memory_space<hbm>>) target_semaphore(%run_scoped3A : memref<!tpu.dma_semaphore, #tpu.memory_space<semaphore_mem>>)
        %dma_wait3A = arith.constant 0 : i32
        %dma_wait3A_33 = tpu.memref_slice %arg3[%mul3A_0, %dma_wait3A] : memref<10240x16xf32, #tpu.memory_space<hbm>> -> memref<640x16xf32, #tpu.memory_space<hbm>>
        %dma_wait3A_34 = arith.constant 0 : i32
        %dma_wait3A_35 = tpu.memref_slice %arg5[%mul3A_0, %dma_wait3A_34] : memref<10240x16xf32, #tpu.memory_space<vmem_shared>> -> memref<640x16xf32, #tpu.memory_space<vmem_shared>>
        tpu.wait_dma2 semaphore(%run_scoped3A : memref<!tpu.dma_semaphore, #tpu.memory_space<semaphore_mem>>) src(%dma_wait3A_35 : memref<640x16xf32, #tpu.memory_space<vmem_shared>>) dst(%dma_wait3A_33 : memref<640x16xf32, #tpu.memory_space<hbm>>)
        tpu.yield
      }) : () -> ()
    } else {
    }
    %eq3A_25 = arith.constant 1 : i32
    %eq3A_26 = arith.cmpi eq, %arg0, %eq3A_25 : i32
    %convert_element_type3A_27 = arith.extui %eq3A_26 : i1 to i32
    %cond3A_28 = arith.constant 0 : i32
    %cond3A_29 = arith.cmpi ne, %convert_element_type3A_27, %cond3A_28 : i32
    scf.if %cond3A_29 {
      "tpu.region"() ({
        %run_scoped3A = tpu.sem_alloc : memref<!tpu.dma_semaphore, #tpu.memory_space<semaphore_mem>>
        %dma_start3A = arith.constant 0 : i32
        %dma_start3A_30 = tpu.memref_slice %arg4[%mul3A_0, %dma_start3A] : memref<10240x16xf32, #tpu.memory_space<hbm>> -> memref<640x16xf32, #tpu.memory_space<hbm>>
        %dma_start3A_31 = arith.constant 0 : i32
        %dma_start3A_32 = tpu.memref_slice %arg5[%mul3A_0, %dma_start3A_31] : memref<10240x16xf32, #tpu.memory_space<vmem_shared>> -> memref<640x16xf32, #tpu.memory_space<vmem_shared>>
        tpu.enqueue_dma source(%dma_start3A_32 : memref<640x16xf32, #tpu.memory_space<vmem_shared>>) target(%dma_start3A_30 : memref<640x16xf32, #tpu.memory_space<hbm>>) target_semaphore(%run_scoped3A : memref<!tpu.dma_semaphore, #tpu.memory_space<semaphore_mem>>)
        %dma_wait3A = arith.constant 0 : i32
        %dma_wait3A_33 = tpu.memref_slice %arg4[%mul3A_0, %dma_wait3A] : memref<10240x16xf32, #tpu.memory_space<hbm>> -> memref<640x16xf32, #tpu.memory_space<hbm>>
        %dma_wait3A_34 = arith.constant 0 : i32
        %dma_wait3A_35 = tpu.memref_slice %arg5[%mul3A_0, %dma_wait3A_34] : memref<10240x16xf32, #tpu.memory_space<vmem_shared>> -> memref<640x16xf32, #tpu.memory_space<vmem_shared>>
        tpu.wait_dma2 semaphore(%run_scoped3A : memref<!tpu.dma_semaphore, #tpu.memory_space<semaphore_mem>>) src(%dma_wait3A_35 : memref<640x16xf32, #tpu.memory_space<vmem_shared>>) dst(%dma_wait3A_33 : memref<640x16xf32, #tpu.memory_space<hbm>>)
        tpu.yield
      }) : () -> ()
    } else {
    }
    return
  }
}

#map = affine_map<(d0, d1) -> (0, 0)>
#map1 = affine_map<(d0, d1) -> (0, 0, 0, 0)>
module attributes {stable_mosaic.version = 14 : i64} {
  func.func @_agg_body(%arg0: i32, %arg1: i32, %arg2: memref<10000x128xf32, #tpu.memory_space<hbm>>, %arg3: memref<32x42x3x80xi32, #tpu.memory_space<hbm>>, %arg4: memref<32x42x3x80xi32, #tpu.memory_space<hbm>>, %arg5: memref<10240x128xf32, #tpu.memory_space<hbm>>, %arg6: memref<10240x128xf32, #tpu.memory_space<hbm>>, %arg7: memref<10240x128xf32, #tpu.memory_space<vmem_shared>>, %arg8: memref<2x3x80xi32, #tpu.memory_space<vmem>>, %arg9: memref<2x3x80xi32, #tpu.memory_space<vmem>>, %arg10: memref<80x128xf32, #tpu.memory_space<vmem>>, %arg11: memref<80x128xf32, #tpu.memory_space<vmem>>, %arg12: memref<80x128xf32, #tpu.memory_space<vmem>>, %arg13: memref<128x128xf32, #tpu.memory_space<vmem>>, %arg14: memref<!tpu.dma_semaphore, #tpu.memory_space<semaphore_mem>>, %arg15: memref<!tpu.dma_semaphore, #tpu.memory_space<semaphore_mem>>) attributes {dimension_semantics = [#tpu.dimension_semantics<core_parallel>, #tpu.dimension_semantics<subcore_parallel>], iteration_bounds = array<i64: 2, 16>, scalar_prefetch = 0 : i64, scratch_operands = 9 : i64, tpu.core_type = #tpu.core_type<sc_vector_subcore>, window_params = [{transform_indices = #map}, {transform_indices = #map1}, {transform_indices = #map1}, {transform_indices = #map}, {transform_indices = #map}]} {
    %mul3A = arith.constant 640 : i32
    %mul3A_0 = arith.muli %arg1, %mul3A : i32
    %mul3A_1 = arith.constant 16 : i32
    %mul3A_2 = arith.muli %arg0, %mul3A_1 : i32
    %add3A = arith.addi %mul3A_2, %arg1 : i32
    %dma_start3A = arith.constant 0 : i32
    %dma_start3A_3 = arith.constant 0 : i32
    %dma_start3A_4 = arith.constant 0 : i32
    %dma_start3A_5 = arith.constant 0 : i32
    %dma_start3A_6 = tpu.memref_slice %arg8[%dma_start3A_3, %dma_start3A_4, %dma_start3A_5] : memref<2x3x80xi32, #tpu.memory_space<vmem>> -> memref<1x3x80xi32, #tpu.memory_space<vmem>>
    %dma_start3A_7 = tpu.memref_squeeze %dma_start3A_6 : memref<1x3x80xi32, #tpu.memory_space<vmem>> -> memref<3x80xi32, #tpu.memory_space<vmem>>
    %dma_start3A_8 = arith.constant 0 : i32
    %dma_start3A_9 = arith.constant 0 : i32
    %dma_start3A_10 = tpu.memref_slice %arg3[%add3A, %dma_start3A, %dma_start3A_8, %dma_start3A_9] : memref<32x42x3x80xi32, #tpu.memory_space<hbm>> -> memref<1x1x3x80xi32, #tpu.memory_space<hbm>>
    %dma_start3A_11 = tpu.memref_squeeze %dma_start3A_10 : memref<1x1x3x80xi32, #tpu.memory_space<hbm>> -> memref<3x80xi32, #tpu.memory_space<hbm>>
    %dma_start3A_12 = arith.constant 0 : i32
    %dma_start3A_13 = arith.constant 0 : i32
    %dma_start3A_14 = tpu.memref_slice %arg8[%dma_start3A_3, %dma_start3A_12, %dma_start3A_13] : memref<2x3x80xi32, #tpu.memory_space<vmem>> -> memref<1x3x80xi32, #tpu.memory_space<vmem>>
    %dma_start3A_15 = tpu.memref_squeeze %dma_start3A_14 : memref<1x3x80xi32, #tpu.memory_space<vmem>> -> memref<3x80xi32, #tpu.memory_space<vmem>>
    %dma_start3A_16 = arith.constant 0 : i32
    %dma_start3A_17 = arith.constant 0 : i32
    %dma_start3A_18 = tpu.memref_slice %arg3[%add3A, %dma_start3A, %dma_start3A_16, %dma_start3A_17] : memref<32x42x3x80xi32, #tpu.memory_space<hbm>> -> memref<1x1x3x80xi32, #tpu.memory_space<hbm>>
    %dma_start3A_19 = tpu.memref_squeeze %dma_start3A_18 : memref<1x1x3x80xi32, #tpu.memory_space<hbm>> -> memref<3x80xi32, #tpu.memory_space<hbm>>
    tpu.enqueue_dma source(%dma_start3A_19 : memref<3x80xi32, #tpu.memory_space<hbm>>) target(%dma_start3A_15 : memref<3x80xi32, #tpu.memory_space<vmem>>) target_semaphore(%arg15 : memref<!tpu.dma_semaphore, #tpu.memory_space<semaphore_mem>>)
    %dma_start3A_20 = arith.constant 0 : i32
    %dma_start3A_21 = arith.constant 0 : i32
    %dma_start3A_22 = arith.constant 0 : i32
    %dma_start3A_23 = arith.constant 0 : i32
    %dma_start3A_24 = tpu.memref_slice %arg9[%dma_start3A_21, %dma_start3A_22, %dma_start3A_23] : memref<2x3x80xi32, #tpu.memory_space<vmem>> -> memref<1x3x80xi32, #tpu.memory_space<vmem>>
    %dma_start3A_25 = tpu.memref_squeeze %dma_start3A_24 : memref<1x3x80xi32, #tpu.memory_space<vmem>> -> memref<3x80xi32, #tpu.memory_space<vmem>>
    %dma_start3A_26 = arith.constant 0 : i32
    %dma_start3A_27 = arith.constant 0 : i32
    %dma_start3A_28 = tpu.memref_slice %arg4[%add3A, %dma_start3A_20, %dma_start3A_26, %dma_start3A_27] : memref<32x42x3x80xi32, #tpu.memory_space<hbm>> -> memref<1x1x3x80xi32, #tpu.memory_space<hbm>>
    %dma_start3A_29 = tpu.memref_squeeze %dma_start3A_28 : memref<1x1x3x80xi32, #tpu.memory_space<hbm>> -> memref<3x80xi32, #tpu.memory_space<hbm>>
    %dma_start3A_30 = arith.constant 0 : i32
    %dma_start3A_31 = arith.constant 0 : i32
    %dma_start3A_32 = tpu.memref_slice %arg9[%dma_start3A_21, %dma_start3A_30, %dma_start3A_31] : memref<2x3x80xi32, #tpu.memory_space<vmem>> -> memref<1x3x80xi32, #tpu.memory_space<vmem>>
    %dma_start3A_33 = tpu.memref_squeeze %dma_start3A_32 : memref<1x3x80xi32, #tpu.memory_space<vmem>> -> memref<3x80xi32, #tpu.memory_space<vmem>>
    %dma_start3A_34 = arith.constant 0 : i32
    %dma_start3A_35 = arith.constant 0 : i32
    %dma_start3A_36 = tpu.memref_slice %arg4[%add3A, %dma_start3A_20, %dma_start3A_34, %dma_start3A_35] : memref<32x42x3x80xi32, #tpu.memory_space<hbm>> -> memref<1x1x3x80xi32, #tpu.memory_space<hbm>>
    %dma_start3A_37 = tpu.memref_squeeze %dma_start3A_36 : memref<1x1x3x80xi32, #tpu.memory_space<hbm>> -> memref<3x80xi32, #tpu.memory_space<hbm>>
    tpu.enqueue_dma source(%dma_start3A_37 : memref<3x80xi32, #tpu.memory_space<hbm>>) target(%dma_start3A_33 : memref<3x80xi32, #tpu.memory_space<vmem>>) target_semaphore(%arg15 : memref<!tpu.dma_semaphore, #tpu.memory_space<semaphore_mem>>)
    %scan3A = arith.constant 0 : i32
    %scan3A_38 = arith.constant 0 : i32
    %scan3A_39 = arith.constant 128 : i32
    %scan3A_40 = arith.addi %scan3A_38, %scan3A_39 : i32
    %scan3A_41 = arith.constant 1 : i32
    scf.for %scan3A_102 = %scan3A_38 to %scan3A_40 step %scan3A_41  : i32 {
      %broadcast_in_dim3A = arith.constant 0.000000e+00 : f32
      %broadcast_in_dim3A_103 = vector.broadcast %broadcast_in_dim3A : f32 to vector<16xf32>
      %swap3A = arith.index_cast %scan3A_102 : i32 to index
      %swap3A_104 = arith.constant 0 : index
      %swap3A_105 = tpu.vector_load %arg13[%swap3A, %swap3A_104] {strides = array<i32>} : memref<128x128xf32, #tpu.memory_space<vmem>>, vector<1x16xf32>,
      %swap3A_106 = vector.shape_cast %swap3A_105 : vector<1x16xf32> to vector<16xf32>
      %swap3A_107 = vector.shape_cast %broadcast_in_dim3A_103 : vector<16xf32> to vector<1x16xf32>
      tpu.vector_store %arg13[%swap3A, %swap3A_104], %swap3A_107 {strides = array<i32>} : memref<128x128xf32, #tpu.memory_space<vmem>>, vector<1x16xf32>,
      %broadcast_in_dim3A_108 = arith.constant 0.000000e+00 : f32
      %broadcast_in_dim3A_109 = vector.broadcast %broadcast_in_dim3A_108 : f32 to vector<16xf32>
      %swap3A_110 = arith.index_cast %scan3A_102 : i32 to index
      %swap3A_111 = arith.constant 16 : index
      %swap3A_112 = tpu.vector_load %arg13[%swap3A_110, %swap3A_111] {strides = array<i32>} : memref<128x128xf32, #tpu.memory_space<vmem>>, vector<1x16xf32>,
      %swap3A_113 = vector.shape_cast %swap3A_112 : vector<1x16xf32> to vector<16xf32>
      %swap3A_114 = vector.shape_cast %broadcast_in_dim3A_109 : vector<16xf32> to vector<1x16xf32>
      tpu.vector_store %arg13[%swap3A_110, %swap3A_111], %swap3A_114 {strides = array<i32>} : memref<128x128xf32, #tpu.memory_space<vmem>>, vector<1x16xf32>,
      %broadcast_in_dim3A_115 = arith.constant 0.000000e+00 : f32
      %broadcast_in_dim3A_116 = vector.broadcast %broadcast_in_dim3A_115 : f32 to vector<16xf32>
      %swap3A_117 = arith.index_cast %scan3A_102 : i32 to index
      %swap3A_118 = arith.constant 32 : index
      %swap3A_119 = tpu.vector_load %arg13[%swap3A_117, %swap3A_118] {strides = array<i32>} : memref<128x128xf32, #tpu.memory_space<vmem>>, vector<1x16xf32>,
      %swap3A_120 = vector.shape_cast %swap3A_119 : vector<1x16xf32> to vector<16xf32>
      %swap3A_121 = vector.shape_cast %broadcast_in_dim3A_116 : vector<16xf32> to vector<1x16xf32>
      tpu.vector_store %arg13[%swap3A_117, %swap3A_118], %swap3A_121 {strides = array<i32>} : memref<128x128xf32, #tpu.memory_space<vmem>>, vector<1x16xf32>,
      %broadcast_in_dim3A_122 = arith.constant 0.000000e+00 : f32
      %broadcast_in_dim3A_123 = vector.broadcast %broadcast_in_dim3A_122 : f32 to vector<16xf32>
      %swap3A_124 = arith.index_cast %scan3A_102 : i32 to index
      %swap3A_125 = arith.constant 48 : index
      %swap3A_126 = tpu.vector_load %arg13[%swap3A_124, %swap3A_125] {strides = array<i32>} : memref<128x128xf32, #tpu.memory_space<vmem>>, vector<1x16xf32>,
      %swap3A_127 = vector.shape_cast %swap3A_126 : vector<1x16xf32> to vector<16xf32>
      %swap3A_128 = vector.shape_cast %broadcast_in_dim3A_123 : vector<16xf32> to vector<1x16xf32>
      tpu.vector_store %arg13[%swap3A_124, %swap3A_125], %swap3A_128 {strides = array<i32>} : memref<128x128xf32, #tpu.memory_space<vmem>>, vector<1x16xf32>,
      %broadcast_in_dim3A_129 = arith.constant 0.000000e+00 : f32
      %broadcast_in_dim3A_130 = vector.broadcast %broadcast_in_dim3A_129 : f32 to vector<16xf32>
      %swap3A_131 = arith.index_cast %scan3A_102 : i32 to index
      %swap3A_132 = arith.constant 64 : index
      %swap3A_133 = tpu.vector_load %arg13[%swap3A_131, %swap3A_132] {strides = array<i32>} : memref<128x128xf32, #tpu.memory_space<vmem>>, vector<1x16xf32>,
      %swap3A_134 = vector.shape_cast %swap3A_133 : vector<1x16xf32> to vector<16xf32>
      %swap3A_135 = vector.shape_cast %broadcast_in_dim3A_130 : vector<16xf32> to vector<1x16xf32>
      tpu.vector_store %arg13[%swap3A_131, %swap3A_132], %swap3A_135 {strides = array<i32>} : memref<128x128xf32, #tpu.memory_space<vmem>>, vector<1x16xf32>,
      %broadcast_in_dim3A_136 = arith.constant 0.000000e+00 : f32
      %broadcast_in_dim3A_137 = vector.broadcast %broadcast_in_dim3A_136 : f32 to vector<16xf32>
      %swap3A_138 = arith.index_cast %scan3A_102 : i32 to index
      %swap3A_139 = arith.constant 80 : index
      %swap3A_140 = tpu.vector_load %arg13[%swap3A_138, %swap3A_139] {strides = array<i32>} : memref<128x128xf32, #tpu.memory_space<vmem>>, vector<1x16xf32>,
      %swap3A_141 = vector.shape_cast %swap3A_140 : vector<1x16xf32> to vector<16xf32>
      %swap3A_142 = vector.shape_cast %broadcast_in_dim3A_137 : vector<16xf32> to vector<1x16xf32>
      tpu.vector_store %arg13[%swap3A_138, %swap3A_139], %swap3A_142 {strides = array<i32>} : memref<128x128xf32, #tpu.memory_space<vmem>>, vector<1x16xf32>,
      %broadcast_in_dim3A_143 = arith.constant 0.000000e+00 : f32
      %broadcast_in_dim3A_144 = vector.broadcast %broadcast_in_dim3A_143 : f32 to vector<16xf32>
      %swap3A_145 = arith.index_cast %scan3A_102 : i32 to index
      %swap3A_146 = arith.constant 96 : index
      %swap3A_147 = tpu.vector_load %arg13[%swap3A_145, %swap3A_146] {strides = array<i32>} : memref<128x128xf32, #tpu.memory_space<vmem>>, vector<1x16xf32>,
      %swap3A_148 = vector.shape_cast %swap3A_147 : vector<1x16xf32> to vector<16xf32>
      %swap3A_149 = vector.shape_cast %broadcast_in_dim3A_144 : vector<16xf32> to vector<1x16xf32>
      tpu.vector_store %arg13[%swap3A_145, %swap3A_146], %swap3A_149 {strides = array<i32>} : memref<128x128xf32, #tpu.memory_space<vmem>>, vector<1x16xf32>,
      %broadcast_in_dim3A_150 = arith.constant 0.000000e+00 : f32
      %broadcast_in_dim3A_151 = vector.broadcast %broadcast_in_dim3A_150 : f32 to vector<16xf32>
      %swap3A_152 = arith.index_cast %scan3A_102 : i32 to index
      %swap3A_153 = arith.constant 112 : index
      %swap3A_154 = tpu.vector_load %arg13[%swap3A_152, %swap3A_153] {strides = array<i32>} : memref<128x128xf32, #tpu.memory_space<vmem>>, vector<1x16xf32>,
      %swap3A_155 = vector.shape_cast %swap3A_154 : vector<1x16xf32> to vector<16xf32>
      %swap3A_156 = vector.shape_cast %broadcast_in_dim3A_151 : vector<16xf32> to vector<1x16xf32>
      tpu.vector_store %arg13[%swap3A_152, %swap3A_153], %swap3A_156 {strides = array<i32>} : memref<128x128xf32, #tpu.memory_space<vmem>>, vector<1x16xf32>,
    }
    %scan3A_42 = arith.constant 128 : i32
    %add3A_43 = arith.constant 0 : i32
    %add3A_44 = arith.addi %mul3A_0, %add3A_43 : i32
    "tpu.region"() ({
      %run_scoped3A = tpu.sem_alloc : memref<!tpu.dma_semaphore, #tpu.memory_space<semaphore_mem>>
      %dma_start3A_102 = arith.constant 0 : i32
      %dma_start3A_103 = tpu.memref_slice %arg7[%add3A_44, %dma_start3A_102] : memref<10240x128xf32, #tpu.memory_space<vmem_shared>> -> memref<128x128xf32, #tpu.memory_space<vmem_shared>>
      %dma_start3A_104 = arith.constant 0 : i32
      %dma_start3A_105 = tpu.memref_slice %arg7[%add3A_44, %dma_start3A_104] : memref<10240x128xf32, #tpu.memory_space<vmem_shared>> -> memref<128x128xf32, #tpu.memory_space<vmem_shared>>
      tpu.enqueue_dma source(%arg13 : memref<128x128xf32, #tpu.memory_space<vmem>>) target(%dma_start3A_105 : memref<128x128xf32, #tpu.memory_space<vmem_shared>>) target_semaphore(%run_scoped3A : memref<!tpu.dma_semaphore, #tpu.memory_space<semaphore_mem>>)
      %dma_wait3A_106 = arith.constant 0 : i32
      %dma_wait3A_107 = tpu.memref_slice %arg7[%add3A_44, %dma_wait3A_106] : memref<10240x128xf32, #tpu.memory_space<vmem_shared>> -> memref<128x128xf32, #tpu.memory_space<vmem_shared>>
      %dma_wait3A_108 = arith.constant 0 : i32
      %dma_wait3A_109 = tpu.memref_slice %arg7[%add3A_44, %dma_wait3A_108] : memref<10240x128xf32, #tpu.memory_space<vmem_shared>> -> memref<128x128xf32, #tpu.memory_space<vmem_shared>>
      tpu.wait_dma2 semaphore(%run_scoped3A : memref<!tpu.dma_semaphore, #tpu.memory_space<semaphore_mem>>) src(%arg13 : memref<128x128xf32, #tpu.memory_space<vmem>>) dst(%dma_wait3A_109 : memref<128x128xf32, #tpu.memory_space<vmem_shared>>)
      tpu.yield
    }) : () -> ()
    %add3A_45 = arith.constant 128 : i32
    %add3A_46 = arith.addi %mul3A_0, %add3A_45 : i32
    "tpu.region"() ({
      %run_scoped3A = tpu.sem_alloc : memref<!tpu.dma_semaphore, #tpu.memory_space<semaphore_mem>>
      %dma_start3A_102 = arith.constant 0 : i32
      %dma_start3A_103 = tpu.memref_slice %arg7[%add3A_46, %dma_start3A_102] : memref<10240x128xf32, #tpu.memory_space<vmem_shared>> -> memref<128x128xf32, #tpu.memory_space<vmem_shared>>
      %dma_start3A_104 = arith.constant 0 : i32
      %dma_start3A_105 = tpu.memref_slice %arg7[%add3A_46, %dma_start3A_104] : memref<10240x128xf32, #tpu.memory_space<vmem_shared>> -> memref<128x128xf32, #tpu.memory_space<vmem_shared>>
      tpu.enqueue_dma source(%arg13 : memref<128x128xf32, #tpu.memory_space<vmem>>) target(%dma_start3A_105 : memref<128x128xf32, #tpu.memory_space<vmem_shared>>) target_semaphore(%run_scoped3A : memref<!tpu.dma_semaphore, #tpu.memory_space<semaphore_mem>>)
      %dma_wait3A_106 = arith.constant 0 : i32
      %dma_wait3A_107 = tpu.memref_slice %arg7[%add3A_46, %dma_wait3A_106] : memref<10240x128xf32, #tpu.memory_space<vmem_shared>> -> memref<128x128xf32, #tpu.memory_space<vmem_shared>>
      %dma_wait3A_108 = arith.constant 0 : i32
      %dma_wait3A_109 = tpu.memref_slice %arg7[%add3A_46, %dma_wait3A_108] : memref<10240x128xf32, #tpu.memory_space<vmem_shared>> -> memref<128x128xf32, #tpu.memory_space<vmem_shared>>
      tpu.wait_dma2 semaphore(%run_scoped3A : memref<!tpu.dma_semaphore, #tpu.memory_space<semaphore_mem>>) src(%arg13 : memref<128x128xf32, #tpu.memory_space<vmem>>) dst(%dma_wait3A_109 : memref<128x128xf32, #tpu.memory_space<vmem_shared>>)
      tpu.yield
    }) : () -> ()
    %add3A_47 = arith.constant 256 : i32
    %add3A_48 = arith.addi %mul3A_0, %add3A_47 : i32
    "tpu.region"() ({
      %run_scoped3A = tpu.sem_alloc : memref<!tpu.dma_semaphore, #tpu.memory_space<semaphore_mem>>
      %dma_start3A_102 = arith.constant 0 : i32
      %dma_start3A_103 = tpu.memref_slice %arg7[%add3A_48, %dma_start3A_102] : memref<10240x128xf32, #tpu.memory_space<vmem_shared>> -> memref<128x128xf32, #tpu.memory_space<vmem_shared>>
      %dma_start3A_104 = arith.constant 0 : i32
      %dma_start3A_105 = tpu.memref_slice %arg7[%add3A_48, %dma_start3A_104] : memref<10240x128xf32, #tpu.memory_space<vmem_shared>> -> memref<128x128xf32, #tpu.memory_space<vmem_shared>>
      tpu.enqueue_dma source(%arg13 : memref<128x128xf32, #tpu.memory_space<vmem>>) target(%dma_start3A_105 : memref<128x128xf32, #tpu.memory_space<vmem_shared>>) target_semaphore(%run_scoped3A : memref<!tpu.dma_semaphore, #tpu.memory_space<semaphore_mem>>)
      %dma_wait3A_106 = arith.constant 0 : i32
      %dma_wait3A_107 = tpu.memref_slice %arg7[%add3A_48, %dma_wait3A_106] : memref<10240x128xf32, #tpu.memory_space<vmem_shared>> -> memref<128x128xf32, #tpu.memory_space<vmem_shared>>
      %dma_wait3A_108 = arith.constant 0 : i32
      %dma_wait3A_109 = tpu.memref_slice %arg7[%add3A_48, %dma_wait3A_108] : memref<10240x128xf32, #tpu.memory_space<vmem_shared>> -> memref<128x128xf32, #tpu.memory_space<vmem_shared>>
      tpu.wait_dma2 semaphore(%run_scoped3A : memref<!tpu.dma_semaphore, #tpu.memory_space<semaphore_mem>>) src(%arg13 : memref<128x128xf32, #tpu.memory_space<vmem>>) dst(%dma_wait3A_109 : memref<128x128xf32, #tpu.memory_space<vmem_shared>>)
      tpu.yield
    }) : () -> ()
    %add3A_49 = arith.constant 384 : i32
    %add3A_50 = arith.addi %mul3A_0, %add3A_49 : i32
    "tpu.region"() ({
      %run_scoped3A = tpu.sem_alloc : memref<!tpu.dma_semaphore, #tpu.memory_space<semaphore_mem>>
      %dma_start3A_102 = arith.constant 0 : i32
      %dma_start3A_103 = tpu.memref_slice %arg7[%add3A_50, %dma_start3A_102] : memref<10240x128xf32, #tpu.memory_space<vmem_shared>> -> memref<128x128xf32, #tpu.memory_space<vmem_shared>>
      %dma_start3A_104 = arith.constant 0 : i32
      %dma_start3A_105 = tpu.memref_slice %arg7[%add3A_50, %dma_start3A_104] : memref<10240x128xf32, #tpu.memory_space<vmem_shared>> -> memref<128x128xf32, #tpu.memory_space<vmem_shared>>
      tpu.enqueue_dma source(%arg13 : memref<128x128xf32, #tpu.memory_space<vmem>>) target(%dma_start3A_105 : memref<128x128xf32, #tpu.memory_space<vmem_shared>>) target_semaphore(%run_scoped3A : memref<!tpu.dma_semaphore, #tpu.memory_space<semaphore_mem>>)
      %dma_wait3A_106 = arith.constant 0 : i32
      %dma_wait3A_107 = tpu.memref_slice %arg7[%add3A_50, %dma_wait3A_106] : memref<10240x128xf32, #tpu.memory_space<vmem_shared>> -> memref<128x128xf32, #tpu.memory_space<vmem_shared>>
      %dma_wait3A_108 = arith.constant 0 : i32
      %dma_wait3A_109 = tpu.memref_slice %arg7[%add3A_50, %dma_wait3A_108] : memref<10240x128xf32, #tpu.memory_space<vmem_shared>> -> memref<128x128xf32, #tpu.memory_space<vmem_shared>>
      tpu.wait_dma2 semaphore(%run_scoped3A : memref<!tpu.dma_semaphore, #tpu.memory_space<semaphore_mem>>) src(%arg13 : memref<128x128xf32, #tpu.memory_space<vmem>>) dst(%dma_wait3A_109 : memref<128x128xf32, #tpu.memory_space<vmem_shared>>)
      tpu.yield
    }) : () -> ()
    %add3A_51 = arith.constant 512 : i32
    %add3A_52 = arith.addi %mul3A_0, %add3A_51 : i32
    "tpu.region"() ({
      %run_scoped3A = tpu.sem_alloc : memref<!tpu.dma_semaphore, #tpu.memory_space<semaphore_mem>>
      %dma_start3A_102 = arith.constant 0 : i32
      %dma_start3A_103 = tpu.memref_slice %arg7[%add3A_52, %dma_start3A_102] : memref<10240x128xf32, #tpu.memory_space<vmem_shared>> -> memref<128x128xf32, #tpu.memory_space<vmem_shared>>
      %dma_start3A_104 = arith.constant 0 : i32
      %dma_start3A_105 = tpu.memref_slice %arg7[%add3A_52, %dma_start3A_104] : memref<10240x128xf32, #tpu.memory_space<vmem_shared>> -> memref<128x128xf32, #tpu.memory_space<vmem_shared>>
      tpu.enqueue_dma source(%arg13 : memref<128x128xf32, #tpu.memory_space<vmem>>) target(%dma_start3A_105 : memref<128x128xf32, #tpu.memory_space<vmem_shared>>) target_semaphore(%run_scoped3A : memref<!tpu.dma_semaphore, #tpu.memory_space<semaphore_mem>>)
      %dma_wait3A_106 = arith.constant 0 : i32
      %dma_wait3A_107 = tpu.memref_slice %arg7[%add3A_52, %dma_wait3A_106] : memref<10240x128xf32, #tpu.memory_space<vmem_shared>> -> memref<128x128xf32, #tpu.memory_space<vmem_shared>>
      %dma_wait3A_108 = arith.constant 0 : i32
      %dma_wait3A_109 = tpu.memref_slice %arg7[%add3A_52, %dma_wait3A_108] : memref<10240x128xf32, #tpu.memory_space<vmem_shared>> -> memref<128x128xf32, #tpu.memory_space<vmem_shared>>
      tpu.wait_dma2 semaphore(%run_scoped3A : memref<!tpu.dma_semaphore, #tpu.memory_space<semaphore_mem>>) src(%arg13 : memref<128x128xf32, #tpu.memory_space<vmem>>) dst(%dma_wait3A_109 : memref<128x128xf32, #tpu.memory_space<vmem_shared>>)
      tpu.yield
    }) : () -> ()
    %dma_wait3A = arith.constant 0 : i32
    %dma_wait3A_53 = arith.constant 0 : i32
    %dma_wait3A_54 = arith.constant 0 : i32
    %dma_wait3A_55 = arith.constant 0 : i32
    %dma_wait3A_56 = tpu.memref_slice %arg8[%dma_wait3A_53, %dma_wait3A_54, %dma_wait3A_55] : memref<2x3x80xi32, #tpu.memory_space<vmem>> -> memref<1x3x80xi32, #tpu.memory_space<vmem>>
    %dma_wait3A_57 = tpu.memref_squeeze %dma_wait3A_56 : memref<1x3x80xi32, #tpu.memory_space<vmem>> -> memref<3x80xi32, #tpu.memory_space<vmem>>
    %dma_wait3A_58 = arith.constant 0 : i32
    %dma_wait3A_59 = arith.constant 0 : i32
    %dma_wait3A_60 = tpu.memref_slice %arg3[%add3A, %dma_wait3A, %dma_wait3A_58, %dma_wait3A_59] : memref<32x42x3x80xi32, #tpu.memory_space<hbm>> -> memref<1x1x3x80xi32, #tpu.memory_space<hbm>>
    %dma_wait3A_61 = tpu.memref_squeeze %dma_wait3A_60 : memref<1x1x3x80xi32, #tpu.memory_space<hbm>> -> memref<3x80xi32, #tpu.memory_space<hbm>>
    %dma_wait3A_62 = arith.constant 0 : i32
    %dma_wait3A_63 = arith.constant 0 : i32
    %dma_wait3A_64 = tpu.memref_slice %arg8[%dma_wait3A_53, %dma_wait3A_62, %dma_wait3A_63] : memref<2x3x80xi32, #tpu.memory_space<vmem>> -> memref<1x3x80xi32, #tpu.memory_space<vmem>>
    %dma_wait3A_65 = tpu.memref_squeeze %dma_wait3A_64 : memref<1x3x80xi32, #tpu.memory_space<vmem>> -> memref<3x80xi32, #tpu.memory_space<vmem>>
    %dma_wait3A_66 = arith.constant 0 : i32
    %dma_wait3A_67 = arith.constant 0 : i32
    %dma_wait3A_68 = tpu.memref_slice %arg3[%add3A, %dma_wait3A, %dma_wait3A_66, %dma_wait3A_67] : memref<32x42x3x80xi32, #tpu.memory_space<hbm>> -> memref<1x1x3x80xi32, #tpu.memory_space<hbm>>
    %dma_wait3A_69 = tpu.memref_squeeze %dma_wait3A_68 : memref<1x1x3x80xi32, #tpu.memory_space<hbm>> -> memref<3x80xi32, #tpu.memory_space<hbm>>
    tpu.wait_dma2 semaphore(%arg15 : memref<!tpu.dma_semaphore, #tpu.memory_space<semaphore_mem>>) src(%dma_wait3A_69 : memref<3x80xi32, #tpu.memory_space<hbm>>) dst(%dma_wait3A_65 : memref<3x80xi32, #tpu.memory_space<vmem>>)
    %dma_wait3A_70 = arith.constant 0 : i32
    %dma_wait3A_71 = arith.constant 0 : i32
    %dma_wait3A_72 = arith.constant 0 : i32
    %dma_wait3A_73 = arith.constant 0 : i32
    %dma_wait3A_74 = tpu.memref_slice %arg9[%dma_wait3A_71, %dma_wait3A_72, %dma_wait3A_73] : memref<2x3x80xi32, #tpu.memory_space<vmem>> -> memref<1x3x80xi32, #tpu.memory_space<vmem>>
    %dma_wait3A_75 = tpu.memref_squeeze %dma_wait3A_74 : memref<1x3x80xi32, #tpu.memory_space<vmem>> -> memref<3x80xi32, #tpu.memory_space<vmem>>
    %dma_wait3A_76 = arith.constant 0 : i32
    %dma_wait3A_77 = arith.constant 0 : i32
    %dma_wait3A_78 = tpu.memref_slice %arg4[%add3A, %dma_wait3A_70, %dma_wait3A_76, %dma_wait3A_77] : memref<32x42x3x80xi32, #tpu.memory_space<hbm>> -> memref<1x1x3x80xi32, #tpu.memory_space<hbm>>
    %dma_wait3A_79 = tpu.memref_squeeze %dma_wait3A_78 : memref<1x1x3x80xi32, #tpu.memory_space<hbm>> -> memref<3x80xi32, #tpu.memory_space<hbm>>
    %dma_wait3A_80 = arith.constant 0 : i32
    %dma_wait3A_81 = arith.constant 0 : i32
    %dma_wait3A_82 = tpu.memref_slice %arg9[%dma_wait3A_71, %dma_wait3A_80, %dma_wait3A_81] : memref<2x3x80xi32, #tpu.memory_space<vmem>> -> memref<1x3x80xi32, #tpu.memory_space<vmem>>
    %dma_wait3A_83 = tpu.memref_squeeze %dma_wait3A_82 : memref<1x3x80xi32, #tpu.memory_space<vmem>> -> memref<3x80xi32, #tpu.memory_space<vmem>>
    %dma_wait3A_84 = arith.constant 0 : i32
    %dma_wait3A_85 = arith.constant 0 : i32
    %dma_wait3A_86 = tpu.memref_slice %arg4[%add3A, %dma_wait3A_70, %dma_wait3A_84, %dma_wait3A_85] : memref<32x42x3x80xi32, #tpu.memory_space<hbm>> -> memref<1x1x3x80xi32, #tpu.memory_space<hbm>>
    %dma_wait3A_87 = tpu.memref_squeeze %dma_wait3A_86 : memref<1x1x3x80xi32, #tpu.memory_space<hbm>> -> memref<3x80xi32, #tpu.memory_space<hbm>>
    tpu.wait_dma2 semaphore(%arg15 : memref<!tpu.dma_semaphore, #tpu.memory_space<semaphore_mem>>) src(%dma_wait3A_87 : memref<3x80xi32, #tpu.memory_space<hbm>>) dst(%dma_wait3A_83 : memref<3x80xi32, #tpu.memory_space<vmem>>)
    %barrier3A = arith.constant 0 : index
    tpu.barrier barrier_id(%barrier3A)
    %scan3A_88 = arith.constant 0 : i32
    %scan3A_89 = arith.constant 0 : i32
    %scan3A_90 = arith.constant 42 : i32
    %scan3A_91 = arith.addi %scan3A_89, %scan3A_90 : i32
    %scan3A_92 = arith.constant 1 : i32
    scf.for %scan3A_102 = %scan3A_89 to %scan3A_91 step %scan3A_92  : i32 {
      %rem3A = arith.constant 2 : i32
      %rem3A_103 = arith.remsi %scan3A_102, %rem3A : i32
      %add3A_104 = arith.constant 1 : i32
      %add3A_105 = arith.addi %scan3A_102, %add3A_104 : i32
      %lt3A = arith.constant 42 : i32
      %lt3A_106 = arith.cmpi slt, %add3A_105, %lt3A : i32
      %convert_element_type3A_107 = arith.extui %lt3A_106 : i1 to i32
      %cond3A_108 = arith.constant 0 : i32
      %cond3A_109 = arith.cmpi ne, %convert_element_type3A_107, %cond3A_108 : i32
      scf.if %cond3A_109 {
        %add3A_161 = arith.constant 1 : i32
        %add3A_162 = arith.addi %scan3A_102, %add3A_161 : i32
        %sub3A = arith.constant 1 : i32
        %sub3A_163 = arith.subi %sub3A, %rem3A_103 : i32
        %dma_start3A_164 = arith.constant 0 : i32
        %dma_start3A_165 = arith.constant 0 : i32
        %dma_start3A_166 = tpu.memref_slice %arg8[%sub3A_163, %dma_start3A_164, %dma_start3A_165] : memref<2x3x80xi32, #tpu.memory_space<vmem>> -> memref<1x3x80xi32, #tpu.memory_space<vmem>>
        %dma_start3A_167 = tpu.memref_squeeze %dma_start3A_166 : memref<1x3x80xi32, #tpu.memory_space<vmem>> -> memref<3x80xi32, #tpu.memory_space<vmem>>
        %dma_start3A_168 = arith.constant 0 : i32
        %dma_start3A_169 = arith.constant 0 : i32
        %dma_start3A_170 = tpu.memref_slice %arg3[%add3A, %add3A_162, %dma_start3A_168, %dma_start3A_169] : memref<32x42x3x80xi32, #tpu.memory_space<hbm>> -> memref<1x1x3x80xi32, #tpu.memory_space<hbm>>
        %dma_start3A_171 = tpu.memref_squeeze %dma_start3A_170 : memref<1x1x3x80xi32, #tpu.memory_space<hbm>> -> memref<3x80xi32, #tpu.memory_space<hbm>>
        %dma_start3A_172 = arith.constant 0 : i32
        %dma_start3A_173 = arith.constant 0 : i32
        %dma_start3A_174 = tpu.memref_slice %arg8[%sub3A_163, %dma_start3A_172, %dma_start3A_173] : memref<2x3x80xi32, #tpu.memory_space<vmem>> -> memref<1x3x80xi32, #tpu.memory_space<vmem>>
        %dma_start3A_175 = tpu.memref_squeeze %dma_start3A_174 : memref<1x3x80xi32, #tpu.memory_space<vmem>> -> memref<3x80xi32, #tpu.memory_space<vmem>>
        %dma_start3A_176 = arith.constant 0 : i32
        %dma_start3A_177 = arith.constant 0 : i32
        %dma_start3A_178 = tpu.memref_slice %arg3[%add3A, %add3A_162, %dma_start3A_176, %dma_start3A_177] : memref<32x42x3x80xi32, #tpu.memory_space<hbm>> -> memref<1x1x3x80xi32, #tpu.memory_space<hbm>>
        %dma_start3A_179 = tpu.memref_squeeze %dma_start3A_178 : memref<1x1x3x80xi32, #tpu.memory_space<hbm>> -> memref<3x80xi32, #tpu.memory_space<hbm>>
        tpu.enqueue_dma source(%dma_start3A_179 : memref<3x80xi32, #tpu.memory_space<hbm>>) target(%dma_start3A_175 : memref<3x80xi32, #tpu.memory_space<vmem>>) target_semaphore(%arg15 : memref<!tpu.dma_semaphore, #tpu.memory_space<semaphore_mem>>)
        %add3A_180 = arith.constant 1 : i32
        %add3A_181 = arith.addi %scan3A_102, %add3A_180 : i32
        %sub3A_182 = arith.constant 1 : i32
        %sub3A_183 = arith.subi %sub3A_182, %rem3A_103 : i32
        %dma_start3A_184 = arith.constant 0 : i32
        %dma_start3A_185 = arith.constant 0 : i32
        %dma_start3A_186 = tpu.memref_slice %arg9[%sub3A_183, %dma_start3A_184, %dma_start3A_185] : memref<2x3x80xi32, #tpu.memory_space<vmem>> -> memref<1x3x80xi32, #tpu.memory_space<vmem>>
        %dma_start3A_187 = tpu.memref_squeeze %dma_start3A_186 : memref<1x3x80xi32, #tpu.memory_space<vmem>> -> memref<3x80xi32, #tpu.memory_space<vmem>>
        %dma_start3A_188 = arith.constant 0 : i32
        %dma_start3A_189 = arith.constant 0 : i32
        %dma_start3A_190 = tpu.memref_slice %arg4[%add3A, %add3A_181, %dma_start3A_188, %dma_start3A_189] : memref<32x42x3x80xi32, #tpu.memory_space<hbm>> -> memref<1x1x3x80xi32, #tpu.memory_space<hbm>>
        %dma_start3A_191 = tpu.memref_squeeze %dma_start3A_190 : memref<1x1x3x80xi32, #tpu.memory_space<hbm>> -> memref<3x80xi32, #tpu.memory_space<hbm>>
        %dma_start3A_192 = arith.constant 0 : i32
        %dma_start3A_193 = arith.constant 0 : i32
        %dma_start3A_194 = tpu.memref_slice %arg9[%sub3A_183, %dma_start3A_192, %dma_start3A_193] : memref<2x3x80xi32, #tpu.memory_space<vmem>> -> memref<1x3x80xi32, #tpu.memory_space<vmem>>
        %dma_start3A_195 = tpu.memref_squeeze %dma_start3A_194 : memref<1x3x80xi32, #tpu.memory_space<vmem>> -> memref<3x80xi32, #tpu.memory_space<vmem>>
        %dma_start3A_196 = arith.constant 0 : i32
        %dma_start3A_197 = arith.constant 0 : i32
        %dma_start3A_198 = tpu.memref_slice %arg4[%add3A, %add3A_181, %dma_start3A_196, %dma_start3A_197] : memref<32x42x3x80xi32, #tpu.memory_space<hbm>> -> memref<1x1x3x80xi32, #tpu.memory_space<hbm>>
        %dma_start3A_199 = tpu.memref_squeeze %dma_start3A_198 : memref<1x1x3x80xi32, #tpu.memory_space<hbm>> -> memref<3x80xi32, #tpu.memory_space<hbm>>
        tpu.enqueue_dma source(%dma_start3A_199 : memref<3x80xi32, #tpu.memory_space<hbm>>) target(%dma_start3A_195 : memref<3x80xi32, #tpu.memory_space<vmem>>) target_semaphore(%arg15 : memref<!tpu.dma_semaphore, #tpu.memory_space<semaphore_mem>>)
      } else {
      }
      %dma_start3A_110 = arith.constant 0 : i32
      %dma_start3A_111 = arith.constant 0 : i32
      %dma_start3A_112 = tpu.memref_slice %arg8[%rem3A_103, %dma_start3A_110, %dma_start3A_111] : memref<2x3x80xi32, #tpu.memory_space<vmem>> -> memref<1x1x80xi32, #tpu.memory_space<vmem>>
      %dma_start3A_113 = tpu.memref_squeeze %dma_start3A_112 : memref<1x1x80xi32, #tpu.memory_space<vmem>> -> memref<80xi32, #tpu.memory_space<vmem>>
      %dma_start3A_114 = arith.constant 0 : i32
      %dma_start3A_115 = arith.constant 0 : i32
      %dma_start3A_116 = tpu.memref_slice %arg2[%dma_start3A_114, %dma_start3A_115] : memref<10000x128xf32, #tpu.memory_space<hbm>> -> memref<10000x128xf32, #tpu.memory_space<hbm>>
      tpu.enqueue_indirect_dma source(%dma_start3A_116 : memref<10000x128xf32, #tpu.memory_space<hbm>>) target(%arg10 : memref<80x128xf32, #tpu.memory_space<vmem>>) offsets(%dma_start3A_113 : memref<80xi32, #tpu.memory_space<vmem>>) semaphore(%arg14 : memref<!tpu.dma_semaphore, #tpu.memory_space<semaphore_mem>>)
      %dma_start3A_117 = arith.constant 1 : i32
      %dma_start3A_118 = arith.constant 0 : i32
      %dma_start3A_119 = tpu.memref_slice %arg8[%rem3A_103, %dma_start3A_117, %dma_start3A_118] : memref<2x3x80xi32, #tpu.memory_space<vmem>> -> memref<1x1x80xi32, #tpu.memory_space<vmem>>
      %dma_start3A_120 = tpu.memref_squeeze %dma_start3A_119 : memref<1x1x80xi32, #tpu.memory_space<vmem>> -> memref<80xi32, #tpu.memory_space<vmem>>
      %dma_start3A_121 = arith.constant 0 : i32
      %dma_start3A_122 = arith.constant 0 : i32
      %dma_start3A_123 = tpu.memref_slice %arg2[%dma_start3A_121, %dma_start3A_122] : memref<10000x128xf32, #tpu.memory_space<hbm>> -> memref<10000x128xf32, #tpu.memory_space<hbm>>
      tpu.enqueue_indirect_dma source(%dma_start3A_123 : memref<10000x128xf32, #tpu.memory_space<hbm>>) target(%arg11 : memref<80x128xf32, #tpu.memory_space<vmem>>) offsets(%dma_start3A_120 : memref<80xi32, #tpu.memory_space<vmem>>) semaphore(%arg14 : memref<!tpu.dma_semaphore, #tpu.memory_space<semaphore_mem>>)
      %dma_start3A_124 = arith.constant 2 : i32
      %dma_start3A_125 = arith.constant 0 : i32
      %dma_start3A_126 = tpu.memref_slice %arg8[%rem3A_103, %dma_start3A_124, %dma_start3A_125] : memref<2x3x80xi32, #tpu.memory_space<vmem>> -> memref<1x1x80xi32, #tpu.memory_space<vmem>>
      %dma_start3A_127 = tpu.memref_squeeze %dma_start3A_126 : memref<1x1x80xi32, #tpu.memory_space<vmem>> -> memref<80xi32, #tpu.memory_space<vmem>>
      %dma_start3A_128 = arith.constant 0 : i32
      %dma_start3A_129 = arith.constant 0 : i32
      %dma_start3A_130 = tpu.memref_slice %arg2[%dma_start3A_128, %dma_start3A_129] : memref<10000x128xf32, #tpu.memory_space<hbm>> -> memref<10000x128xf32, #tpu.memory_space<hbm>>
      tpu.enqueue_indirect_dma source(%dma_start3A_130 : memref<10000x128xf32, #tpu.memory_space<hbm>>) target(%arg12 : memref<80x128xf32, #tpu.memory_space<vmem>>) offsets(%dma_start3A_127 : memref<80xi32, #tpu.memory_space<vmem>>) semaphore(%arg14 : memref<!tpu.dma_semaphore, #tpu.memory_space<semaphore_mem>>)
      %dma_wait3A_131 = arith.constant 0 : i32
      %dma_wait3A_132 = arith.constant 0 : i32
      %dma_wait3A_133 = tpu.memref_slice %arg8[%rem3A_103, %dma_wait3A_131, %dma_wait3A_132] : memref<2x3x80xi32, #tpu.memory_space<vmem>> -> memref<1x1x80xi32, #tpu.memory_space<vmem>>
      %dma_wait3A_134 = tpu.memref_squeeze %dma_wait3A_133 : memref<1x1x80xi32, #tpu.memory_space<vmem>> -> memref<80xi32, #tpu.memory_space<vmem>>
      %dma_wait3A_135 = arith.constant 0 : i32
      %dma_wait3A_136 = arith.constant 0 : i32
      %dma_wait3A_137 = tpu.memref_slice %arg2[%dma_wait3A_135, %dma_wait3A_136] : memref<10000x128xf32, #tpu.memory_space<hbm>> -> memref<10000x128xf32, #tpu.memory_space<hbm>>
      tpu.wait_indirect_dma semaphore(%arg14 : memref<!tpu.dma_semaphore, #tpu.memory_space<semaphore_mem>>) src(%dma_wait3A_137 : memref<10000x128xf32, #tpu.memory_space<hbm>>) dst(%arg10 : memref<80x128xf32, #tpu.memory_space<vmem>>)
      %run_scoped3A = arith.constant 0 : i32
      "tpu.region"() ({
        %run_scoped3A_161 = tpu.sem_alloc : memref<!tpu.dma_semaphore, #tpu.memory_space<semaphore_mem>>
        %dma_start3A_162 = arith.constant 0 : i32
        %dma_start3A_163 = tpu.memref_slice %arg9[%rem3A_103, %run_scoped3A, %dma_start3A_162] : memref<2x3x80xi32, #tpu.memory_space<vmem>> -> memref<1x1x80xi32, #tpu.memory_space<vmem>>
        %dma_start3A_164 = tpu.memref_squeeze %dma_start3A_163 : memref<1x1x80xi32, #tpu.memory_space<vmem>> -> memref<80xi32, #tpu.memory_space<vmem>>
        %dma_start3A_165 = arith.constant 0 : i32
        %dma_start3A_166 = arith.constant 0 : i32
        %dma_start3A_167 = tpu.memref_slice %arg7[%dma_start3A_165, %dma_start3A_166] : memref<10240x128xf32, #tpu.memory_space<vmem_shared>> -> memref<10240x128xf32, #tpu.memory_space<vmem_shared>>
        tpu.enqueue_indirect_dma source(%arg10 : memref<80x128xf32, #tpu.memory_space<vmem>>) target(%dma_start3A_167 : memref<10240x128xf32, #tpu.memory_space<vmem_shared>>) offsets(%dma_start3A_164 : memref<80xi32, #tpu.memory_space<vmem>>) semaphore(%run_scoped3A_161 : memref<!tpu.dma_semaphore, #tpu.memory_space<semaphore_mem>>) {add = true}
        %dma_wait3A_168 = arith.constant 0 : i32
        %dma_wait3A_169 = tpu.memref_slice %arg9[%rem3A_103, %run_scoped3A, %dma_wait3A_168] : memref<2x3x80xi32, #tpu.memory_space<vmem>> -> memref<1x1x80xi32, #tpu.memory_space<vmem>>
        %dma_wait3A_170 = tpu.memref_squeeze %dma_wait3A_169 : memref<1x1x80xi32, #tpu.memory_space<vmem>> -> memref<80xi32, #tpu.memory_space<vmem>>
        %dma_wait3A_171 = arith.constant 0 : i32
        %dma_wait3A_172 = arith.constant 0 : i32
        %dma_wait3A_173 = tpu.memref_slice %arg7[%dma_wait3A_171, %dma_wait3A_172] : memref<10240x128xf32, #tpu.memory_space<vmem_shared>> -> memref<10240x128xf32, #tpu.memory_space<vmem_shared>>
        tpu.wait_indirect_dma semaphore(%run_scoped3A_161 : memref<!tpu.dma_semaphore, #tpu.memory_space<semaphore_mem>>) src(%arg10 : memref<80x128xf32, #tpu.memory_space<vmem>>) dst(%dma_wait3A_173 : memref<10240x128xf32, #tpu.memory_space<vmem_shared>>)
        tpu.yield
      }) : () -> ()
      %dma_wait3A_138 = arith.constant 1 : i32
      %dma_wait3A_139 = arith.constant 0 : i32
      %dma_wait3A_140 = tpu.memref_slice %arg8[%rem3A_103, %dma_wait3A_138, %dma_wait3A_139] : memref<2x3x80xi32, #tpu.memory_space<vmem>> -> memref<1x1x80xi32, #tpu.memory_space<vmem>>
      %dma_wait3A_141 = tpu.memref_squeeze %dma_wait3A_140 : memref<1x1x80xi32, #tpu.memory_space<vmem>> -> memref<80xi32, #tpu.memory_space<vmem>>
      %dma_wait3A_142 = arith.constant 0 : i32
      %dma_wait3A_143 = arith.constant 0 : i32
      %dma_wait3A_144 = tpu.memref_slice %arg2[%dma_wait3A_142, %dma_wait3A_143] : memref<10000x128xf32, #tpu.memory_space<hbm>> -> memref<10000x128xf32, #tpu.memory_space<hbm>>
      tpu.wait_indirect_dma semaphore(%arg14 : memref<!tpu.dma_semaphore, #tpu.memory_space<semaphore_mem>>) src(%dma_wait3A_144 : memref<10000x128xf32, #tpu.memory_space<hbm>>) dst(%arg11 : memref<80x128xf32, #tpu.memory_space<vmem>>)
      %run_scoped3A_145 = arith.constant 1 : i32
      "tpu.region"() ({
        %run_scoped3A_161 = tpu.sem_alloc : memref<!tpu.dma_semaphore, #tpu.memory_space<semaphore_mem>>
        %dma_start3A_162 = arith.constant 0 : i32
        %dma_start3A_163 = tpu.memref_slice %arg9[%rem3A_103, %run_scoped3A_145, %dma_start3A_162] : memref<2x3x80xi32, #tpu.memory_space<vmem>> -> memref<1x1x80xi32, #tpu.memory_space<vmem>>
        %dma_start3A_164 = tpu.memref_squeeze %dma_start3A_163 : memref<1x1x80xi32, #tpu.memory_space<vmem>> -> memref<80xi32, #tpu.memory_space<vmem>>
        %dma_start3A_165 = arith.constant 0 : i32
        %dma_start3A_166 = arith.constant 0 : i32
        %dma_start3A_167 = tpu.memref_slice %arg7[%dma_start3A_165, %dma_start3A_166] : memref<10240x128xf32, #tpu.memory_space<vmem_shared>> -> memref<10240x128xf32, #tpu.memory_space<vmem_shared>>
        tpu.enqueue_indirect_dma source(%arg11 : memref<80x128xf32, #tpu.memory_space<vmem>>) target(%dma_start3A_167 : memref<10240x128xf32, #tpu.memory_space<vmem_shared>>) offsets(%dma_start3A_164 : memref<80xi32, #tpu.memory_space<vmem>>) semaphore(%run_scoped3A_161 : memref<!tpu.dma_semaphore, #tpu.memory_space<semaphore_mem>>) {add = true}
        %dma_wait3A_168 = arith.constant 0 : i32
        %dma_wait3A_169 = tpu.memref_slice %arg9[%rem3A_103, %run_scoped3A_145, %dma_wait3A_168] : memref<2x3x80xi32, #tpu.memory_space<vmem>> -> memref<1x1x80xi32, #tpu.memory_space<vmem>>
        %dma_wait3A_170 = tpu.memref_squeeze %dma_wait3A_169 : memref<1x1x80xi32, #tpu.memory_space<vmem>> -> memref<80xi32, #tpu.memory_space<vmem>>
        %dma_wait3A_171 = arith.constant 0 : i32
        %dma_wait3A_172 = arith.constant 0 : i32
        %dma_wait3A_173 = tpu.memref_slice %arg7[%dma_wait3A_171, %dma_wait3A_172] : memref<10240x128xf32, #tpu.memory_space<vmem_shared>> -> memref<10240x128xf32, #tpu.memory_space<vmem_shared>>
        tpu.wait_indirect_dma semaphore(%run_scoped3A_161 : memref<!tpu.dma_semaphore, #tpu.memory_space<semaphore_mem>>) src(%arg11 : memref<80x128xf32, #tpu.memory_space<vmem>>) dst(%dma_wait3A_173 : memref<10240x128xf32, #tpu.memory_space<vmem_shared>>)
        tpu.yield
      }) : () -> ()
      %dma_wait3A_146 = arith.constant 2 : i32
      %dma_wait3A_147 = arith.constant 0 : i32
      %dma_wait3A_148 = tpu.memref_slice %arg8[%rem3A_103, %dma_wait3A_146, %dma_wait3A_147] : memref<2x3x80xi32, #tpu.memory_space<vmem>> -> memref<1x1x80xi32, #tpu.memory_space<vmem>>
      %dma_wait3A_149 = tpu.memref_squeeze %dma_wait3A_148 : memref<1x1x80xi32, #tpu.memory_space<vmem>> -> memref<80xi32, #tpu.memory_space<vmem>>
      %dma_wait3A_150 = arith.constant 0 : i32
      %dma_wait3A_151 = arith.constant 0 : i32
      %dma_wait3A_152 = tpu.memref_slice %arg2[%dma_wait3A_150, %dma_wait3A_151] : memref<10000x128xf32, #tpu.memory_space<hbm>> -> memref<10000x128xf32, #tpu.memory_space<hbm>>
      tpu.wait_indirect_dma semaphore(%arg14 : memref<!tpu.dma_semaphore, #tpu.memory_space<semaphore_mem>>) src(%dma_wait3A_152 : memref<10000x128xf32, #tpu.memory_space<hbm>>) dst(%arg12 : memref<80x128xf32, #tpu.memory_space<vmem>>)
      %run_scoped3A_153 = arith.constant 2 : i32
      "tpu.region"() ({
        %run_scoped3A_161 = tpu.sem_alloc : memref<!tpu.dma_semaphore, #tpu.memory_space<semaphore_mem>>
        %dma_start3A_162 = arith.constant 0 : i32
        %dma_start3A_163 = tpu.memref_slice %arg9[%rem3A_103, %run_scoped3A_153, %dma_start3A_162] : memref<2x3x80xi32, #tpu.memory_space<vmem>> -> memref<1x1x80xi32, #tpu.memory_space<vmem>>
        %dma_start3A_164 = tpu.memref_squeeze %dma_start3A_163 : memref<1x1x80xi32, #tpu.memory_space<vmem>> -> memref<80xi32, #tpu.memory_space<vmem>>
        %dma_start3A_165 = arith.constant 0 : i32
        %dma_start3A_166 = arith.constant 0 : i32
        %dma_start3A_167 = tpu.memref_slice %arg7[%dma_start3A_165, %dma_start3A_166] : memref<10240x128xf32, #tpu.memory_space<vmem_shared>> -> memref<10240x128xf32, #tpu.memory_space<vmem_shared>>
        tpu.enqueue_indirect_dma source(%arg12 : memref<80x128xf32, #tpu.memory_space<vmem>>) target(%dma_start3A_167 : memref<10240x128xf32, #tpu.memory_space<vmem_shared>>) offsets(%dma_start3A_164 : memref<80xi32, #tpu.memory_space<vmem>>) semaphore(%run_scoped3A_161 : memref<!tpu.dma_semaphore, #tpu.memory_space<semaphore_mem>>) {add = true}
        %dma_wait3A_168 = arith.constant 0 : i32
        %dma_wait3A_169 = tpu.memref_slice %arg9[%rem3A_103, %run_scoped3A_153, %dma_wait3A_168] : memref<2x3x80xi32, #tpu.memory_space<vmem>> -> memref<1x1x80xi32, #tpu.memory_space<vmem>>
        %dma_wait3A_170 = tpu.memref_squeeze %dma_wait3A_169 : memref<1x1x80xi32, #tpu.memory_space<vmem>> -> memref<80xi32, #tpu.memory_space<vmem>>
        %dma_wait3A_171 = arith.constant 0 : i32
        %dma_wait3A_172 = arith.constant 0 : i32
        %dma_wait3A_173 = tpu.memref_slice %arg7[%dma_wait3A_171, %dma_wait3A_172] : memref<10240x128xf32, #tpu.memory_space<vmem_shared>> -> memref<10240x128xf32, #tpu.memory_space<vmem_shared>>
        tpu.wait_indirect_dma semaphore(%run_scoped3A_161 : memref<!tpu.dma_semaphore, #tpu.memory_space<semaphore_mem>>) src(%arg12 : memref<80x128xf32, #tpu.memory_space<vmem>>) dst(%dma_wait3A_173 : memref<10240x128xf32, #tpu.memory_space<vmem_shared>>)
        tpu.yield
      }) : () -> ()
      %add3A_154 = arith.constant 1 : i32
      %add3A_155 = arith.addi %scan3A_102, %add3A_154 : i32
      %lt3A_156 = arith.constant 42 : i32
      %lt3A_157 = arith.cmpi slt, %add3A_155, %lt3A_156 : i32
      %convert_element_type3A_158 = arith.extui %lt3A_157 : i1 to i32
      %cond3A_159 = arith.constant 0 : i32
      %cond3A_160 = arith.cmpi ne, %convert_element_type3A_158, %cond3A_159 : i32
      scf.if %cond3A_160 {
        %add3A_161 = arith.constant 1 : i32
        %add3A_162 = arith.addi %scan3A_102, %add3A_161 : i32
        %sub3A = arith.constant 1 : i32
        %sub3A_163 = arith.subi %sub3A, %rem3A_103 : i32
        %dma_wait3A_164 = arith.constant 0 : i32
        %dma_wait3A_165 = arith.constant 0 : i32
        %dma_wait3A_166 = tpu.memref_slice %arg8[%sub3A_163, %dma_wait3A_164, %dma_wait3A_165] : memref<2x3x80xi32, #tpu.memory_space<vmem>> -> memref<1x3x80xi32, #tpu.memory_space<vmem>>
        %dma_wait3A_167 = tpu.memref_squeeze %dma_wait3A_166 : memref<1x3x80xi32, #tpu.memory_space<vmem>> -> memref<3x80xi32, #tpu.memory_space<vmem>>
        %dma_wait3A_168 = arith.constant 0 : i32
        %dma_wait3A_169 = arith.constant 0 : i32
        %dma_wait3A_170 = tpu.memref_slice %arg3[%add3A, %add3A_162, %dma_wait3A_168, %dma_wait3A_169] : memref<32x42x3x80xi32, #tpu.memory_space<hbm>> -> memref<1x1x3x80xi32, #tpu.memory_space<hbm>>
        %dma_wait3A_171 = tpu.memref_squeeze %dma_wait3A_170 : memref<1x1x3x80xi32, #tpu.memory_space<hbm>> -> memref<3x80xi32, #tpu.memory_space<hbm>>
        %dma_wait3A_172 = arith.constant 0 : i32
        %dma_wait3A_173 = arith.constant 0 : i32
        %dma_wait3A_174 = tpu.memref_slice %arg8[%sub3A_163, %dma_wait3A_172, %dma_wait3A_173] : memref<2x3x80xi32, #tpu.memory_space<vmem>> -> memref<1x3x80xi32, #tpu.memory_space<vmem>>
        %dma_wait3A_175 = tpu.memref_squeeze %dma_wait3A_174 : memref<1x3x80xi32, #tpu.memory_space<vmem>> -> memref<3x80xi32, #tpu.memory_space<vmem>>
        %dma_wait3A_176 = arith.constant 0 : i32
        %dma_wait3A_177 = arith.constant 0 : i32
        %dma_wait3A_178 = tpu.memref_slice %arg3[%add3A, %add3A_162, %dma_wait3A_176, %dma_wait3A_177] : memref<32x42x3x80xi32, #tpu.memory_space<hbm>> -> memref<1x1x3x80xi32, #tpu.memory_space<hbm>>
        %dma_wait3A_179 = tpu.memref_squeeze %dma_wait3A_178 : memref<1x1x3x80xi32, #tpu.memory_space<hbm>> -> memref<3x80xi32, #tpu.memory_space<hbm>>
        tpu.wait_dma2 semaphore(%arg15 : memref<!tpu.dma_semaphore, #tpu.memory_space<semaphore_mem>>) src(%dma_wait3A_179 : memref<3x80xi32, #tpu.memory_space<hbm>>) dst(%dma_wait3A_175 : memref<3x80xi32, #tpu.memory_space<vmem>>)
        %add3A_180 = arith.constant 1 : i32
        %add3A_181 = arith.addi %scan3A_102, %add3A_180 : i32
        %sub3A_182 = arith.constant 1 : i32
        %sub3A_183 = arith.subi %sub3A_182, %rem3A_103 : i32
        %dma_wait3A_184 = arith.constant 0 : i32
        %dma_wait3A_185 = arith.constant 0 : i32
        %dma_wait3A_186 = tpu.memref_slice %arg9[%sub3A_183, %dma_wait3A_184, %dma_wait3A_185] : memref<2x3x80xi32, #tpu.memory_space<vmem>> -> memref<1x3x80xi32, #tpu.memory_space<vmem>>
        %dma_wait3A_187 = tpu.memref_squeeze %dma_wait3A_186 : memref<1x3x80xi32, #tpu.memory_space<vmem>> -> memref<3x80xi32, #tpu.memory_space<vmem>>
        %dma_wait3A_188 = arith.constant 0 : i32
        %dma_wait3A_189 = arith.constant 0 : i32
        %dma_wait3A_190 = tpu.memref_slice %arg4[%add3A, %add3A_181, %dma_wait3A_188, %dma_wait3A_189] : memref<32x42x3x80xi32, #tpu.memory_space<hbm>> -> memref<1x1x3x80xi32, #tpu.memory_space<hbm>>
        %dma_wait3A_191 = tpu.memref_squeeze %dma_wait3A_190 : memref<1x1x3x80xi32, #tpu.memory_space<hbm>> -> memref<3x80xi32, #tpu.memory_space<hbm>>
        %dma_wait3A_192 = arith.constant 0 : i32
        %dma_wait3A_193 = arith.constant 0 : i32
        %dma_wait3A_194 = tpu.memref_slice %arg9[%sub3A_183, %dma_wait3A_192, %dma_wait3A_193] : memref<2x3x80xi32, #tpu.memory_space<vmem>> -> memref<1x3x80xi32, #tpu.memory_space<vmem>>
        %dma_wait3A_195 = tpu.memref_squeeze %dma_wait3A_194 : memref<1x3x80xi32, #tpu.memory_space<vmem>> -> memref<3x80xi32, #tpu.memory_space<vmem>>
        %dma_wait3A_196 = arith.constant 0 : i32
        %dma_wait3A_197 = arith.constant 0 : i32
        %dma_wait3A_198 = tpu.memref_slice %arg4[%add3A, %add3A_181, %dma_wait3A_196, %dma_wait3A_197] : memref<32x42x3x80xi32, #tpu.memory_space<hbm>> -> memref<1x1x3x80xi32, #tpu.memory_space<hbm>>
        %dma_wait3A_199 = tpu.memref_squeeze %dma_wait3A_198 : memref<1x1x3x80xi32, #tpu.memory_space<hbm>> -> memref<3x80xi32, #tpu.memory_space<hbm>>
        tpu.wait_dma2 semaphore(%arg15 : memref<!tpu.dma_semaphore, #tpu.memory_space<semaphore_mem>>) src(%dma_wait3A_199 : memref<3x80xi32, #tpu.memory_space<hbm>>) dst(%dma_wait3A_195 : memref<3x80xi32, #tpu.memory_space<vmem>>)
      } else {
      }
    }
    %scan3A_93 = arith.constant 42 : i32
    %barrier3A_94 = arith.constant 0 : index
    tpu.barrier barrier_id(%barrier3A_94)
    %eq3A = arith.constant 0 : i32
    %eq3A_95 = arith.cmpi eq, %arg0, %eq3A : i32
    %convert_element_type3A = arith.extui %eq3A_95 : i1 to i32
    %cond3A = arith.constant 0 : i32
    %cond3A_96 = arith.cmpi ne, %convert_element_type3A, %cond3A : i32
    scf.if %cond3A_96 {
      "tpu.region"() ({
        %run_scoped3A = tpu.sem_alloc : memref<!tpu.dma_semaphore, #tpu.memory_space<semaphore_mem>>
        %dma_start3A_102 = arith.constant 0 : i32
        %dma_start3A_103 = tpu.memref_slice %arg5[%mul3A_0, %dma_start3A_102] : memref<10240x128xf32, #tpu.memory_space<hbm>> -> memref<640x128xf32, #tpu.memory_space<hbm>>
        %dma_start3A_104 = arith.constant 0 : i32
        %dma_start3A_105 = tpu.memref_slice %arg7[%mul3A_0, %dma_start3A_104] : memref<10240x128xf32, #tpu.memory_space<vmem_shared>> -> memref<640x128xf32, #tpu.memory_space<vmem_shared>>
        tpu.enqueue_dma source(%dma_start3A_105 : memref<640x128xf32, #tpu.memory_space<vmem_shared>>) target(%dma_start3A_103 : memref<640x128xf32, #tpu.memory_space<hbm>>) target_semaphore(%run_scoped3A : memref<!tpu.dma_semaphore, #tpu.memory_space<semaphore_mem>>)
        %dma_wait3A_106 = arith.constant 0 : i32
        %dma_wait3A_107 = tpu.memref_slice %arg5[%mul3A_0, %dma_wait3A_106] : memref<10240x128xf32, #tpu.memory_space<hbm>> -> memref<640x128xf32, #tpu.memory_space<hbm>>
        %dma_wait3A_108 = arith.constant 0 : i32
        %dma_wait3A_109 = tpu.memref_slice %arg7[%mul3A_0, %dma_wait3A_108] : memref<10240x128xf32, #tpu.memory_space<vmem_shared>> -> memref<640x128xf32, #tpu.memory_space<vmem_shared>>
        tpu.wait_dma2 semaphore(%run_scoped3A : memref<!tpu.dma_semaphore, #tpu.memory_space<semaphore_mem>>) src(%dma_wait3A_109 : memref<640x128xf32, #tpu.memory_space<vmem_shared>>) dst(%dma_wait3A_107 : memref<640x128xf32, #tpu.memory_space<hbm>>)
        tpu.yield
      }) : () -> ()
    } else {
    }
    %eq3A_97 = arith.constant 1 : i32
    %eq3A_98 = arith.cmpi eq, %arg0, %eq3A_97 : i32
    %convert_element_type3A_99 = arith.extui %eq3A_98 : i1 to i32
    %cond3A_100 = arith.constant 0 : i32
    %cond3A_101 = arith.cmpi ne, %convert_element_type3A_99, %cond3A_100 : i32
    scf.if %cond3A_101 {
      "tpu.region"() ({
        %run_scoped3A = tpu.sem_alloc : memref<!tpu.dma_semaphore, #tpu.memory_space<semaphore_mem>>
        %dma_start3A_102 = arith.constant 0 : i32
        %dma_start3A_103 = tpu.memref_slice %arg6[%mul3A_0, %dma_start3A_102] : memref<10240x128xf32, #tpu.memory_space<hbm>> -> memref<640x128xf32, #tpu.memory_space<hbm>>
        %dma_start3A_104 = arith.constant 0 : i32
        %dma_start3A_105 = tpu.memref_slice %arg7[%mul3A_0, %dma_start3A_104] : memref<10240x128xf32, #tpu.memory_space<vmem_shared>> -> memref<640x128xf32, #tpu.memory_space<vmem_shared>>
        tpu.enqueue_dma source(%dma_start3A_105 : memref<640x128xf32, #tpu.memory_space<vmem_shared>>) target(%dma_start3A_103 : memref<640x128xf32, #tpu.memory_space<hbm>>) target_semaphore(%run_scoped3A : memref<!tpu.dma_semaphore, #tpu.memory_space<semaphore_mem>>)
        %dma_wait3A_106 = arith.constant 0 : i32
        %dma_wait3A_107 = tpu.memref_slice %arg6[%mul3A_0, %dma_wait3A_106] : memref<10240x128xf32, #tpu.memory_space<hbm>> -> memref<640x128xf32, #tpu.memory_space<hbm>>
        %dma_wait3A_108 = arith.constant 0 : i32
        %dma_wait3A_109 = tpu.memref_slice %arg7[%mul3A_0, %dma_wait3A_108] : memref<10240x128xf32, #tpu.memory_space<vmem_shared>> -> memref<640x128xf32, #tpu.memory_space<vmem_shared>>
        tpu.wait_dma2 semaphore(%run_scoped3A : memref<!tpu.dma_semaphore, #tpu.memory_space<semaphore_mem>>) src(%dma_wait3A_109 : memref<640x128xf32, #tpu.memory_space<vmem_shared>>) dst(%dma_wait3A_107 : memref<640x128xf32, #tpu.memory_space<hbm>>)
        tpu.yield
      }) : () -> ()
    } else {
    }
    return
  }
}

#map = affine_map<(d0, d1) -> (0, 0)>
#map1 = affine_map<(d0, d1) -> (0, 0, 0, 0)>
module attributes {stable_mosaic.version = 14 : i64} {
  func.func @_agg_body(%arg0: i32, %arg1: i32, %arg2: memref<10000x128xf32, #tpu.memory_space<hbm>>, %arg3: memref<32x42x3x80xi32, #tpu.memory_space<hbm>>, %arg4: memref<32x42x3x80xi32, #tpu.memory_space<hbm>>, %arg5: memref<10240x128xf32, #tpu.memory_space<hbm>>, %arg6: memref<10240x128xf32, #tpu.memory_space<hbm>>, %arg7: memref<10240x128xf32, #tpu.memory_space<vmem_shared>>, %arg8: memref<2x3x80xi32, #tpu.memory_space<vmem>>, %arg9: memref<2x3x80xi32, #tpu.memory_space<vmem>>, %arg10: memref<80x128xf32, #tpu.memory_space<vmem>>, %arg11: memref<80x128xf32, #tpu.memory_space<vmem>>, %arg12: memref<80x128xf32, #tpu.memory_space<vmem>>, %arg13: memref<128x128xf32, #tpu.memory_space<vmem>>, %arg14: memref<!tpu.dma_semaphore, #tpu.memory_space<semaphore_mem>>, %arg15: memref<!tpu.dma_semaphore, #tpu.memory_space<semaphore_mem>>) attributes {dimension_semantics = [#tpu.dimension_semantics<core_parallel>, #tpu.dimension_semantics<subcore_parallel>], iteration_bounds = array<i64: 2, 16>, scalar_prefetch = 0 : i64, scratch_operands = 9 : i64, tpu.core_type = #tpu.core_type<sc_vector_subcore>, window_params = [{transform_indices = #map}, {transform_indices = #map1}, {transform_indices = #map1}, {transform_indices = #map}, {transform_indices = #map}]} {
    %mul3A = arith.constant 640 : i32
    %mul3A_0 = arith.muli %arg1, %mul3A : i32
    %mul3A_1 = arith.constant 16 : i32
    %mul3A_2 = arith.muli %arg0, %mul3A_1 : i32
    %add3A = arith.addi %mul3A_2, %arg1 : i32
    %dma_start3A = arith.constant 0 : i32
    %dma_start3A_3 = arith.constant 0 : i32
    %dma_start3A_4 = arith.constant 0 : i32
    %dma_start3A_5 = arith.constant 0 : i32
    %dma_start3A_6 = tpu.memref_slice %arg8[%dma_start3A_3, %dma_start3A_4, %dma_start3A_5] : memref<2x3x80xi32, #tpu.memory_space<vmem>> -> memref<1x3x80xi32, #tpu.memory_space<vmem>>
    %dma_start3A_7 = tpu.memref_squeeze %dma_start3A_6 : memref<1x3x80xi32, #tpu.memory_space<vmem>> -> memref<3x80xi32, #tpu.memory_space<vmem>>
    %dma_start3A_8 = arith.constant 0 : i32
    %dma_start3A_9 = arith.constant 0 : i32
    %dma_start3A_10 = tpu.memref_slice %arg3[%add3A, %dma_start3A, %dma_start3A_8, %dma_start3A_9] : memref<32x42x3x80xi32, #tpu.memory_space<hbm>> -> memref<1x1x3x80xi32, #tpu.memory_space<hbm>>
    %dma_start3A_11 = tpu.memref_squeeze %dma_start3A_10 : memref<1x1x3x80xi32, #tpu.memory_space<hbm>> -> memref<3x80xi32, #tpu.memory_space<hbm>>
    %dma_start3A_12 = arith.constant 0 : i32
    %dma_start3A_13 = arith.constant 0 : i32
    %dma_start3A_14 = tpu.memref_slice %arg8[%dma_start3A_3, %dma_start3A_12, %dma_start3A_13] : memref<2x3x80xi32, #tpu.memory_space<vmem>> -> memref<1x3x80xi32, #tpu.memory_space<vmem>>
    %dma_start3A_15 = tpu.memref_squeeze %dma_start3A_14 : memref<1x3x80xi32, #tpu.memory_space<vmem>> -> memref<3x80xi32, #tpu.memory_space<vmem>>
    %dma_start3A_16 = arith.constant 0 : i32
    %dma_start3A_17 = arith.constant 0 : i32
    %dma_start3A_18 = tpu.memref_slice %arg3[%add3A, %dma_start3A, %dma_start3A_16, %dma_start3A_17] : memref<32x42x3x80xi32, #tpu.memory_space<hbm>> -> memref<1x1x3x80xi32, #tpu.memory_space<hbm>>
    %dma_start3A_19 = tpu.memref_squeeze %dma_start3A_18 : memref<1x1x3x80xi32, #tpu.memory_space<hbm>> -> memref<3x80xi32, #tpu.memory_space<hbm>>
    tpu.enqueue_dma source(%dma_start3A_19 : memref<3x80xi32, #tpu.memory_space<hbm>>) target(%dma_start3A_15 : memref<3x80xi32, #tpu.memory_space<vmem>>) target_semaphore(%arg15 : memref<!tpu.dma_semaphore, #tpu.memory_space<semaphore_mem>>)
    %dma_start3A_20 = arith.constant 0 : i32
    %dma_start3A_21 = arith.constant 0 : i32
    %dma_start3A_22 = arith.constant 0 : i32
    %dma_start3A_23 = arith.constant 0 : i32
    %dma_start3A_24 = tpu.memref_slice %arg9[%dma_start3A_21, %dma_start3A_22, %dma_start3A_23] : memref<2x3x80xi32, #tpu.memory_space<vmem>> -> memref<1x3x80xi32, #tpu.memory_space<vmem>>
    %dma_start3A_25 = tpu.memref_squeeze %dma_start3A_24 : memref<1x3x80xi32, #tpu.memory_space<vmem>> -> memref<3x80xi32, #tpu.memory_space<vmem>>
    %dma_start3A_26 = arith.constant 0 : i32
    %dma_start3A_27 = arith.constant 0 : i32
    %dma_start3A_28 = tpu.memref_slice %arg4[%add3A, %dma_start3A_20, %dma_start3A_26, %dma_start3A_27] : memref<32x42x3x80xi32, #tpu.memory_space<hbm>> -> memref<1x1x3x80xi32, #tpu.memory_space<hbm>>
    %dma_start3A_29 = tpu.memref_squeeze %dma_start3A_28 : memref<1x1x3x80xi32, #tpu.memory_space<hbm>> -> memref<3x80xi32, #tpu.memory_space<hbm>>
    %dma_start3A_30 = arith.constant 0 : i32
    %dma_start3A_31 = arith.constant 0 : i32
    %dma_start3A_32 = tpu.memref_slice %arg9[%dma_start3A_21, %dma_start3A_30, %dma_start3A_31] : memref<2x3x80xi32, #tpu.memory_space<vmem>> -> memref<1x3x80xi32, #tpu.memory_space<vmem>>
    %dma_start3A_33 = tpu.memref_squeeze %dma_start3A_32 : memref<1x3x80xi32, #tpu.memory_space<vmem>> -> memref<3x80xi32, #tpu.memory_space<vmem>>
    %dma_start3A_34 = arith.constant 0 : i32
    %dma_start3A_35 = arith.constant 0 : i32
    %dma_start3A_36 = tpu.memref_slice %arg4[%add3A, %dma_start3A_20, %dma_start3A_34, %dma_start3A_35] : memref<32x42x3x80xi32, #tpu.memory_space<hbm>> -> memref<1x1x3x80xi32, #tpu.memory_space<hbm>>
    %dma_start3A_37 = tpu.memref_squeeze %dma_start3A_36 : memref<1x1x3x80xi32, #tpu.memory_space<hbm>> -> memref<3x80xi32, #tpu.memory_space<hbm>>
    tpu.enqueue_dma source(%dma_start3A_37 : memref<3x80xi32, #tpu.memory_space<hbm>>) target(%dma_start3A_33 : memref<3x80xi32, #tpu.memory_space<vmem>>) target_semaphore(%arg15 : memref<!tpu.dma_semaphore, #tpu.memory_space<semaphore_mem>>)
    %scan3A = arith.constant 0 : i32
    %scan3A_38 = arith.constant 0 : i32
    %scan3A_39 = arith.constant 128 : i32
    %scan3A_40 = arith.addi %scan3A_38, %scan3A_39 : i32
    %scan3A_41 = arith.constant 1 : i32
    scf.for %scan3A_102 = %scan3A_38 to %scan3A_40 step %scan3A_41  : i32 {
      %broadcast_in_dim3A = arith.constant 0.000000e+00 : f32
      %broadcast_in_dim3A_103 = vector.broadcast %broadcast_in_dim3A : f32 to vector<16xf32>
      %swap3A = arith.index_cast %scan3A_102 : i32 to index
      %swap3A_104 = arith.constant 0 : index
      %swap3A_105 = tpu.vector_load %arg13[%swap3A, %swap3A_104] {strides = array<i32>} : memref<128x128xf32, #tpu.memory_space<vmem>>, vector<1x16xf32>,
      %swap3A_106 = vector.shape_cast %swap3A_105 : vector<1x16xf32> to vector<16xf32>
      %swap3A_107 = vector.shape_cast %broadcast_in_dim3A_103 : vector<16xf32> to vector<1x16xf32>
      tpu.vector_store %arg13[%swap3A, %swap3A_104], %swap3A_107 {strides = array<i32>} : memref<128x128xf32, #tpu.memory_space<vmem>>, vector<1x16xf32>,
      %broadcast_in_dim3A_108 = arith.constant 0.000000e+00 : f32
      %broadcast_in_dim3A_109 = vector.broadcast %broadcast_in_dim3A_108 : f32 to vector<16xf32>
      %swap3A_110 = arith.index_cast %scan3A_102 : i32 to index
      %swap3A_111 = arith.constant 16 : index
      %swap3A_112 = tpu.vector_load %arg13[%swap3A_110, %swap3A_111] {strides = array<i32>} : memref<128x128xf32, #tpu.memory_space<vmem>>, vector<1x16xf32>,
      %swap3A_113 = vector.shape_cast %swap3A_112 : vector<1x16xf32> to vector<16xf32>
      %swap3A_114 = vector.shape_cast %broadcast_in_dim3A_109 : vector<16xf32> to vector<1x16xf32>
      tpu.vector_store %arg13[%swap3A_110, %swap3A_111], %swap3A_114 {strides = array<i32>} : memref<128x128xf32, #tpu.memory_space<vmem>>, vector<1x16xf32>,
      %broadcast_in_dim3A_115 = arith.constant 0.000000e+00 : f32
      %broadcast_in_dim3A_116 = vector.broadcast %broadcast_in_dim3A_115 : f32 to vector<16xf32>
      %swap3A_117 = arith.index_cast %scan3A_102 : i32 to index
      %swap3A_118 = arith.constant 32 : index
      %swap3A_119 = tpu.vector_load %arg13[%swap3A_117, %swap3A_118] {strides = array<i32>} : memref<128x128xf32, #tpu.memory_space<vmem>>, vector<1x16xf32>,
      %swap3A_120 = vector.shape_cast %swap3A_119 : vector<1x16xf32> to vector<16xf32>
      %swap3A_121 = vector.shape_cast %broadcast_in_dim3A_116 : vector<16xf32> to vector<1x16xf32>
      tpu.vector_store %arg13[%swap3A_117, %swap3A_118], %swap3A_121 {strides = array<i32>} : memref<128x128xf32, #tpu.memory_space<vmem>>, vector<1x16xf32>,
      %broadcast_in_dim3A_122 = arith.constant 0.000000e+00 : f32
      %broadcast_in_dim3A_123 = vector.broadcast %broadcast_in_dim3A_122 : f32 to vector<16xf32>
      %swap3A_124 = arith.index_cast %scan3A_102 : i32 to index
      %swap3A_125 = arith.constant 48 : index
      %swap3A_126 = tpu.vector_load %arg13[%swap3A_124, %swap3A_125] {strides = array<i32>} : memref<128x128xf32, #tpu.memory_space<vmem>>, vector<1x16xf32>,
      %swap3A_127 = vector.shape_cast %swap3A_126 : vector<1x16xf32> to vector<16xf32>
      %swap3A_128 = vector.shape_cast %broadcast_in_dim3A_123 : vector<16xf32> to vector<1x16xf32>
      tpu.vector_store %arg13[%swap3A_124, %swap3A_125], %swap3A_128 {strides = array<i32>} : memref<128x128xf32, #tpu.memory_space<vmem>>, vector<1x16xf32>,
      %broadcast_in_dim3A_129 = arith.constant 0.000000e+00 : f32
      %broadcast_in_dim3A_130 = vector.broadcast %broadcast_in_dim3A_129 : f32 to vector<16xf32>
      %swap3A_131 = arith.index_cast %scan3A_102 : i32 to index
      %swap3A_132 = arith.constant 64 : index
      %swap3A_133 = tpu.vector_load %arg13[%swap3A_131, %swap3A_132] {strides = array<i32>} : memref<128x128xf32, #tpu.memory_space<vmem>>, vector<1x16xf32>,
      %swap3A_134 = vector.shape_cast %swap3A_133 : vector<1x16xf32> to vector<16xf32>
      %swap3A_135 = vector.shape_cast %broadcast_in_dim3A_130 : vector<16xf32> to vector<1x16xf32>
      tpu.vector_store %arg13[%swap3A_131, %swap3A_132], %swap3A_135 {strides = array<i32>} : memref<128x128xf32, #tpu.memory_space<vmem>>, vector<1x16xf32>,
      %broadcast_in_dim3A_136 = arith.constant 0.000000e+00 : f32
      %broadcast_in_dim3A_137 = vector.broadcast %broadcast_in_dim3A_136 : f32 to vector<16xf32>
      %swap3A_138 = arith.index_cast %scan3A_102 : i32 to index
      %swap3A_139 = arith.constant 80 : index
      %swap3A_140 = tpu.vector_load %arg13[%swap3A_138, %swap3A_139] {strides = array<i32>} : memref<128x128xf32, #tpu.memory_space<vmem>>, vector<1x16xf32>,
      %swap3A_141 = vector.shape_cast %swap3A_140 : vector<1x16xf32> to vector<16xf32>
      %swap3A_142 = vector.shape_cast %broadcast_in_dim3A_137 : vector<16xf32> to vector<1x16xf32>
      tpu.vector_store %arg13[%swap3A_138, %swap3A_139], %swap3A_142 {strides = array<i32>} : memref<128x128xf32, #tpu.memory_space<vmem>>, vector<1x16xf32>,
      %broadcast_in_dim3A_143 = arith.constant 0.000000e+00 : f32
      %broadcast_in_dim3A_144 = vector.broadcast %broadcast_in_dim3A_143 : f32 to vector<16xf32>
      %swap3A_145 = arith.index_cast %scan3A_102 : i32 to index
      %swap3A_146 = arith.constant 96 : index
      %swap3A_147 = tpu.vector_load %arg13[%swap3A_145, %swap3A_146] {strides = array<i32>} : memref<128x128xf32, #tpu.memory_space<vmem>>, vector<1x16xf32>,
      %swap3A_148 = vector.shape_cast %swap3A_147 : vector<1x16xf32> to vector<16xf32>
      %swap3A_149 = vector.shape_cast %broadcast_in_dim3A_144 : vector<16xf32> to vector<1x16xf32>
      tpu.vector_store %arg13[%swap3A_145, %swap3A_146], %swap3A_149 {strides = array<i32>} : memref<128x128xf32, #tpu.memory_space<vmem>>, vector<1x16xf32>,
      %broadcast_in_dim3A_150 = arith.constant 0.000000e+00 : f32
      %broadcast_in_dim3A_151 = vector.broadcast %broadcast_in_dim3A_150 : f32 to vector<16xf32>
      %swap3A_152 = arith.index_cast %scan3A_102 : i32 to index
      %swap3A_153 = arith.constant 112 : index
      %swap3A_154 = tpu.vector_load %arg13[%swap3A_152, %swap3A_153] {strides = array<i32>} : memref<128x128xf32, #tpu.memory_space<vmem>>, vector<1x16xf32>,
      %swap3A_155 = vector.shape_cast %swap3A_154 : vector<1x16xf32> to vector<16xf32>
      %swap3A_156 = vector.shape_cast %broadcast_in_dim3A_151 : vector<16xf32> to vector<1x16xf32>
      tpu.vector_store %arg13[%swap3A_152, %swap3A_153], %swap3A_156 {strides = array<i32>} : memref<128x128xf32, #tpu.memory_space<vmem>>, vector<1x16xf32>,
    }
    %scan3A_42 = arith.constant 128 : i32
    %add3A_43 = arith.constant 0 : i32
    %add3A_44 = arith.addi %mul3A_0, %add3A_43 : i32
    "tpu.region"() ({
      %run_scoped3A = tpu.sem_alloc : memref<!tpu.dma_semaphore, #tpu.memory_space<semaphore_mem>>
      %dma_start3A_102 = arith.constant 0 : i32
      %dma_start3A_103 = tpu.memref_slice %arg7[%add3A_44, %dma_start3A_102] : memref<10240x128xf32, #tpu.memory_space<vmem_shared>> -> memref<128x128xf32, #tpu.memory_space<vmem_shared>>
      %dma_start3A_104 = arith.constant 0 : i32
      %dma_start3A_105 = tpu.memref_slice %arg7[%add3A_44, %dma_start3A_104] : memref<10240x128xf32, #tpu.memory_space<vmem_shared>> -> memref<128x128xf32, #tpu.memory_space<vmem_shared>>
      tpu.enqueue_dma source(%arg13 : memref<128x128xf32, #tpu.memory_space<vmem>>) target(%dma_start3A_105 : memref<128x128xf32, #tpu.memory_space<vmem_shared>>) target_semaphore(%run_scoped3A : memref<!tpu.dma_semaphore, #tpu.memory_space<semaphore_mem>>)
      %dma_wait3A_106 = arith.constant 0 : i32
      %dma_wait3A_107 = tpu.memref_slice %arg7[%add3A_44, %dma_wait3A_106] : memref<10240x128xf32, #tpu.memory_space<vmem_shared>> -> memref<128x128xf32, #tpu.memory_space<vmem_shared>>
      %dma_wait3A_108 = arith.constant 0 : i32
      %dma_wait3A_109 = tpu.memref_slice %arg7[%add3A_44, %dma_wait3A_108] : memref<10240x128xf32, #tpu.memory_space<vmem_shared>> -> memref<128x128xf32, #tpu.memory_space<vmem_shared>>
      tpu.wait_dma2 semaphore(%run_scoped3A : memref<!tpu.dma_semaphore, #tpu.memory_space<semaphore_mem>>) src(%arg13 : memref<128x128xf32, #tpu.memory_space<vmem>>) dst(%dma_wait3A_109 : memref<128x128xf32, #tpu.memory_space<vmem_shared>>)
      tpu.yield
    }) : () -> ()
    %add3A_45 = arith.constant 128 : i32
    %add3A_46 = arith.addi %mul3A_0, %add3A_45 : i32
    "tpu.region"() ({
      %run_scoped3A = tpu.sem_alloc : memref<!tpu.dma_semaphore, #tpu.memory_space<semaphore_mem>>
      %dma_start3A_102 = arith.constant 0 : i32
      %dma_start3A_103 = tpu.memref_slice %arg7[%add3A_46, %dma_start3A_102] : memref<10240x128xf32, #tpu.memory_space<vmem_shared>> -> memref<128x128xf32, #tpu.memory_space<vmem_shared>>
      %dma_start3A_104 = arith.constant 0 : i32
      %dma_start3A_105 = tpu.memref_slice %arg7[%add3A_46, %dma_start3A_104] : memref<10240x128xf32, #tpu.memory_space<vmem_shared>> -> memref<128x128xf32, #tpu.memory_space<vmem_shared>>
      tpu.enqueue_dma source(%arg13 : memref<128x128xf32, #tpu.memory_space<vmem>>) target(%dma_start3A_105 : memref<128x128xf32, #tpu.memory_space<vmem_shared>>) target_semaphore(%run_scoped3A : memref<!tpu.dma_semaphore, #tpu.memory_space<semaphore_mem>>)
      %dma_wait3A_106 = arith.constant 0 : i32
      %dma_wait3A_107 = tpu.memref_slice %arg7[%add3A_46, %dma_wait3A_106] : memref<10240x128xf32, #tpu.memory_space<vmem_shared>> -> memref<128x128xf32, #tpu.memory_space<vmem_shared>>
      %dma_wait3A_108 = arith.constant 0 : i32
      %dma_wait3A_109 = tpu.memref_slice %arg7[%add3A_46, %dma_wait3A_108] : memref<10240x128xf32, #tpu.memory_space<vmem_shared>> -> memref<128x128xf32, #tpu.memory_space<vmem_shared>>
      tpu.wait_dma2 semaphore(%run_scoped3A : memref<!tpu.dma_semaphore, #tpu.memory_space<semaphore_mem>>) src(%arg13 : memref<128x128xf32, #tpu.memory_space<vmem>>) dst(%dma_wait3A_109 : memref<128x128xf32, #tpu.memory_space<vmem_shared>>)
      tpu.yield
    }) : () -> ()
    %add3A_47 = arith.constant 256 : i32
    %add3A_48 = arith.addi %mul3A_0, %add3A_47 : i32
    "tpu.region"() ({
      %run_scoped3A = tpu.sem_alloc : memref<!tpu.dma_semaphore, #tpu.memory_space<semaphore_mem>>
      %dma_start3A_102 = arith.constant 0 : i32
      %dma_start3A_103 = tpu.memref_slice %arg7[%add3A_48, %dma_start3A_102] : memref<10240x128xf32, #tpu.memory_space<vmem_shared>> -> memref<128x128xf32, #tpu.memory_space<vmem_shared>>
      %dma_start3A_104 = arith.constant 0 : i32
      %dma_start3A_105 = tpu.memref_slice %arg7[%add3A_48, %dma_start3A_104] : memref<10240x128xf32, #tpu.memory_space<vmem_shared>> -> memref<128x128xf32, #tpu.memory_space<vmem_shared>>
      tpu.enqueue_dma source(%arg13 : memref<128x128xf32, #tpu.memory_space<vmem>>) target(%dma_start3A_105 : memref<128x128xf32, #tpu.memory_space<vmem_shared>>) target_semaphore(%run_scoped3A : memref<!tpu.dma_semaphore, #tpu.memory_space<semaphore_mem>>)
      %dma_wait3A_106 = arith.constant 0 : i32
      %dma_wait3A_107 = tpu.memref_slice %arg7[%add3A_48, %dma_wait3A_106] : memref<10240x128xf32, #tpu.memory_space<vmem_shared>> -> memref<128x128xf32, #tpu.memory_space<vmem_shared>>
      %dma_wait3A_108 = arith.constant 0 : i32
      %dma_wait3A_109 = tpu.memref_slice %arg7[%add3A_48, %dma_wait3A_108] : memref<10240x128xf32, #tpu.memory_space<vmem_shared>> -> memref<128x128xf32, #tpu.memory_space<vmem_shared>>
      tpu.wait_dma2 semaphore(%run_scoped3A : memref<!tpu.dma_semaphore, #tpu.memory_space<semaphore_mem>>) src(%arg13 : memref<128x128xf32, #tpu.memory_space<vmem>>) dst(%dma_wait3A_109 : memref<128x128xf32, #tpu.memory_space<vmem_shared>>)
      tpu.yield
    }) : () -> ()
    %add3A_49 = arith.constant 384 : i32
    %add3A_50 = arith.addi %mul3A_0, %add3A_49 : i32
    "tpu.region"() ({
      %run_scoped3A = tpu.sem_alloc : memref<!tpu.dma_semaphore, #tpu.memory_space<semaphore_mem>>
      %dma_start3A_102 = arith.constant 0 : i32
      %dma_start3A_103 = tpu.memref_slice %arg7[%add3A_50, %dma_start3A_102] : memref<10240x128xf32, #tpu.memory_space<vmem_shared>> -> memref<128x128xf32, #tpu.memory_space<vmem_shared>>
      %dma_start3A_104 = arith.constant 0 : i32
      %dma_start3A_105 = tpu.memref_slice %arg7[%add3A_50, %dma_start3A_104] : memref<10240x128xf32, #tpu.memory_space<vmem_shared>> -> memref<128x128xf32, #tpu.memory_space<vmem_shared>>
      tpu.enqueue_dma source(%arg13 : memref<128x128xf32, #tpu.memory_space<vmem>>) target(%dma_start3A_105 : memref<128x128xf32, #tpu.memory_space<vmem_shared>>) target_semaphore(%run_scoped3A : memref<!tpu.dma_semaphore, #tpu.memory_space<semaphore_mem>>)
      %dma_wait3A_106 = arith.constant 0 : i32
      %dma_wait3A_107 = tpu.memref_slice %arg7[%add3A_50, %dma_wait3A_106] : memref<10240x128xf32, #tpu.memory_space<vmem_shared>> -> memref<128x128xf32, #tpu.memory_space<vmem_shared>>
      %dma_wait3A_108 = arith.constant 0 : i32
      %dma_wait3A_109 = tpu.memref_slice %arg7[%add3A_50, %dma_wait3A_108] : memref<10240x128xf32, #tpu.memory_space<vmem_shared>> -> memref<128x128xf32, #tpu.memory_space<vmem_shared>>
      tpu.wait_dma2 semaphore(%run_scoped3A : memref<!tpu.dma_semaphore, #tpu.memory_space<semaphore_mem>>) src(%arg13 : memref<128x128xf32, #tpu.memory_space<vmem>>) dst(%dma_wait3A_109 : memref<128x128xf32, #tpu.memory_space<vmem_shared>>)
      tpu.yield
    }) : () -> ()
    %add3A_51 = arith.constant 512 : i32
    %add3A_52 = arith.addi %mul3A_0, %add3A_51 : i32
    "tpu.region"() ({
      %run_scoped3A = tpu.sem_alloc : memref<!tpu.dma_semaphore, #tpu.memory_space<semaphore_mem>>
      %dma_start3A_102 = arith.constant 0 : i32
      %dma_start3A_103 = tpu.memref_slice %arg7[%add3A_52, %dma_start3A_102] : memref<10240x128xf32, #tpu.memory_space<vmem_shared>> -> memref<128x128xf32, #tpu.memory_space<vmem_shared>>
      %dma_start3A_104 = arith.constant 0 : i32
      %dma_start3A_105 = tpu.memref_slice %arg7[%add3A_52, %dma_start3A_104] : memref<10240x128xf32, #tpu.memory_space<vmem_shared>> -> memref<128x128xf32, #tpu.memory_space<vmem_shared>>
      tpu.enqueue_dma source(%arg13 : memref<128x128xf32, #tpu.memory_space<vmem>>) target(%dma_start3A_105 : memref<128x128xf32, #tpu.memory_space<vmem_shared>>) target_semaphore(%run_scoped3A : memref<!tpu.dma_semaphore, #tpu.memory_space<semaphore_mem>>)
      %dma_wait3A_106 = arith.constant 0 : i32
      %dma_wait3A_107 = tpu.memref_slice %arg7[%add3A_52, %dma_wait3A_106] : memref<10240x128xf32, #tpu.memory_space<vmem_shared>> -> memref<128x128xf32, #tpu.memory_space<vmem_shared>>
      %dma_wait3A_108 = arith.constant 0 : i32
      %dma_wait3A_109 = tpu.memref_slice %arg7[%add3A_52, %dma_wait3A_108] : memref<10240x128xf32, #tpu.memory_space<vmem_shared>> -> memref<128x128xf32, #tpu.memory_space<vmem_shared>>
      tpu.wait_dma2 semaphore(%run_scoped3A : memref<!tpu.dma_semaphore, #tpu.memory_space<semaphore_mem>>) src(%arg13 : memref<128x128xf32, #tpu.memory_space<vmem>>) dst(%dma_wait3A_109 : memref<128x128xf32, #tpu.memory_space<vmem_shared>>)
      tpu.yield
    }) : () -> ()
    %dma_wait3A = arith.constant 0 : i32
    %dma_wait3A_53 = arith.constant 0 : i32
    %dma_wait3A_54 = arith.constant 0 : i32
    %dma_wait3A_55 = arith.constant 0 : i32
    %dma_wait3A_56 = tpu.memref_slice %arg8[%dma_wait3A_53, %dma_wait3A_54, %dma_wait3A_55] : memref<2x3x80xi32, #tpu.memory_space<vmem>> -> memref<1x3x80xi32, #tpu.memory_space<vmem>>
    %dma_wait3A_57 = tpu.memref_squeeze %dma_wait3A_56 : memref<1x3x80xi32, #tpu.memory_space<vmem>> -> memref<3x80xi32, #tpu.memory_space<vmem>>
    %dma_wait3A_58 = arith.constant 0 : i32
    %dma_wait3A_59 = arith.constant 0 : i32
    %dma_wait3A_60 = tpu.memref_slice %arg3[%add3A, %dma_wait3A, %dma_wait3A_58, %dma_wait3A_59] : memref<32x42x3x80xi32, #tpu.memory_space<hbm>> -> memref<1x1x3x80xi32, #tpu.memory_space<hbm>>
    %dma_wait3A_61 = tpu.memref_squeeze %dma_wait3A_60 : memref<1x1x3x80xi32, #tpu.memory_space<hbm>> -> memref<3x80xi32, #tpu.memory_space<hbm>>
    %dma_wait3A_62 = arith.constant 0 : i32
    %dma_wait3A_63 = arith.constant 0 : i32
    %dma_wait3A_64 = tpu.memref_slice %arg8[%dma_wait3A_53, %dma_wait3A_62, %dma_wait3A_63] : memref<2x3x80xi32, #tpu.memory_space<vmem>> -> memref<1x3x80xi32, #tpu.memory_space<vmem>>
    %dma_wait3A_65 = tpu.memref_squeeze %dma_wait3A_64 : memref<1x3x80xi32, #tpu.memory_space<vmem>> -> memref<3x80xi32, #tpu.memory_space<vmem>>
    %dma_wait3A_66 = arith.constant 0 : i32
    %dma_wait3A_67 = arith.constant 0 : i32
    %dma_wait3A_68 = tpu.memref_slice %arg3[%add3A, %dma_wait3A, %dma_wait3A_66, %dma_wait3A_67] : memref<32x42x3x80xi32, #tpu.memory_space<hbm>> -> memref<1x1x3x80xi32, #tpu.memory_space<hbm>>
    %dma_wait3A_69 = tpu.memref_squeeze %dma_wait3A_68 : memref<1x1x3x80xi32, #tpu.memory_space<hbm>> -> memref<3x80xi32, #tpu.memory_space<hbm>>
    tpu.wait_dma2 semaphore(%arg15 : memref<!tpu.dma_semaphore, #tpu.memory_space<semaphore_mem>>) src(%dma_wait3A_69 : memref<3x80xi32, #tpu.memory_space<hbm>>) dst(%dma_wait3A_65 : memref<3x80xi32, #tpu.memory_space<vmem>>)
    %dma_wait3A_70 = arith.constant 0 : i32
    %dma_wait3A_71 = arith.constant 0 : i32
    %dma_wait3A_72 = arith.constant 0 : i32
    %dma_wait3A_73 = arith.constant 0 : i32
    %dma_wait3A_74 = tpu.memref_slice %arg9[%dma_wait3A_71, %dma_wait3A_72, %dma_wait3A_73] : memref<2x3x80xi32, #tpu.memory_space<vmem>> -> memref<1x3x80xi32, #tpu.memory_space<vmem>>
    %dma_wait3A_75 = tpu.memref_squeeze %dma_wait3A_74 : memref<1x3x80xi32, #tpu.memory_space<vmem>> -> memref<3x80xi32, #tpu.memory_space<vmem>>
    %dma_wait3A_76 = arith.constant 0 : i32
    %dma_wait3A_77 = arith.constant 0 : i32
    %dma_wait3A_78 = tpu.memref_slice %arg4[%add3A, %dma_wait3A_70, %dma_wait3A_76, %dma_wait3A_77] : memref<32x42x3x80xi32, #tpu.memory_space<hbm>> -> memref<1x1x3x80xi32, #tpu.memory_space<hbm>>
    %dma_wait3A_79 = tpu.memref_squeeze %dma_wait3A_78 : memref<1x1x3x80xi32, #tpu.memory_space<hbm>> -> memref<3x80xi32, #tpu.memory_space<hbm>>
    %dma_wait3A_80 = arith.constant 0 : i32
    %dma_wait3A_81 = arith.constant 0 : i32
    %dma_wait3A_82 = tpu.memref_slice %arg9[%dma_wait3A_71, %dma_wait3A_80, %dma_wait3A_81] : memref<2x3x80xi32, #tpu.memory_space<vmem>> -> memref<1x3x80xi32, #tpu.memory_space<vmem>>
    %dma_wait3A_83 = tpu.memref_squeeze %dma_wait3A_82 : memref<1x3x80xi32, #tpu.memory_space<vmem>> -> memref<3x80xi32, #tpu.memory_space<vmem>>
    %dma_wait3A_84 = arith.constant 0 : i32
    %dma_wait3A_85 = arith.constant 0 : i32
    %dma_wait3A_86 = tpu.memref_slice %arg4[%add3A, %dma_wait3A_70, %dma_wait3A_84, %dma_wait3A_85] : memref<32x42x3x80xi32, #tpu.memory_space<hbm>> -> memref<1x1x3x80xi32, #tpu.memory_space<hbm>>
    %dma_wait3A_87 = tpu.memref_squeeze %dma_wait3A_86 : memref<1x1x3x80xi32, #tpu.memory_space<hbm>> -> memref<3x80xi32, #tpu.memory_space<hbm>>
    tpu.wait_dma2 semaphore(%arg15 : memref<!tpu.dma_semaphore, #tpu.memory_space<semaphore_mem>>) src(%dma_wait3A_87 : memref<3x80xi32, #tpu.memory_space<hbm>>) dst(%dma_wait3A_83 : memref<3x80xi32, #tpu.memory_space<vmem>>)
    %barrier3A = arith.constant 0 : index
    tpu.barrier barrier_id(%barrier3A)
    %scan3A_88 = arith.constant 0 : i32
    %scan3A_89 = arith.constant 0 : i32
    %scan3A_90 = arith.constant 42 : i32
    %scan3A_91 = arith.addi %scan3A_89, %scan3A_90 : i32
    %scan3A_92 = arith.constant 1 : i32
    scf.for %scan3A_102 = %scan3A_89 to %scan3A_91 step %scan3A_92  : i32 {
      %rem3A = arith.constant 2 : i32
      %rem3A_103 = arith.remsi %scan3A_102, %rem3A : i32
      %add3A_104 = arith.constant 1 : i32
      %add3A_105 = arith.addi %scan3A_102, %add3A_104 : i32
      %lt3A = arith.constant 42 : i32
      %lt3A_106 = arith.cmpi slt, %add3A_105, %lt3A : i32
      %convert_element_type3A_107 = arith.extui %lt3A_106 : i1 to i32
      %cond3A_108 = arith.constant 0 : i32
      %cond3A_109 = arith.cmpi ne, %convert_element_type3A_107, %cond3A_108 : i32
      scf.if %cond3A_109 {
        %add3A_161 = arith.constant 1 : i32
        %add3A_162 = arith.addi %scan3A_102, %add3A_161 : i32
        %sub3A = arith.constant 1 : i32
        %sub3A_163 = arith.subi %sub3A, %rem3A_103 : i32
        %dma_start3A_164 = arith.constant 0 : i32
        %dma_start3A_165 = arith.constant 0 : i32
        %dma_start3A_166 = tpu.memref_slice %arg8[%sub3A_163, %dma_start3A_164, %dma_start3A_165] : memref<2x3x80xi32, #tpu.memory_space<vmem>> -> memref<1x3x80xi32, #tpu.memory_space<vmem>>
        %dma_start3A_167 = tpu.memref_squeeze %dma_start3A_166 : memref<1x3x80xi32, #tpu.memory_space<vmem>> -> memref<3x80xi32, #tpu.memory_space<vmem>>
        %dma_start3A_168 = arith.constant 0 : i32
        %dma_start3A_169 = arith.constant 0 : i32
        %dma_start3A_170 = tpu.memref_slice %arg3[%add3A, %add3A_162, %dma_start3A_168, %dma_start3A_169] : memref<32x42x3x80xi32, #tpu.memory_space<hbm>> -> memref<1x1x3x80xi32, #tpu.memory_space<hbm>>
        %dma_start3A_171 = tpu.memref_squeeze %dma_start3A_170 : memref<1x1x3x80xi32, #tpu.memory_space<hbm>> -> memref<3x80xi32, #tpu.memory_space<hbm>>
        %dma_start3A_172 = arith.constant 0 : i32
        %dma_start3A_173 = arith.constant 0 : i32
        %dma_start3A_174 = tpu.memref_slice %arg8[%sub3A_163, %dma_start3A_172, %dma_start3A_173] : memref<2x3x80xi32, #tpu.memory_space<vmem>> -> memref<1x3x80xi32, #tpu.memory_space<vmem>>
        %dma_start3A_175 = tpu.memref_squeeze %dma_start3A_174 : memref<1x3x80xi32, #tpu.memory_space<vmem>> -> memref<3x80xi32, #tpu.memory_space<vmem>>
        %dma_start3A_176 = arith.constant 0 : i32
        %dma_start3A_177 = arith.constant 0 : i32
        %dma_start3A_178 = tpu.memref_slice %arg3[%add3A, %add3A_162, %dma_start3A_176, %dma_start3A_177] : memref<32x42x3x80xi32, #tpu.memory_space<hbm>> -> memref<1x1x3x80xi32, #tpu.memory_space<hbm>>
        %dma_start3A_179 = tpu.memref_squeeze %dma_start3A_178 : memref<1x1x3x80xi32, #tpu.memory_space<hbm>> -> memref<3x80xi32, #tpu.memory_space<hbm>>
        tpu.enqueue_dma source(%dma_start3A_179 : memref<3x80xi32, #tpu.memory_space<hbm>>) target(%dma_start3A_175 : memref<3x80xi32, #tpu.memory_space<vmem>>) target_semaphore(%arg15 : memref<!tpu.dma_semaphore, #tpu.memory_space<semaphore_mem>>)
        %add3A_180 = arith.constant 1 : i32
        %add3A_181 = arith.addi %scan3A_102, %add3A_180 : i32
        %sub3A_182 = arith.constant 1 : i32
        %sub3A_183 = arith.subi %sub3A_182, %rem3A_103 : i32
        %dma_start3A_184 = arith.constant 0 : i32
        %dma_start3A_185 = arith.constant 0 : i32
        %dma_start3A_186 = tpu.memref_slice %arg9[%sub3A_183, %dma_start3A_184, %dma_start3A_185] : memref<2x3x80xi32, #tpu.memory_space<vmem>> -> memref<1x3x80xi32, #tpu.memory_space<vmem>>
        %dma_start3A_187 = tpu.memref_squeeze %dma_start3A_186 : memref<1x3x80xi32, #tpu.memory_space<vmem>> -> memref<3x80xi32, #tpu.memory_space<vmem>>
        %dma_start3A_188 = arith.constant 0 : i32
        %dma_start3A_189 = arith.constant 0 : i32
        %dma_start3A_190 = tpu.memref_slice %arg4[%add3A, %add3A_181, %dma_start3A_188, %dma_start3A_189] : memref<32x42x3x80xi32, #tpu.memory_space<hbm>> -> memref<1x1x3x80xi32, #tpu.memory_space<hbm>>
        %dma_start3A_191 = tpu.memref_squeeze %dma_start3A_190 : memref<1x1x3x80xi32, #tpu.memory_space<hbm>> -> memref<3x80xi32, #tpu.memory_space<hbm>>
        %dma_start3A_192 = arith.constant 0 : i32
        %dma_start3A_193 = arith.constant 0 : i32
        %dma_start3A_194 = tpu.memref_slice %arg9[%sub3A_183, %dma_start3A_192, %dma_start3A_193] : memref<2x3x80xi32, #tpu.memory_space<vmem>> -> memref<1x3x80xi32, #tpu.memory_space<vmem>>
        %dma_start3A_195 = tpu.memref_squeeze %dma_start3A_194 : memref<1x3x80xi32, #tpu.memory_space<vmem>> -> memref<3x80xi32, #tpu.memory_space<vmem>>
        %dma_start3A_196 = arith.constant 0 : i32
        %dma_start3A_197 = arith.constant 0 : i32
        %dma_start3A_198 = tpu.memref_slice %arg4[%add3A, %add3A_181, %dma_start3A_196, %dma_start3A_197] : memref<32x42x3x80xi32, #tpu.memory_space<hbm>> -> memref<1x1x3x80xi32, #tpu.memory_space<hbm>>
        %dma_start3A_199 = tpu.memref_squeeze %dma_start3A_198 : memref<1x1x3x80xi32, #tpu.memory_space<hbm>> -> memref<3x80xi32, #tpu.memory_space<hbm>>
        tpu.enqueue_dma source(%dma_start3A_199 : memref<3x80xi32, #tpu.memory_space<hbm>>) target(%dma_start3A_195 : memref<3x80xi32, #tpu.memory_space<vmem>>) target_semaphore(%arg15 : memref<!tpu.dma_semaphore, #tpu.memory_space<semaphore_mem>>)
      } else {
      }
      %dma_start3A_110 = arith.constant 0 : i32
      %dma_start3A_111 = arith.constant 0 : i32
      %dma_start3A_112 = tpu.memref_slice %arg8[%rem3A_103, %dma_start3A_110, %dma_start3A_111] : memref<2x3x80xi32, #tpu.memory_space<vmem>> -> memref<1x1x80xi32, #tpu.memory_space<vmem>>
      %dma_start3A_113 = tpu.memref_squeeze %dma_start3A_112 : memref<1x1x80xi32, #tpu.memory_space<vmem>> -> memref<80xi32, #tpu.memory_space<vmem>>
      %dma_start3A_114 = arith.constant 0 : i32
      %dma_start3A_115 = arith.constant 0 : i32
      %dma_start3A_116 = tpu.memref_slice %arg2[%dma_start3A_114, %dma_start3A_115] : memref<10000x128xf32, #tpu.memory_space<hbm>> -> memref<10000x128xf32, #tpu.memory_space<hbm>>
      tpu.enqueue_indirect_dma source(%dma_start3A_116 : memref<10000x128xf32, #tpu.memory_space<hbm>>) target(%arg10 : memref<80x128xf32, #tpu.memory_space<vmem>>) offsets(%dma_start3A_113 : memref<80xi32, #tpu.memory_space<vmem>>) semaphore(%arg14 : memref<!tpu.dma_semaphore, #tpu.memory_space<semaphore_mem>>)
      %dma_start3A_117 = arith.constant 1 : i32
      %dma_start3A_118 = arith.constant 0 : i32
      %dma_start3A_119 = tpu.memref_slice %arg8[%rem3A_103, %dma_start3A_117, %dma_start3A_118] : memref<2x3x80xi32, #tpu.memory_space<vmem>> -> memref<1x1x80xi32, #tpu.memory_space<vmem>>
      %dma_start3A_120 = tpu.memref_squeeze %dma_start3A_119 : memref<1x1x80xi32, #tpu.memory_space<vmem>> -> memref<80xi32, #tpu.memory_space<vmem>>
      %dma_start3A_121 = arith.constant 0 : i32
      %dma_start3A_122 = arith.constant 0 : i32
      %dma_start3A_123 = tpu.memref_slice %arg2[%dma_start3A_121, %dma_start3A_122] : memref<10000x128xf32, #tpu.memory_space<hbm>> -> memref<10000x128xf32, #tpu.memory_space<hbm>>
      tpu.enqueue_indirect_dma source(%dma_start3A_123 : memref<10000x128xf32, #tpu.memory_space<hbm>>) target(%arg11 : memref<80x128xf32, #tpu.memory_space<vmem>>) offsets(%dma_start3A_120 : memref<80xi32, #tpu.memory_space<vmem>>) semaphore(%arg14 : memref<!tpu.dma_semaphore, #tpu.memory_space<semaphore_mem>>)
      %dma_start3A_124 = arith.constant 2 : i32
      %dma_start3A_125 = arith.constant 0 : i32
      %dma_start3A_126 = tpu.memref_slice %arg8[%rem3A_103, %dma_start3A_124, %dma_start3A_125] : memref<2x3x80xi32, #tpu.memory_space<vmem>> -> memref<1x1x80xi32, #tpu.memory_space<vmem>>
      %dma_start3A_127 = tpu.memref_squeeze %dma_start3A_126 : memref<1x1x80xi32, #tpu.memory_space<vmem>> -> memref<80xi32, #tpu.memory_space<vmem>>
      %dma_start3A_128 = arith.constant 0 : i32
      %dma_start3A_129 = arith.constant 0 : i32
      %dma_start3A_130 = tpu.memref_slice %arg2[%dma_start3A_128, %dma_start3A_129] : memref<10000x128xf32, #tpu.memory_space<hbm>> -> memref<10000x128xf32, #tpu.memory_space<hbm>>
      tpu.enqueue_indirect_dma source(%dma_start3A_130 : memref<10000x128xf32, #tpu.memory_space<hbm>>) target(%arg12 : memref<80x128xf32, #tpu.memory_space<vmem>>) offsets(%dma_start3A_127 : memref<80xi32, #tpu.memory_space<vmem>>) semaphore(%arg14 : memref<!tpu.dma_semaphore, #tpu.memory_space<semaphore_mem>>)
      %dma_wait3A_131 = arith.constant 0 : i32
      %dma_wait3A_132 = arith.constant 0 : i32
      %dma_wait3A_133 = tpu.memref_slice %arg8[%rem3A_103, %dma_wait3A_131, %dma_wait3A_132] : memref<2x3x80xi32, #tpu.memory_space<vmem>> -> memref<1x1x80xi32, #tpu.memory_space<vmem>>
      %dma_wait3A_134 = tpu.memref_squeeze %dma_wait3A_133 : memref<1x1x80xi32, #tpu.memory_space<vmem>> -> memref<80xi32, #tpu.memory_space<vmem>>
      %dma_wait3A_135 = arith.constant 0 : i32
      %dma_wait3A_136 = arith.constant 0 : i32
      %dma_wait3A_137 = tpu.memref_slice %arg2[%dma_wait3A_135, %dma_wait3A_136] : memref<10000x128xf32, #tpu.memory_space<hbm>> -> memref<10000x128xf32, #tpu.memory_space<hbm>>
      tpu.wait_indirect_dma semaphore(%arg14 : memref<!tpu.dma_semaphore, #tpu.memory_space<semaphore_mem>>) src(%dma_wait3A_137 : memref<10000x128xf32, #tpu.memory_space<hbm>>) dst(%arg10 : memref<80x128xf32, #tpu.memory_space<vmem>>)
      %run_scoped3A = arith.constant 0 : i32
      "tpu.region"() ({
        %run_scoped3A_161 = tpu.sem_alloc : memref<!tpu.dma_semaphore, #tpu.memory_space<semaphore_mem>>
        %dma_start3A_162 = arith.constant 0 : i32
        %dma_start3A_163 = tpu.memref_slice %arg9[%rem3A_103, %run_scoped3A, %dma_start3A_162] : memref<2x3x80xi32, #tpu.memory_space<vmem>> -> memref<1x1x80xi32, #tpu.memory_space<vmem>>
        %dma_start3A_164 = tpu.memref_squeeze %dma_start3A_163 : memref<1x1x80xi32, #tpu.memory_space<vmem>> -> memref<80xi32, #tpu.memory_space<vmem>>
        %dma_start3A_165 = arith.constant 0 : i32
        %dma_start3A_166 = arith.constant 0 : i32
        %dma_start3A_167 = tpu.memref_slice %arg7[%dma_start3A_165, %dma_start3A_166] : memref<10240x128xf32, #tpu.memory_space<vmem_shared>> -> memref<10240x128xf32, #tpu.memory_space<vmem_shared>>
        tpu.enqueue_indirect_dma source(%arg10 : memref<80x128xf32, #tpu.memory_space<vmem>>) target(%dma_start3A_167 : memref<10240x128xf32, #tpu.memory_space<vmem_shared>>) offsets(%dma_start3A_164 : memref<80xi32, #tpu.memory_space<vmem>>) semaphore(%run_scoped3A_161 : memref<!tpu.dma_semaphore, #tpu.memory_space<semaphore_mem>>) {add = true}
        %dma_wait3A_168 = arith.constant 0 : i32
        %dma_wait3A_169 = tpu.memref_slice %arg9[%rem3A_103, %run_scoped3A, %dma_wait3A_168] : memref<2x3x80xi32, #tpu.memory_space<vmem>> -> memref<1x1x80xi32, #tpu.memory_space<vmem>>
        %dma_wait3A_170 = tpu.memref_squeeze %dma_wait3A_169 : memref<1x1x80xi32, #tpu.memory_space<vmem>> -> memref<80xi32, #tpu.memory_space<vmem>>
        %dma_wait3A_171 = arith.constant 0 : i32
        %dma_wait3A_172 = arith.constant 0 : i32
        %dma_wait3A_173 = tpu.memref_slice %arg7[%dma_wait3A_171, %dma_wait3A_172] : memref<10240x128xf32, #tpu.memory_space<vmem_shared>> -> memref<10240x128xf32, #tpu.memory_space<vmem_shared>>
        tpu.wait_indirect_dma semaphore(%run_scoped3A_161 : memref<!tpu.dma_semaphore, #tpu.memory_space<semaphore_mem>>) src(%arg10 : memref<80x128xf32, #tpu.memory_space<vmem>>) dst(%dma_wait3A_173 : memref<10240x128xf32, #tpu.memory_space<vmem_shared>>)
        tpu.yield
      }) : () -> ()
      %dma_wait3A_138 = arith.constant 1 : i32
      %dma_wait3A_139 = arith.constant 0 : i32
      %dma_wait3A_140 = tpu.memref_slice %arg8[%rem3A_103, %dma_wait3A_138, %dma_wait3A_139] : memref<2x3x80xi32, #tpu.memory_space<vmem>> -> memref<1x1x80xi32, #tpu.memory_space<vmem>>
      %dma_wait3A_141 = tpu.memref_squeeze %dma_wait3A_140 : memref<1x1x80xi32, #tpu.memory_space<vmem>> -> memref<80xi32, #tpu.memory_space<vmem>>
      %dma_wait3A_142 = arith.constant 0 : i32
      %dma_wait3A_143 = arith.constant 0 : i32
      %dma_wait3A_144 = tpu.memref_slice %arg2[%dma_wait3A_142, %dma_wait3A_143] : memref<10000x128xf32, #tpu.memory_space<hbm>> -> memref<10000x128xf32, #tpu.memory_space<hbm>>
      tpu.wait_indirect_dma semaphore(%arg14 : memref<!tpu.dma_semaphore, #tpu.memory_space<semaphore_mem>>) src(%dma_wait3A_144 : memref<10000x128xf32, #tpu.memory_space<hbm>>) dst(%arg11 : memref<80x128xf32, #tpu.memory_space<vmem>>)
      %run_scoped3A_145 = arith.constant 1 : i32
      "tpu.region"() ({
        %run_scoped3A_161 = tpu.sem_alloc : memref<!tpu.dma_semaphore, #tpu.memory_space<semaphore_mem>>
        %dma_start3A_162 = arith.constant 0 : i32
        %dma_start3A_163 = tpu.memref_slice %arg9[%rem3A_103, %run_scoped3A_145, %dma_start3A_162] : memref<2x3x80xi32, #tpu.memory_space<vmem>> -> memref<1x1x80xi32, #tpu.memory_space<vmem>>
        %dma_start3A_164 = tpu.memref_squeeze %dma_start3A_163 : memref<1x1x80xi32, #tpu.memory_space<vmem>> -> memref<80xi32, #tpu.memory_space<vmem>>
        %dma_start3A_165 = arith.constant 0 : i32
        %dma_start3A_166 = arith.constant 0 : i32
        %dma_start3A_167 = tpu.memref_slice %arg7[%dma_start3A_165, %dma_start3A_166] : memref<10240x128xf32, #tpu.memory_space<vmem_shared>> -> memref<10240x128xf32, #tpu.memory_space<vmem_shared>>
        tpu.enqueue_indirect_dma source(%arg11 : memref<80x128xf32, #tpu.memory_space<vmem>>) target(%dma_start3A_167 : memref<10240x128xf32, #tpu.memory_space<vmem_shared>>) offsets(%dma_start3A_164 : memref<80xi32, #tpu.memory_space<vmem>>) semaphore(%run_scoped3A_161 : memref<!tpu.dma_semaphore, #tpu.memory_space<semaphore_mem>>) {add = true}
        %dma_wait3A_168 = arith.constant 0 : i32
        %dma_wait3A_169 = tpu.memref_slice %arg9[%rem3A_103, %run_scoped3A_145, %dma_wait3A_168] : memref<2x3x80xi32, #tpu.memory_space<vmem>> -> memref<1x1x80xi32, #tpu.memory_space<vmem>>
        %dma_wait3A_170 = tpu.memref_squeeze %dma_wait3A_169 : memref<1x1x80xi32, #tpu.memory_space<vmem>> -> memref<80xi32, #tpu.memory_space<vmem>>
        %dma_wait3A_171 = arith.constant 0 : i32
        %dma_wait3A_172 = arith.constant 0 : i32
        %dma_wait3A_173 = tpu.memref_slice %arg7[%dma_wait3A_171, %dma_wait3A_172] : memref<10240x128xf32, #tpu.memory_space<vmem_shared>> -> memref<10240x128xf32, #tpu.memory_space<vmem_shared>>
        tpu.wait_indirect_dma semaphore(%run_scoped3A_161 : memref<!tpu.dma_semaphore, #tpu.memory_space<semaphore_mem>>) src(%arg11 : memref<80x128xf32, #tpu.memory_space<vmem>>) dst(%dma_wait3A_173 : memref<10240x128xf32, #tpu.memory_space<vmem_shared>>)
        tpu.yield
      }) : () -> ()
      %dma_wait3A_146 = arith.constant 2 : i32
      %dma_wait3A_147 = arith.constant 0 : i32
      %dma_wait3A_148 = tpu.memref_slice %arg8[%rem3A_103, %dma_wait3A_146, %dma_wait3A_147] : memref<2x3x80xi32, #tpu.memory_space<vmem>> -> memref<1x1x80xi32, #tpu.memory_space<vmem>>
      %dma_wait3A_149 = tpu.memref_squeeze %dma_wait3A_148 : memref<1x1x80xi32, #tpu.memory_space<vmem>> -> memref<80xi32, #tpu.memory_space<vmem>>
      %dma_wait3A_150 = arith.constant 0 : i32
      %dma_wait3A_151 = arith.constant 0 : i32
      %dma_wait3A_152 = tpu.memref_slice %arg2[%dma_wait3A_150, %dma_wait3A_151] : memref<10000x128xf32, #tpu.memory_space<hbm>> -> memref<10000x128xf32, #tpu.memory_space<hbm>>
      tpu.wait_indirect_dma semaphore(%arg14 : memref<!tpu.dma_semaphore, #tpu.memory_space<semaphore_mem>>) src(%dma_wait3A_152 : memref<10000x128xf32, #tpu.memory_space<hbm>>) dst(%arg12 : memref<80x128xf32, #tpu.memory_space<vmem>>)
      %run_scoped3A_153 = arith.constant 2 : i32
      "tpu.region"() ({
        %run_scoped3A_161 = tpu.sem_alloc : memref<!tpu.dma_semaphore, #tpu.memory_space<semaphore_mem>>
        %dma_start3A_162 = arith.constant 0 : i32
        %dma_start3A_163 = tpu.memref_slice %arg9[%rem3A_103, %run_scoped3A_153, %dma_start3A_162] : memref<2x3x80xi32, #tpu.memory_space<vmem>> -> memref<1x1x80xi32, #tpu.memory_space<vmem>>
        %dma_start3A_164 = tpu.memref_squeeze %dma_start3A_163 : memref<1x1x80xi32, #tpu.memory_space<vmem>> -> memref<80xi32, #tpu.memory_space<vmem>>
        %dma_start3A_165 = arith.constant 0 : i32
        %dma_start3A_166 = arith.constant 0 : i32
        %dma_start3A_167 = tpu.memref_slice %arg7[%dma_start3A_165, %dma_start3A_166] : memref<10240x128xf32, #tpu.memory_space<vmem_shared>> -> memref<10240x128xf32, #tpu.memory_space<vmem_shared>>
        tpu.enqueue_indirect_dma source(%arg12 : memref<80x128xf32, #tpu.memory_space<vmem>>) target(%dma_start3A_167 : memref<10240x128xf32, #tpu.memory_space<vmem_shared>>) offsets(%dma_start3A_164 : memref<80xi32, #tpu.memory_space<vmem>>) semaphore(%run_scoped3A_161 : memref<!tpu.dma_semaphore, #tpu.memory_space<semaphore_mem>>) {add = true}
        %dma_wait3A_168 = arith.constant 0 : i32
        %dma_wait3A_169 = tpu.memref_slice %arg9[%rem3A_103, %run_scoped3A_153, %dma_wait3A_168] : memref<2x3x80xi32, #tpu.memory_space<vmem>> -> memref<1x1x80xi32, #tpu.memory_space<vmem>>
        %dma_wait3A_170 = tpu.memref_squeeze %dma_wait3A_169 : memref<1x1x80xi32, #tpu.memory_space<vmem>> -> memref<80xi32, #tpu.memory_space<vmem>>
        %dma_wait3A_171 = arith.constant 0 : i32
        %dma_wait3A_172 = arith.constant 0 : i32
        %dma_wait3A_173 = tpu.memref_slice %arg7[%dma_wait3A_171, %dma_wait3A_172] : memref<10240x128xf32, #tpu.memory_space<vmem_shared>> -> memref<10240x128xf32, #tpu.memory_space<vmem_shared>>
        tpu.wait_indirect_dma semaphore(%run_scoped3A_161 : memref<!tpu.dma_semaphore, #tpu.memory_space<semaphore_mem>>) src(%arg12 : memref<80x128xf32, #tpu.memory_space<vmem>>) dst(%dma_wait3A_173 : memref<10240x128xf32, #tpu.memory_space<vmem_shared>>)
        tpu.yield
      }) : () -> ()
      %add3A_154 = arith.constant 1 : i32
      %add3A_155 = arith.addi %scan3A_102, %add3A_154 : i32
      %lt3A_156 = arith.constant 42 : i32
      %lt3A_157 = arith.cmpi slt, %add3A_155, %lt3A_156 : i32
      %convert_element_type3A_158 = arith.extui %lt3A_157 : i1 to i32
      %cond3A_159 = arith.constant 0 : i32
      %cond3A_160 = arith.cmpi ne, %convert_element_type3A_158, %cond3A_159 : i32
      scf.if %cond3A_160 {
        %add3A_161 = arith.constant 1 : i32
        %add3A_162 = arith.addi %scan3A_102, %add3A_161 : i32
        %sub3A = arith.constant 1 : i32
        %sub3A_163 = arith.subi %sub3A, %rem3A_103 : i32
        %dma_wait3A_164 = arith.constant 0 : i32
        %dma_wait3A_165 = arith.constant 0 : i32
        %dma_wait3A_166 = tpu.memref_slice %arg8[%sub3A_163, %dma_wait3A_164, %dma_wait3A_165] : memref<2x3x80xi32, #tpu.memory_space<vmem>> -> memref<1x3x80xi32, #tpu.memory_space<vmem>>
        %dma_wait3A_167 = tpu.memref_squeeze %dma_wait3A_166 : memref<1x3x80xi32, #tpu.memory_space<vmem>> -> memref<3x80xi32, #tpu.memory_space<vmem>>
        %dma_wait3A_168 = arith.constant 0 : i32
        %dma_wait3A_169 = arith.constant 0 : i32
        %dma_wait3A_170 = tpu.memref_slice %arg3[%add3A, %add3A_162, %dma_wait3A_168, %dma_wait3A_169] : memref<32x42x3x80xi32, #tpu.memory_space<hbm>> -> memref<1x1x3x80xi32, #tpu.memory_space<hbm>>
        %dma_wait3A_171 = tpu.memref_squeeze %dma_wait3A_170 : memref<1x1x3x80xi32, #tpu.memory_space<hbm>> -> memref<3x80xi32, #tpu.memory_space<hbm>>
        %dma_wait3A_172 = arith.constant 0 : i32
        %dma_wait3A_173 = arith.constant 0 : i32
        %dma_wait3A_174 = tpu.memref_slice %arg8[%sub3A_163, %dma_wait3A_172, %dma_wait3A_173] : memref<2x3x80xi32, #tpu.memory_space<vmem>> -> memref<1x3x80xi32, #tpu.memory_space<vmem>>
        %dma_wait3A_175 = tpu.memref_squeeze %dma_wait3A_174 : memref<1x3x80xi32, #tpu.memory_space<vmem>> -> memref<3x80xi32, #tpu.memory_space<vmem>>
        %dma_wait3A_176 = arith.constant 0 : i32
        %dma_wait3A_177 = arith.constant 0 : i32
        %dma_wait3A_178 = tpu.memref_slice %arg3[%add3A, %add3A_162, %dma_wait3A_176, %dma_wait3A_177] : memref<32x42x3x80xi32, #tpu.memory_space<hbm>> -> memref<1x1x3x80xi32, #tpu.memory_space<hbm>>
        %dma_wait3A_179 = tpu.memref_squeeze %dma_wait3A_178 : memref<1x1x3x80xi32, #tpu.memory_space<hbm>> -> memref<3x80xi32, #tpu.memory_space<hbm>>
        tpu.wait_dma2 semaphore(%arg15 : memref<!tpu.dma_semaphore, #tpu.memory_space<semaphore_mem>>) src(%dma_wait3A_179 : memref<3x80xi32, #tpu.memory_space<hbm>>) dst(%dma_wait3A_175 : memref<3x80xi32, #tpu.memory_space<vmem>>)
        %add3A_180 = arith.constant 1 : i32
        %add3A_181 = arith.addi %scan3A_102, %add3A_180 : i32
        %sub3A_182 = arith.constant 1 : i32
        %sub3A_183 = arith.subi %sub3A_182, %rem3A_103 : i32
        %dma_wait3A_184 = arith.constant 0 : i32
        %dma_wait3A_185 = arith.constant 0 : i32
        %dma_wait3A_186 = tpu.memref_slice %arg9[%sub3A_183, %dma_wait3A_184, %dma_wait3A_185] : memref<2x3x80xi32, #tpu.memory_space<vmem>> -> memref<1x3x80xi32, #tpu.memory_space<vmem>>
        %dma_wait3A_187 = tpu.memref_squeeze %dma_wait3A_186 : memref<1x3x80xi32, #tpu.memory_space<vmem>> -> memref<3x80xi32, #tpu.memory_space<vmem>>
        %dma_wait3A_188 = arith.constant 0 : i32
        %dma_wait3A_189 = arith.constant 0 : i32
        %dma_wait3A_190 = tpu.memref_slice %arg4[%add3A, %add3A_181, %dma_wait3A_188, %dma_wait3A_189] : memref<32x42x3x80xi32, #tpu.memory_space<hbm>> -> memref<1x1x3x80xi32, #tpu.memory_space<hbm>>
        %dma_wait3A_191 = tpu.memref_squeeze %dma_wait3A_190 : memref<1x1x3x80xi32, #tpu.memory_space<hbm>> -> memref<3x80xi32, #tpu.memory_space<hbm>>
        %dma_wait3A_192 = arith.constant 0 : i32
        %dma_wait3A_193 = arith.constant 0 : i32
        %dma_wait3A_194 = tpu.memref_slice %arg9[%sub3A_183, %dma_wait3A_192, %dma_wait3A_193] : memref<2x3x80xi32, #tpu.memory_space<vmem>> -> memref<1x3x80xi32, #tpu.memory_space<vmem>>
        %dma_wait3A_195 = tpu.memref_squeeze %dma_wait3A_194 : memref<1x3x80xi32, #tpu.memory_space<vmem>> -> memref<3x80xi32, #tpu.memory_space<vmem>>
        %dma_wait3A_196 = arith.constant 0 : i32
        %dma_wait3A_197 = arith.constant 0 : i32
        %dma_wait3A_198 = tpu.memref_slice %arg4[%add3A, %add3A_181, %dma_wait3A_196, %dma_wait3A_197] : memref<32x42x3x80xi32, #tpu.memory_space<hbm>> -> memref<1x1x3x80xi32, #tpu.memory_space<hbm>>
        %dma_wait3A_199 = tpu.memref_squeeze %dma_wait3A_198 : memref<1x1x3x80xi32, #tpu.memory_space<hbm>> -> memref<3x80xi32, #tpu.memory_space<hbm>>
        tpu.wait_dma2 semaphore(%arg15 : memref<!tpu.dma_semaphore, #tpu.memory_space<semaphore_mem>>) src(%dma_wait3A_199 : memref<3x80xi32, #tpu.memory_space<hbm>>) dst(%dma_wait3A_195 : memref<3x80xi32, #tpu.memory_space<vmem>>)
      } else {
      }
    }
    %scan3A_93 = arith.constant 42 : i32
    %barrier3A_94 = arith.constant 0 : index
    tpu.barrier barrier_id(%barrier3A_94)
    %eq3A = arith.constant 0 : i32
    %eq3A_95 = arith.cmpi eq, %arg0, %eq3A : i32
    %convert_element_type3A = arith.extui %eq3A_95 : i1 to i32
    %cond3A = arith.constant 0 : i32
    %cond3A_96 = arith.cmpi ne, %convert_element_type3A, %cond3A : i32
    scf.if %cond3A_96 {
      "tpu.region"() ({
        %run_scoped3A = tpu.sem_alloc : memref<!tpu.dma_semaphore, #tpu.memory_space<semaphore_mem>>
        %dma_start3A_102 = arith.constant 0 : i32
        %dma_start3A_103 = tpu.memref_slice %arg5[%mul3A_0, %dma_start3A_102] : memref<10240x128xf32, #tpu.memory_space<hbm>> -> memref<640x128xf32, #tpu.memory_space<hbm>>
        %dma_start3A_104 = arith.constant 0 : i32
        %dma_start3A_105 = tpu.memref_slice %arg7[%mul3A_0, %dma_start3A_104] : memref<10240x128xf32, #tpu.memory_space<vmem_shared>> -> memref<640x128xf32, #tpu.memory_space<vmem_shared>>
        tpu.enqueue_dma source(%dma_start3A_105 : memref<640x128xf32, #tpu.memory_space<vmem_shared>>) target(%dma_start3A_103 : memref<640x128xf32, #tpu.memory_space<hbm>>) target_semaphore(%run_scoped3A : memref<!tpu.dma_semaphore, #tpu.memory_space<semaphore_mem>>)
        %dma_wait3A_106 = arith.constant 0 : i32
        %dma_wait3A_107 = tpu.memref_slice %arg5[%mul3A_0, %dma_wait3A_106] : memref<10240x128xf32, #tpu.memory_space<hbm>> -> memref<640x128xf32, #tpu.memory_space<hbm>>
        %dma_wait3A_108 = arith.constant 0 : i32
        %dma_wait3A_109 = tpu.memref_slice %arg7[%mul3A_0, %dma_wait3A_108] : memref<10240x128xf32, #tpu.memory_space<vmem_shared>> -> memref<640x128xf32, #tpu.memory_space<vmem_shared>>
        tpu.wait_dma2 semaphore(%run_scoped3A : memref<!tpu.dma_semaphore, #tpu.memory_space<semaphore_mem>>) src(%dma_wait3A_109 : memref<640x128xf32, #tpu.memory_space<vmem_shared>>) dst(%dma_wait3A_107 : memref<640x128xf32, #tpu.memory_space<hbm>>)
        tpu.yield
      }) : () -> ()
    } else {
    }
    %eq3A_97 = arith.constant 1 : i32
    %eq3A_98 = arith.cmpi eq, %arg0, %eq3A_97 : i32
    %convert_element_type3A_99 = arith.extui %eq3A_98 : i1 to i32
    %cond3A_100 = arith.constant 0 : i32
    %cond3A_101 = arith.cmpi ne, %convert_element_type3A_99, %cond3A_100 : i32
    scf.if %cond3A_101 {
      "tpu.region"() ({
        %run_scoped3A = tpu.sem_alloc : memref<!tpu.dma_semaphore, #tpu.memory_space<semaphore_mem>>
        %dma_start3A_102 = arith.constant 0 : i32
        %dma_start3A_103 = tpu.memref_slice %arg6[%mul3A_0, %dma_start3A_102] : memref<10240x128xf32, #tpu.memory_space<hbm>> -> memref<640x128xf32, #tpu.memory_space<hbm>>
        %dma_start3A_104 = arith.constant 0 : i32
        %dma_start3A_105 = tpu.memref_slice %arg7[%mul3A_0, %dma_start3A_104] : memref<10240x128xf32, #tpu.memory_space<vmem_shared>> -> memref<640x128xf32, #tpu.memory_space<vmem_shared>>
        tpu.enqueue_dma source(%dma_start3A_105 : memref<640x128xf32, #tpu.memory_space<vmem_shared>>) target(%dma_start3A_103 : memref<640x128xf32, #tpu.memory_space<hbm>>) target_semaphore(%run_scoped3A : memref<!tpu.dma_semaphore, #tpu.memory_space<semaphore_mem>>)
        %dma_wait3A_106 = arith.constant 0 : i32
        %dma_wait3A_107 = tpu.memref_slice %arg6[%mul3A_0, %dma_wait3A_106] : memref<10240x128xf32, #tpu.memory_space<hbm>> -> memref<640x128xf32, #tpu.memory_space<hbm>>
        %dma_wait3A_108 = arith.constant 0 : i32
        %dma_wait3A_109 = tpu.memref_slice %arg7[%mul3A_0, %dma_wait3A_108] : memref<10240x128xf32, #tpu.memory_space<vmem_shared>> -> memref<640x128xf32, #tpu.memory_space<vmem_shared>>
        tpu.wait_dma2 semaphore(%run_scoped3A : memref<!tpu.dma_semaphore, #tpu.memory_space<semaphore_mem>>) src(%dma_wait3A_109 : memref<640x128xf32, #tpu.memory_space<vmem_shared>>) dst(%dma_wait3A_107 : memref<640x128xf32, #tpu.memory_space<hbm>>)
        tpu.yield
      }) : () -> ()
    } else {
    }
    return
  }
}

#map = affine_map<(d0, d1) -> (0, 0)>
#map1 = affine_map<(d0, d1) -> (0, 0, 0, 0)>
module attributes {stable_mosaic.version = 14 : i64} {
  func.func @_agg_body(%arg0: i32, %arg1: i32, %arg2: memref<10000x128xf32, #tpu.memory_space<hbm>>, %arg3: memref<32x42x3x80xi32, #tpu.memory_space<hbm>>, %arg4: memref<32x42x3x80xi32, #tpu.memory_space<hbm>>, %arg5: memref<10240x128xf32, #tpu.memory_space<hbm>>, %arg6: memref<10240x128xf32, #tpu.memory_space<hbm>>, %arg7: memref<10240x128xf32, #tpu.memory_space<vmem_shared>>, %arg8: memref<2x3x80xi32, #tpu.memory_space<vmem>>, %arg9: memref<2x3x80xi32, #tpu.memory_space<vmem>>, %arg10: memref<80x128xf32, #tpu.memory_space<vmem>>, %arg11: memref<80x128xf32, #tpu.memory_space<vmem>>, %arg12: memref<80x128xf32, #tpu.memory_space<vmem>>, %arg13: memref<128x128xf32, #tpu.memory_space<vmem>>, %arg14: memref<!tpu.dma_semaphore, #tpu.memory_space<semaphore_mem>>, %arg15: memref<!tpu.dma_semaphore, #tpu.memory_space<semaphore_mem>>) attributes {dimension_semantics = [#tpu.dimension_semantics<core_parallel>, #tpu.dimension_semantics<subcore_parallel>], iteration_bounds = array<i64: 2, 16>, scalar_prefetch = 0 : i64, scratch_operands = 9 : i64, tpu.core_type = #tpu.core_type<sc_vector_subcore>, window_params = [{transform_indices = #map}, {transform_indices = #map1}, {transform_indices = #map1}, {transform_indices = #map}, {transform_indices = #map}]} {
    %mul3A = arith.constant 640 : i32
    %mul3A_0 = arith.muli %arg1, %mul3A : i32
    %mul3A_1 = arith.constant 16 : i32
    %mul3A_2 = arith.muli %arg0, %mul3A_1 : i32
    %add3A = arith.addi %mul3A_2, %arg1 : i32
    %dma_start3A = arith.constant 0 : i32
    %dma_start3A_3 = arith.constant 0 : i32
    %dma_start3A_4 = arith.constant 0 : i32
    %dma_start3A_5 = arith.constant 0 : i32
    %dma_start3A_6 = tpu.memref_slice %arg8[%dma_start3A_3, %dma_start3A_4, %dma_start3A_5] : memref<2x3x80xi32, #tpu.memory_space<vmem>> -> memref<1x3x80xi32, #tpu.memory_space<vmem>>
    %dma_start3A_7 = tpu.memref_squeeze %dma_start3A_6 : memref<1x3x80xi32, #tpu.memory_space<vmem>> -> memref<3x80xi32, #tpu.memory_space<vmem>>
    %dma_start3A_8 = arith.constant 0 : i32
    %dma_start3A_9 = arith.constant 0 : i32
    %dma_start3A_10 = tpu.memref_slice %arg3[%add3A, %dma_start3A, %dma_start3A_8, %dma_start3A_9] : memref<32x42x3x80xi32, #tpu.memory_space<hbm>> -> memref<1x1x3x80xi32, #tpu.memory_space<hbm>>
    %dma_start3A_11 = tpu.memref_squeeze %dma_start3A_10 : memref<1x1x3x80xi32, #tpu.memory_space<hbm>> -> memref<3x80xi32, #tpu.memory_space<hbm>>
    %dma_start3A_12 = arith.constant 0 : i32
    %dma_start3A_13 = arith.constant 0 : i32
    %dma_start3A_14 = tpu.memref_slice %arg8[%dma_start3A_3, %dma_start3A_12, %dma_start3A_13] : memref<2x3x80xi32, #tpu.memory_space<vmem>> -> memref<1x3x80xi32, #tpu.memory_space<vmem>>
    %dma_start3A_15 = tpu.memref_squeeze %dma_start3A_14 : memref<1x3x80xi32, #tpu.memory_space<vmem>> -> memref<3x80xi32, #tpu.memory_space<vmem>>
    %dma_start3A_16 = arith.constant 0 : i32
    %dma_start3A_17 = arith.constant 0 : i32
    %dma_start3A_18 = tpu.memref_slice %arg3[%add3A, %dma_start3A, %dma_start3A_16, %dma_start3A_17] : memref<32x42x3x80xi32, #tpu.memory_space<hbm>> -> memref<1x1x3x80xi32, #tpu.memory_space<hbm>>
    %dma_start3A_19 = tpu.memref_squeeze %dma_start3A_18 : memref<1x1x3x80xi32, #tpu.memory_space<hbm>> -> memref<3x80xi32, #tpu.memory_space<hbm>>
    tpu.enqueue_dma source(%dma_start3A_19 : memref<3x80xi32, #tpu.memory_space<hbm>>) target(%dma_start3A_15 : memref<3x80xi32, #tpu.memory_space<vmem>>) target_semaphore(%arg15 : memref<!tpu.dma_semaphore, #tpu.memory_space<semaphore_mem>>)
    %dma_start3A_20 = arith.constant 0 : i32
    %dma_start3A_21 = arith.constant 0 : i32
    %dma_start3A_22 = arith.constant 0 : i32
    %dma_start3A_23 = arith.constant 0 : i32
    %dma_start3A_24 = tpu.memref_slice %arg9[%dma_start3A_21, %dma_start3A_22, %dma_start3A_23] : memref<2x3x80xi32, #tpu.memory_space<vmem>> -> memref<1x3x80xi32, #tpu.memory_space<vmem>>
    %dma_start3A_25 = tpu.memref_squeeze %dma_start3A_24 : memref<1x3x80xi32, #tpu.memory_space<vmem>> -> memref<3x80xi32, #tpu.memory_space<vmem>>
    %dma_start3A_26 = arith.constant 0 : i32
    %dma_start3A_27 = arith.constant 0 : i32
    %dma_start3A_28 = tpu.memref_slice %arg4[%add3A, %dma_start3A_20, %dma_start3A_26, %dma_start3A_27] : memref<32x42x3x80xi32, #tpu.memory_space<hbm>> -> memref<1x1x3x80xi32, #tpu.memory_space<hbm>>
    %dma_start3A_29 = tpu.memref_squeeze %dma_start3A_28 : memref<1x1x3x80xi32, #tpu.memory_space<hbm>> -> memref<3x80xi32, #tpu.memory_space<hbm>>
    %dma_start3A_30 = arith.constant 0 : i32
    %dma_start3A_31 = arith.constant 0 : i32
    %dma_start3A_32 = tpu.memref_slice %arg9[%dma_start3A_21, %dma_start3A_30, %dma_start3A_31] : memref<2x3x80xi32, #tpu.memory_space<vmem>> -> memref<1x3x80xi32, #tpu.memory_space<vmem>>
    %dma_start3A_33 = tpu.memref_squeeze %dma_start3A_32 : memref<1x3x80xi32, #tpu.memory_space<vmem>> -> memref<3x80xi32, #tpu.memory_space<vmem>>
    %dma_start3A_34 = arith.constant 0 : i32
    %dma_start3A_35 = arith.constant 0 : i32
    %dma_start3A_36 = tpu.memref_slice %arg4[%add3A, %dma_start3A_20, %dma_start3A_34, %dma_start3A_35] : memref<32x42x3x80xi32, #tpu.memory_space<hbm>> -> memref<1x1x3x80xi32, #tpu.memory_space<hbm>>
    %dma_start3A_37 = tpu.memref_squeeze %dma_start3A_36 : memref<1x1x3x80xi32, #tpu.memory_space<hbm>> -> memref<3x80xi32, #tpu.memory_space<hbm>>
    tpu.enqueue_dma source(%dma_start3A_37 : memref<3x80xi32, #tpu.memory_space<hbm>>) target(%dma_start3A_33 : memref<3x80xi32, #tpu.memory_space<vmem>>) target_semaphore(%arg15 : memref<!tpu.dma_semaphore, #tpu.memory_space<semaphore_mem>>)
    %scan3A = arith.constant 0 : i32
    %scan3A_38 = arith.constant 0 : i32
    %scan3A_39 = arith.constant 128 : i32
    %scan3A_40 = arith.addi %scan3A_38, %scan3A_39 : i32
    %scan3A_41 = arith.constant 1 : i32
    scf.for %scan3A_102 = %scan3A_38 to %scan3A_40 step %scan3A_41  : i32 {
      %broadcast_in_dim3A = arith.constant 0.000000e+00 : f32
      %broadcast_in_dim3A_103 = vector.broadcast %broadcast_in_dim3A : f32 to vector<16xf32>
      %swap3A = arith.index_cast %scan3A_102 : i32 to index
      %swap3A_104 = arith.constant 0 : index
      %swap3A_105 = tpu.vector_load %arg13[%swap3A, %swap3A_104] {strides = array<i32>} : memref<128x128xf32, #tpu.memory_space<vmem>>, vector<1x16xf32>,
      %swap3A_106 = vector.shape_cast %swap3A_105 : vector<1x16xf32> to vector<16xf32>
      %swap3A_107 = vector.shape_cast %broadcast_in_dim3A_103 : vector<16xf32> to vector<1x16xf32>
      tpu.vector_store %arg13[%swap3A, %swap3A_104], %swap3A_107 {strides = array<i32>} : memref<128x128xf32, #tpu.memory_space<vmem>>, vector<1x16xf32>,
      %broadcast_in_dim3A_108 = arith.constant 0.000000e+00 : f32
      %broadcast_in_dim3A_109 = vector.broadcast %broadcast_in_dim3A_108 : f32 to vector<16xf32>
      %swap3A_110 = arith.index_cast %scan3A_102 : i32 to index
      %swap3A_111 = arith.constant 16 : index
      %swap3A_112 = tpu.vector_load %arg13[%swap3A_110, %swap3A_111] {strides = array<i32>} : memref<128x128xf32, #tpu.memory_space<vmem>>, vector<1x16xf32>,
      %swap3A_113 = vector.shape_cast %swap3A_112 : vector<1x16xf32> to vector<16xf32>
      %swap3A_114 = vector.shape_cast %broadcast_in_dim3A_109 : vector<16xf32> to vector<1x16xf32>
      tpu.vector_store %arg13[%swap3A_110, %swap3A_111], %swap3A_114 {strides = array<i32>} : memref<128x128xf32, #tpu.memory_space<vmem>>, vector<1x16xf32>,
      %broadcast_in_dim3A_115 = arith.constant 0.000000e+00 : f32
      %broadcast_in_dim3A_116 = vector.broadcast %broadcast_in_dim3A_115 : f32 to vector<16xf32>
      %swap3A_117 = arith.index_cast %scan3A_102 : i32 to index
      %swap3A_118 = arith.constant 32 : index
      %swap3A_119 = tpu.vector_load %arg13[%swap3A_117, %swap3A_118] {strides = array<i32>} : memref<128x128xf32, #tpu.memory_space<vmem>>, vector<1x16xf32>,
      %swap3A_120 = vector.shape_cast %swap3A_119 : vector<1x16xf32> to vector<16xf32>
      %swap3A_121 = vector.shape_cast %broadcast_in_dim3A_116 : vector<16xf32> to vector<1x16xf32>
      tpu.vector_store %arg13[%swap3A_117, %swap3A_118], %swap3A_121 {strides = array<i32>} : memref<128x128xf32, #tpu.memory_space<vmem>>, vector<1x16xf32>,
      %broadcast_in_dim3A_122 = arith.constant 0.000000e+00 : f32
      %broadcast_in_dim3A_123 = vector.broadcast %broadcast_in_dim3A_122 : f32 to vector<16xf32>
      %swap3A_124 = arith.index_cast %scan3A_102 : i32 to index
      %swap3A_125 = arith.constant 48 : index
      %swap3A_126 = tpu.vector_load %arg13[%swap3A_124, %swap3A_125] {strides = array<i32>} : memref<128x128xf32, #tpu.memory_space<vmem>>, vector<1x16xf32>,
      %swap3A_127 = vector.shape_cast %swap3A_126 : vector<1x16xf32> to vector<16xf32>
      %swap3A_128 = vector.shape_cast %broadcast_in_dim3A_123 : vector<16xf32> to vector<1x16xf32>
      tpu.vector_store %arg13[%swap3A_124, %swap3A_125], %swap3A_128 {strides = array<i32>} : memref<128x128xf32, #tpu.memory_space<vmem>>, vector<1x16xf32>,
      %broadcast_in_dim3A_129 = arith.constant 0.000000e+00 : f32
      %broadcast_in_dim3A_130 = vector.broadcast %broadcast_in_dim3A_129 : f32 to vector<16xf32>
      %swap3A_131 = arith.index_cast %scan3A_102 : i32 to index
      %swap3A_132 = arith.constant 64 : index
      %swap3A_133 = tpu.vector_load %arg13[%swap3A_131, %swap3A_132] {strides = array<i32>} : memref<128x128xf32, #tpu.memory_space<vmem>>, vector<1x16xf32>,
      %swap3A_134 = vector.shape_cast %swap3A_133 : vector<1x16xf32> to vector<16xf32>
      %swap3A_135 = vector.shape_cast %broadcast_in_dim3A_130 : vector<16xf32> to vector<1x16xf32>
      tpu.vector_store %arg13[%swap3A_131, %swap3A_132], %swap3A_135 {strides = array<i32>} : memref<128x128xf32, #tpu.memory_space<vmem>>, vector<1x16xf32>,
      %broadcast_in_dim3A_136 = arith.constant 0.000000e+00 : f32
      %broadcast_in_dim3A_137 = vector.broadcast %broadcast_in_dim3A_136 : f32 to vector<16xf32>
      %swap3A_138 = arith.index_cast %scan3A_102 : i32 to index
      %swap3A_139 = arith.constant 80 : index
      %swap3A_140 = tpu.vector_load %arg13[%swap3A_138, %swap3A_139] {strides = array<i32>} : memref<128x128xf32, #tpu.memory_space<vmem>>, vector<1x16xf32>,
      %swap3A_141 = vector.shape_cast %swap3A_140 : vector<1x16xf32> to vector<16xf32>
      %swap3A_142 = vector.shape_cast %broadcast_in_dim3A_137 : vector<16xf32> to vector<1x16xf32>
      tpu.vector_store %arg13[%swap3A_138, %swap3A_139], %swap3A_142 {strides = array<i32>} : memref<128x128xf32, #tpu.memory_space<vmem>>, vector<1x16xf32>,
      %broadcast_in_dim3A_143 = arith.constant 0.000000e+00 : f32
      %broadcast_in_dim3A_144 = vector.broadcast %broadcast_in_dim3A_143 : f32 to vector<16xf32>
      %swap3A_145 = arith.index_cast %scan3A_102 : i32 to index
      %swap3A_146 = arith.constant 96 : index
      %swap3A_147 = tpu.vector_load %arg13[%swap3A_145, %swap3A_146] {strides = array<i32>} : memref<128x128xf32, #tpu.memory_space<vmem>>, vector<1x16xf32>,
      %swap3A_148 = vector.shape_cast %swap3A_147 : vector<1x16xf32> to vector<16xf32>
      %swap3A_149 = vector.shape_cast %broadcast_in_dim3A_144 : vector<16xf32> to vector<1x16xf32>
      tpu.vector_store %arg13[%swap3A_145, %swap3A_146], %swap3A_149 {strides = array<i32>} : memref<128x128xf32, #tpu.memory_space<vmem>>, vector<1x16xf32>,
      %broadcast_in_dim3A_150 = arith.constant 0.000000e+00 : f32
      %broadcast_in_dim3A_151 = vector.broadcast %broadcast_in_dim3A_150 : f32 to vector<16xf32>
      %swap3A_152 = arith.index_cast %scan3A_102 : i32 to index
      %swap3A_153 = arith.constant 112 : index
      %swap3A_154 = tpu.vector_load %arg13[%swap3A_152, %swap3A_153] {strides = array<i32>} : memref<128x128xf32, #tpu.memory_space<vmem>>, vector<1x16xf32>,
      %swap3A_155 = vector.shape_cast %swap3A_154 : vector<1x16xf32> to vector<16xf32>
      %swap3A_156 = vector.shape_cast %broadcast_in_dim3A_151 : vector<16xf32> to vector<1x16xf32>
      tpu.vector_store %arg13[%swap3A_152, %swap3A_153], %swap3A_156 {strides = array<i32>} : memref<128x128xf32, #tpu.memory_space<vmem>>, vector<1x16xf32>,
    }
    %scan3A_42 = arith.constant 128 : i32
    %add3A_43 = arith.constant 0 : i32
    %add3A_44 = arith.addi %mul3A_0, %add3A_43 : i32
    "tpu.region"() ({
      %run_scoped3A = tpu.sem_alloc : memref<!tpu.dma_semaphore, #tpu.memory_space<semaphore_mem>>
      %dma_start3A_102 = arith.constant 0 : i32
      %dma_start3A_103 = tpu.memref_slice %arg7[%add3A_44, %dma_start3A_102] : memref<10240x128xf32, #tpu.memory_space<vmem_shared>> -> memref<128x128xf32, #tpu.memory_space<vmem_shared>>
      %dma_start3A_104 = arith.constant 0 : i32
      %dma_start3A_105 = tpu.memref_slice %arg7[%add3A_44, %dma_start3A_104] : memref<10240x128xf32, #tpu.memory_space<vmem_shared>> -> memref<128x128xf32, #tpu.memory_space<vmem_shared>>
      tpu.enqueue_dma source(%arg13 : memref<128x128xf32, #tpu.memory_space<vmem>>) target(%dma_start3A_105 : memref<128x128xf32, #tpu.memory_space<vmem_shared>>) target_semaphore(%run_scoped3A : memref<!tpu.dma_semaphore, #tpu.memory_space<semaphore_mem>>)
      %dma_wait3A_106 = arith.constant 0 : i32
      %dma_wait3A_107 = tpu.memref_slice %arg7[%add3A_44, %dma_wait3A_106] : memref<10240x128xf32, #tpu.memory_space<vmem_shared>> -> memref<128x128xf32, #tpu.memory_space<vmem_shared>>
      %dma_wait3A_108 = arith.constant 0 : i32
      %dma_wait3A_109 = tpu.memref_slice %arg7[%add3A_44, %dma_wait3A_108] : memref<10240x128xf32, #tpu.memory_space<vmem_shared>> -> memref<128x128xf32, #tpu.memory_space<vmem_shared>>
      tpu.wait_dma2 semaphore(%run_scoped3A : memref<!tpu.dma_semaphore, #tpu.memory_space<semaphore_mem>>) src(%arg13 : memref<128x128xf32, #tpu.memory_space<vmem>>) dst(%dma_wait3A_109 : memref<128x128xf32, #tpu.memory_space<vmem_shared>>)
      tpu.yield
    }) : () -> ()
    %add3A_45 = arith.constant 128 : i32
    %add3A_46 = arith.addi %mul3A_0, %add3A_45 : i32
    "tpu.region"() ({
      %run_scoped3A = tpu.sem_alloc : memref<!tpu.dma_semaphore, #tpu.memory_space<semaphore_mem>>
      %dma_start3A_102 = arith.constant 0 : i32
      %dma_start3A_103 = tpu.memref_slice %arg7[%add3A_46, %dma_start3A_102] : memref<10240x128xf32, #tpu.memory_space<vmem_shared>> -> memref<128x128xf32, #tpu.memory_space<vmem_shared>>
      %dma_start3A_104 = arith.constant 0 : i32
      %dma_start3A_105 = tpu.memref_slice %arg7[%add3A_46, %dma_start3A_104] : memref<10240x128xf32, #tpu.memory_space<vmem_shared>> -> memref<128x128xf32, #tpu.memory_space<vmem_shared>>
      tpu.enqueue_dma source(%arg13 : memref<128x128xf32, #tpu.memory_space<vmem>>) target(%dma_start3A_105 : memref<128x128xf32, #tpu.memory_space<vmem_shared>>) target_semaphore(%run_scoped3A : memref<!tpu.dma_semaphore, #tpu.memory_space<semaphore_mem>>)
      %dma_wait3A_106 = arith.constant 0 : i32
      %dma_wait3A_107 = tpu.memref_slice %arg7[%add3A_46, %dma_wait3A_106] : memref<10240x128xf32, #tpu.memory_space<vmem_shared>> -> memref<128x128xf32, #tpu.memory_space<vmem_shared>>
      %dma_wait3A_108 = arith.constant 0 : i32
      %dma_wait3A_109 = tpu.memref_slice %arg7[%add3A_46, %dma_wait3A_108] : memref<10240x128xf32, #tpu.memory_space<vmem_shared>> -> memref<128x128xf32, #tpu.memory_space<vmem_shared>>
      tpu.wait_dma2 semaphore(%run_scoped3A : memref<!tpu.dma_semaphore, #tpu.memory_space<semaphore_mem>>) src(%arg13 : memref<128x128xf32, #tpu.memory_space<vmem>>) dst(%dma_wait3A_109 : memref<128x128xf32, #tpu.memory_space<vmem_shared>>)
      tpu.yield
    }) : () -> ()
    %add3A_47 = arith.constant 256 : i32
    %add3A_48 = arith.addi %mul3A_0, %add3A_47 : i32
    "tpu.region"() ({
      %run_scoped3A = tpu.sem_alloc : memref<!tpu.dma_semaphore, #tpu.memory_space<semaphore_mem>>
      %dma_start3A_102 = arith.constant 0 : i32
      %dma_start3A_103 = tpu.memref_slice %arg7[%add3A_48, %dma_start3A_102] : memref<10240x128xf32, #tpu.memory_space<vmem_shared>> -> memref<128x128xf32, #tpu.memory_space<vmem_shared>>
      %dma_start3A_104 = arith.constant 0 : i32
      %dma_start3A_105 = tpu.memref_slice %arg7[%add3A_48, %dma_start3A_104] : memref<10240x128xf32, #tpu.memory_space<vmem_shared>> -> memref<128x128xf32, #tpu.memory_space<vmem_shared>>
      tpu.enqueue_dma source(%arg13 : memref<128x128xf32, #tpu.memory_space<vmem>>) target(%dma_start3A_105 : memref<128x128xf32, #tpu.memory_space<vmem_shared>>) target_semaphore(%run_scoped3A : memref<!tpu.dma_semaphore, #tpu.memory_space<semaphore_mem>>)
      %dma_wait3A_106 = arith.constant 0 : i32
      %dma_wait3A_107 = tpu.memref_slice %arg7[%add3A_48, %dma_wait3A_106] : memref<10240x128xf32, #tpu.memory_space<vmem_shared>> -> memref<128x128xf32, #tpu.memory_space<vmem_shared>>
      %dma_wait3A_108 = arith.constant 0 : i32
      %dma_wait3A_109 = tpu.memref_slice %arg7[%add3A_48, %dma_wait3A_108] : memref<10240x128xf32, #tpu.memory_space<vmem_shared>> -> memref<128x128xf32, #tpu.memory_space<vmem_shared>>
      tpu.wait_dma2 semaphore(%run_scoped3A : memref<!tpu.dma_semaphore, #tpu.memory_space<semaphore_mem>>) src(%arg13 : memref<128x128xf32, #tpu.memory_space<vmem>>) dst(%dma_wait3A_109 : memref<128x128xf32, #tpu.memory_space<vmem_shared>>)
      tpu.yield
    }) : () -> ()
    %add3A_49 = arith.constant 384 : i32
    %add3A_50 = arith.addi %mul3A_0, %add3A_49 : i32
    "tpu.region"() ({
      %run_scoped3A = tpu.sem_alloc : memref<!tpu.dma_semaphore, #tpu.memory_space<semaphore_mem>>
      %dma_start3A_102 = arith.constant 0 : i32
      %dma_start3A_103 = tpu.memref_slice %arg7[%add3A_50, %dma_start3A_102] : memref<10240x128xf32, #tpu.memory_space<vmem_shared>> -> memref<128x128xf32, #tpu.memory_space<vmem_shared>>
      %dma_start3A_104 = arith.constant 0 : i32
      %dma_start3A_105 = tpu.memref_slice %arg7[%add3A_50, %dma_start3A_104] : memref<10240x128xf32, #tpu.memory_space<vmem_shared>> -> memref<128x128xf32, #tpu.memory_space<vmem_shared>>
      tpu.enqueue_dma source(%arg13 : memref<128x128xf32, #tpu.memory_space<vmem>>) target(%dma_start3A_105 : memref<128x128xf32, #tpu.memory_space<vmem_shared>>) target_semaphore(%run_scoped3A : memref<!tpu.dma_semaphore, #tpu.memory_space<semaphore_mem>>)
      %dma_wait3A_106 = arith.constant 0 : i32
      %dma_wait3A_107 = tpu.memref_slice %arg7[%add3A_50, %dma_wait3A_106] : memref<10240x128xf32, #tpu.memory_space<vmem_shared>> -> memref<128x128xf32, #tpu.memory_space<vmem_shared>>
      %dma_wait3A_108 = arith.constant 0 : i32
      %dma_wait3A_109 = tpu.memref_slice %arg7[%add3A_50, %dma_wait3A_108] : memref<10240x128xf32, #tpu.memory_space<vmem_shared>> -> memref<128x128xf32, #tpu.memory_space<vmem_shared>>
      tpu.wait_dma2 semaphore(%run_scoped3A : memref<!tpu.dma_semaphore, #tpu.memory_space<semaphore_mem>>) src(%arg13 : memref<128x128xf32, #tpu.memory_space<vmem>>) dst(%dma_wait3A_109 : memref<128x128xf32, #tpu.memory_space<vmem_shared>>)
      tpu.yield
    }) : () -> ()
    %add3A_51 = arith.constant 512 : i32
    %add3A_52 = arith.addi %mul3A_0, %add3A_51 : i32
    "tpu.region"() ({
      %run_scoped3A = tpu.sem_alloc : memref<!tpu.dma_semaphore, #tpu.memory_space<semaphore_mem>>
      %dma_start3A_102 = arith.constant 0 : i32
      %dma_start3A_103 = tpu.memref_slice %arg7[%add3A_52, %dma_start3A_102] : memref<10240x128xf32, #tpu.memory_space<vmem_shared>> -> memref<128x128xf32, #tpu.memory_space<vmem_shared>>
      %dma_start3A_104 = arith.constant 0 : i32
      %dma_start3A_105 = tpu.memref_slice %arg7[%add3A_52, %dma_start3A_104] : memref<10240x128xf32, #tpu.memory_space<vmem_shared>> -> memref<128x128xf32, #tpu.memory_space<vmem_shared>>
      tpu.enqueue_dma source(%arg13 : memref<128x128xf32, #tpu.memory_space<vmem>>) target(%dma_start3A_105 : memref<128x128xf32, #tpu.memory_space<vmem_shared>>) target_semaphore(%run_scoped3A : memref<!tpu.dma_semaphore, #tpu.memory_space<semaphore_mem>>)
      %dma_wait3A_106 = arith.constant 0 : i32
      %dma_wait3A_107 = tpu.memref_slice %arg7[%add3A_52, %dma_wait3A_106] : memref<10240x128xf32, #tpu.memory_space<vmem_shared>> -> memref<128x128xf32, #tpu.memory_space<vmem_shared>>
      %dma_wait3A_108 = arith.constant 0 : i32
      %dma_wait3A_109 = tpu.memref_slice %arg7[%add3A_52, %dma_wait3A_108] : memref<10240x128xf32, #tpu.memory_space<vmem_shared>> -> memref<128x128xf32, #tpu.memory_space<vmem_shared>>
      tpu.wait_dma2 semaphore(%run_scoped3A : memref<!tpu.dma_semaphore, #tpu.memory_space<semaphore_mem>>) src(%arg13 : memref<128x128xf32, #tpu.memory_space<vmem>>) dst(%dma_wait3A_109 : memref<128x128xf32, #tpu.memory_space<vmem_shared>>)
      tpu.yield
    }) : () -> ()
    %dma_wait3A = arith.constant 0 : i32
    %dma_wait3A_53 = arith.constant 0 : i32
    %dma_wait3A_54 = arith.constant 0 : i32
    %dma_wait3A_55 = arith.constant 0 : i32
    %dma_wait3A_56 = tpu.memref_slice %arg8[%dma_wait3A_53, %dma_wait3A_54, %dma_wait3A_55] : memref<2x3x80xi32, #tpu.memory_space<vmem>> -> memref<1x3x80xi32, #tpu.memory_space<vmem>>
    %dma_wait3A_57 = tpu.memref_squeeze %dma_wait3A_56 : memref<1x3x80xi32, #tpu.memory_space<vmem>> -> memref<3x80xi32, #tpu.memory_space<vmem>>
    %dma_wait3A_58 = arith.constant 0 : i32
    %dma_wait3A_59 = arith.constant 0 : i32
    %dma_wait3A_60 = tpu.memref_slice %arg3[%add3A, %dma_wait3A, %dma_wait3A_58, %dma_wait3A_59] : memref<32x42x3x80xi32, #tpu.memory_space<hbm>> -> memref<1x1x3x80xi32, #tpu.memory_space<hbm>>
    %dma_wait3A_61 = tpu.memref_squeeze %dma_wait3A_60 : memref<1x1x3x80xi32, #tpu.memory_space<hbm>> -> memref<3x80xi32, #tpu.memory_space<hbm>>
    %dma_wait3A_62 = arith.constant 0 : i32
    %dma_wait3A_63 = arith.constant 0 : i32
    %dma_wait3A_64 = tpu.memref_slice %arg8[%dma_wait3A_53, %dma_wait3A_62, %dma_wait3A_63] : memref<2x3x80xi32, #tpu.memory_space<vmem>> -> memref<1x3x80xi32, #tpu.memory_space<vmem>>
    %dma_wait3A_65 = tpu.memref_squeeze %dma_wait3A_64 : memref<1x3x80xi32, #tpu.memory_space<vmem>> -> memref<3x80xi32, #tpu.memory_space<vmem>>
    %dma_wait3A_66 = arith.constant 0 : i32
    %dma_wait3A_67 = arith.constant 0 : i32
    %dma_wait3A_68 = tpu.memref_slice %arg3[%add3A, %dma_wait3A, %dma_wait3A_66, %dma_wait3A_67] : memref<32x42x3x80xi32, #tpu.memory_space<hbm>> -> memref<1x1x3x80xi32, #tpu.memory_space<hbm>>
    %dma_wait3A_69 = tpu.memref_squeeze %dma_wait3A_68 : memref<1x1x3x80xi32, #tpu.memory_space<hbm>> -> memref<3x80xi32, #tpu.memory_space<hbm>>
    tpu.wait_dma2 semaphore(%arg15 : memref<!tpu.dma_semaphore, #tpu.memory_space<semaphore_mem>>) src(%dma_wait3A_69 : memref<3x80xi32, #tpu.memory_space<hbm>>) dst(%dma_wait3A_65 : memref<3x80xi32, #tpu.memory_space<vmem>>)
    %dma_wait3A_70 = arith.constant 0 : i32
    %dma_wait3A_71 = arith.constant 0 : i32
    %dma_wait3A_72 = arith.constant 0 : i32
    %dma_wait3A_73 = arith.constant 0 : i32
    %dma_wait3A_74 = tpu.memref_slice %arg9[%dma_wait3A_71, %dma_wait3A_72, %dma_wait3A_73] : memref<2x3x80xi32, #tpu.memory_space<vmem>> -> memref<1x3x80xi32, #tpu.memory_space<vmem>>
    %dma_wait3A_75 = tpu.memref_squeeze %dma_wait3A_74 : memref<1x3x80xi32, #tpu.memory_space<vmem>> -> memref<3x80xi32, #tpu.memory_space<vmem>>
    %dma_wait3A_76 = arith.constant 0 : i32
    %dma_wait3A_77 = arith.constant 0 : i32
    %dma_wait3A_78 = tpu.memref_slice %arg4[%add3A, %dma_wait3A_70, %dma_wait3A_76, %dma_wait3A_77] : memref<32x42x3x80xi32, #tpu.memory_space<hbm>> -> memref<1x1x3x80xi32, #tpu.memory_space<hbm>>
    %dma_wait3A_79 = tpu.memref_squeeze %dma_wait3A_78 : memref<1x1x3x80xi32, #tpu.memory_space<hbm>> -> memref<3x80xi32, #tpu.memory_space<hbm>>
    %dma_wait3A_80 = arith.constant 0 : i32
    %dma_wait3A_81 = arith.constant 0 : i32
    %dma_wait3A_82 = tpu.memref_slice %arg9[%dma_wait3A_71, %dma_wait3A_80, %dma_wait3A_81] : memref<2x3x80xi32, #tpu.memory_space<vmem>> -> memref<1x3x80xi32, #tpu.memory_space<vmem>>
    %dma_wait3A_83 = tpu.memref_squeeze %dma_wait3A_82 : memref<1x3x80xi32, #tpu.memory_space<vmem>> -> memref<3x80xi32, #tpu.memory_space<vmem>>
    %dma_wait3A_84 = arith.constant 0 : i32
    %dma_wait3A_85 = arith.constant 0 : i32
    %dma_wait3A_86 = tpu.memref_slice %arg4[%add3A, %dma_wait3A_70, %dma_wait3A_84, %dma_wait3A_85] : memref<32x42x3x80xi32, #tpu.memory_space<hbm>> -> memref<1x1x3x80xi32, #tpu.memory_space<hbm>>
    %dma_wait3A_87 = tpu.memref_squeeze %dma_wait3A_86 : memref<1x1x3x80xi32, #tpu.memory_space<hbm>> -> memref<3x80xi32, #tpu.memory_space<hbm>>
    tpu.wait_dma2 semaphore(%arg15 : memref<!tpu.dma_semaphore, #tpu.memory_space<semaphore_mem>>) src(%dma_wait3A_87 : memref<3x80xi32, #tpu.memory_space<hbm>>) dst(%dma_wait3A_83 : memref<3x80xi32, #tpu.memory_space<vmem>>)
    %barrier3A = arith.constant 0 : index
    tpu.barrier barrier_id(%barrier3A)
    %scan3A_88 = arith.constant 0 : i32
    %scan3A_89 = arith.constant 0 : i32
    %scan3A_90 = arith.constant 42 : i32
    %scan3A_91 = arith.addi %scan3A_89, %scan3A_90 : i32
    %scan3A_92 = arith.constant 1 : i32
    scf.for %scan3A_102 = %scan3A_89 to %scan3A_91 step %scan3A_92  : i32 {
      %rem3A = arith.constant 2 : i32
      %rem3A_103 = arith.remsi %scan3A_102, %rem3A : i32
      %add3A_104 = arith.constant 1 : i32
      %add3A_105 = arith.addi %scan3A_102, %add3A_104 : i32
      %lt3A = arith.constant 42 : i32
      %lt3A_106 = arith.cmpi slt, %add3A_105, %lt3A : i32
      %convert_element_type3A_107 = arith.extui %lt3A_106 : i1 to i32
      %cond3A_108 = arith.constant 0 : i32
      %cond3A_109 = arith.cmpi ne, %convert_element_type3A_107, %cond3A_108 : i32
      scf.if %cond3A_109 {
        %add3A_161 = arith.constant 1 : i32
        %add3A_162 = arith.addi %scan3A_102, %add3A_161 : i32
        %sub3A = arith.constant 1 : i32
        %sub3A_163 = arith.subi %sub3A, %rem3A_103 : i32
        %dma_start3A_164 = arith.constant 0 : i32
        %dma_start3A_165 = arith.constant 0 : i32
        %dma_start3A_166 = tpu.memref_slice %arg8[%sub3A_163, %dma_start3A_164, %dma_start3A_165] : memref<2x3x80xi32, #tpu.memory_space<vmem>> -> memref<1x3x80xi32, #tpu.memory_space<vmem>>
        %dma_start3A_167 = tpu.memref_squeeze %dma_start3A_166 : memref<1x3x80xi32, #tpu.memory_space<vmem>> -> memref<3x80xi32, #tpu.memory_space<vmem>>
        %dma_start3A_168 = arith.constant 0 : i32
        %dma_start3A_169 = arith.constant 0 : i32
        %dma_start3A_170 = tpu.memref_slice %arg3[%add3A, %add3A_162, %dma_start3A_168, %dma_start3A_169] : memref<32x42x3x80xi32, #tpu.memory_space<hbm>> -> memref<1x1x3x80xi32, #tpu.memory_space<hbm>>
        %dma_start3A_171 = tpu.memref_squeeze %dma_start3A_170 : memref<1x1x3x80xi32, #tpu.memory_space<hbm>> -> memref<3x80xi32, #tpu.memory_space<hbm>>
        %dma_start3A_172 = arith.constant 0 : i32
        %dma_start3A_173 = arith.constant 0 : i32
        %dma_start3A_174 = tpu.memref_slice %arg8[%sub3A_163, %dma_start3A_172, %dma_start3A_173] : memref<2x3x80xi32, #tpu.memory_space<vmem>> -> memref<1x3x80xi32, #tpu.memory_space<vmem>>
        %dma_start3A_175 = tpu.memref_squeeze %dma_start3A_174 : memref<1x3x80xi32, #tpu.memory_space<vmem>> -> memref<3x80xi32, #tpu.memory_space<vmem>>
        %dma_start3A_176 = arith.constant 0 : i32
        %dma_start3A_177 = arith.constant 0 : i32
        %dma_start3A_178 = tpu.memref_slice %arg3[%add3A, %add3A_162, %dma_start3A_176, %dma_start3A_177] : memref<32x42x3x80xi32, #tpu.memory_space<hbm>> -> memref<1x1x3x80xi32, #tpu.memory_space<hbm>>
        %dma_start3A_179 = tpu.memref_squeeze %dma_start3A_178 : memref<1x1x3x80xi32, #tpu.memory_space<hbm>> -> memref<3x80xi32, #tpu.memory_space<hbm>>
        tpu.enqueue_dma source(%dma_start3A_179 : memref<3x80xi32, #tpu.memory_space<hbm>>) target(%dma_start3A_175 : memref<3x80xi32, #tpu.memory_space<vmem>>) target_semaphore(%arg15 : memref<!tpu.dma_semaphore, #tpu.memory_space<semaphore_mem>>)
        %add3A_180 = arith.constant 1 : i32
        %add3A_181 = arith.addi %scan3A_102, %add3A_180 : i32
        %sub3A_182 = arith.constant 1 : i32
        %sub3A_183 = arith.subi %sub3A_182, %rem3A_103 : i32
        %dma_start3A_184 = arith.constant 0 : i32
        %dma_start3A_185 = arith.constant 0 : i32
        %dma_start3A_186 = tpu.memref_slice %arg9[%sub3A_183, %dma_start3A_184, %dma_start3A_185] : memref<2x3x80xi32, #tpu.memory_space<vmem>> -> memref<1x3x80xi32, #tpu.memory_space<vmem>>
        %dma_start3A_187 = tpu.memref_squeeze %dma_start3A_186 : memref<1x3x80xi32, #tpu.memory_space<vmem>> -> memref<3x80xi32, #tpu.memory_space<vmem>>
        %dma_start3A_188 = arith.constant 0 : i32
        %dma_start3A_189 = arith.constant 0 : i32
        %dma_start3A_190 = tpu.memref_slice %arg4[%add3A, %add3A_181, %dma_start3A_188, %dma_start3A_189] : memref<32x42x3x80xi32, #tpu.memory_space<hbm>> -> memref<1x1x3x80xi32, #tpu.memory_space<hbm>>
        %dma_start3A_191 = tpu.memref_squeeze %dma_start3A_190 : memref<1x1x3x80xi32, #tpu.memory_space<hbm>> -> memref<3x80xi32, #tpu.memory_space<hbm>>
        %dma_start3A_192 = arith.constant 0 : i32
        %dma_start3A_193 = arith.constant 0 : i32
        %dma_start3A_194 = tpu.memref_slice %arg9[%sub3A_183, %dma_start3A_192, %dma_start3A_193] : memref<2x3x80xi32, #tpu.memory_space<vmem>> -> memref<1x3x80xi32, #tpu.memory_space<vmem>>
        %dma_start3A_195 = tpu.memref_squeeze %dma_start3A_194 : memref<1x3x80xi32, #tpu.memory_space<vmem>> -> memref<3x80xi32, #tpu.memory_space<vmem>>
        %dma_start3A_196 = arith.constant 0 : i32
        %dma_start3A_197 = arith.constant 0 : i32
        %dma_start3A_198 = tpu.memref_slice %arg4[%add3A, %add3A_181, %dma_start3A_196, %dma_start3A_197] : memref<32x42x3x80xi32, #tpu.memory_space<hbm>> -> memref<1x1x3x80xi32, #tpu.memory_space<hbm>>
        %dma_start3A_199 = tpu.memref_squeeze %dma_start3A_198 : memref<1x1x3x80xi32, #tpu.memory_space<hbm>> -> memref<3x80xi32, #tpu.memory_space<hbm>>
        tpu.enqueue_dma source(%dma_start3A_199 : memref<3x80xi32, #tpu.memory_space<hbm>>) target(%dma_start3A_195 : memref<3x80xi32, #tpu.memory_space<vmem>>) target_semaphore(%arg15 : memref<!tpu.dma_semaphore, #tpu.memory_space<semaphore_mem>>)
      } else {
      }
      %dma_start3A_110 = arith.constant 0 : i32
      %dma_start3A_111 = arith.constant 0 : i32
      %dma_start3A_112 = tpu.memref_slice %arg8[%rem3A_103, %dma_start3A_110, %dma_start3A_111] : memref<2x3x80xi32, #tpu.memory_space<vmem>> -> memref<1x1x80xi32, #tpu.memory_space<vmem>>
      %dma_start3A_113 = tpu.memref_squeeze %dma_start3A_112 : memref<1x1x80xi32, #tpu.memory_space<vmem>> -> memref<80xi32, #tpu.memory_space<vmem>>
      %dma_start3A_114 = arith.constant 0 : i32
      %dma_start3A_115 = arith.constant 0 : i32
      %dma_start3A_116 = tpu.memref_slice %arg2[%dma_start3A_114, %dma_start3A_115] : memref<10000x128xf32, #tpu.memory_space<hbm>> -> memref<10000x128xf32, #tpu.memory_space<hbm>>
      tpu.enqueue_indirect_dma source(%dma_start3A_116 : memref<10000x128xf32, #tpu.memory_space<hbm>>) target(%arg10 : memref<80x128xf32, #tpu.memory_space<vmem>>) offsets(%dma_start3A_113 : memref<80xi32, #tpu.memory_space<vmem>>) semaphore(%arg14 : memref<!tpu.dma_semaphore, #tpu.memory_space<semaphore_mem>>)
      %dma_start3A_117 = arith.constant 1 : i32
      %dma_start3A_118 = arith.constant 0 : i32
      %dma_start3A_119 = tpu.memref_slice %arg8[%rem3A_103, %dma_start3A_117, %dma_start3A_118] : memref<2x3x80xi32, #tpu.memory_space<vmem>> -> memref<1x1x80xi32, #tpu.memory_space<vmem>>
      %dma_start3A_120 = tpu.memref_squeeze %dma_start3A_119 : memref<1x1x80xi32, #tpu.memory_space<vmem>> -> memref<80xi32, #tpu.memory_space<vmem>>
      %dma_start3A_121 = arith.constant 0 : i32
      %dma_start3A_122 = arith.constant 0 : i32
      %dma_start3A_123 = tpu.memref_slice %arg2[%dma_start3A_121, %dma_start3A_122] : memref<10000x128xf32, #tpu.memory_space<hbm>> -> memref<10000x128xf32, #tpu.memory_space<hbm>>
      tpu.enqueue_indirect_dma source(%dma_start3A_123 : memref<10000x128xf32, #tpu.memory_space<hbm>>) target(%arg11 : memref<80x128xf32, #tpu.memory_space<vmem>>) offsets(%dma_start3A_120 : memref<80xi32, #tpu.memory_space<vmem>>) semaphore(%arg14 : memref<!tpu.dma_semaphore, #tpu.memory_space<semaphore_mem>>)
      %dma_start3A_124 = arith.constant 2 : i32
      %dma_start3A_125 = arith.constant 0 : i32
      %dma_start3A_126 = tpu.memref_slice %arg8[%rem3A_103, %dma_start3A_124, %dma_start3A_125] : memref<2x3x80xi32, #tpu.memory_space<vmem>> -> memref<1x1x80xi32, #tpu.memory_space<vmem>>
      %dma_start3A_127 = tpu.memref_squeeze %dma_start3A_126 : memref<1x1x80xi32, #tpu.memory_space<vmem>> -> memref<80xi32, #tpu.memory_space<vmem>>
      %dma_start3A_128 = arith.constant 0 : i32
      %dma_start3A_129 = arith.constant 0 : i32
      %dma_start3A_130 = tpu.memref_slice %arg2[%dma_start3A_128, %dma_start3A_129] : memref<10000x128xf32, #tpu.memory_space<hbm>> -> memref<10000x128xf32, #tpu.memory_space<hbm>>
      tpu.enqueue_indirect_dma source(%dma_start3A_130 : memref<10000x128xf32, #tpu.memory_space<hbm>>) target(%arg12 : memref<80x128xf32, #tpu.memory_space<vmem>>) offsets(%dma_start3A_127 : memref<80xi32, #tpu.memory_space<vmem>>) semaphore(%arg14 : memref<!tpu.dma_semaphore, #tpu.memory_space<semaphore_mem>>)
      %dma_wait3A_131 = arith.constant 0 : i32
      %dma_wait3A_132 = arith.constant 0 : i32
      %dma_wait3A_133 = tpu.memref_slice %arg8[%rem3A_103, %dma_wait3A_131, %dma_wait3A_132] : memref<2x3x80xi32, #tpu.memory_space<vmem>> -> memref<1x1x80xi32, #tpu.memory_space<vmem>>
      %dma_wait3A_134 = tpu.memref_squeeze %dma_wait3A_133 : memref<1x1x80xi32, #tpu.memory_space<vmem>> -> memref<80xi32, #tpu.memory_space<vmem>>
      %dma_wait3A_135 = arith.constant 0 : i32
      %dma_wait3A_136 = arith.constant 0 : i32
      %dma_wait3A_137 = tpu.memref_slice %arg2[%dma_wait3A_135, %dma_wait3A_136] : memref<10000x128xf32, #tpu.memory_space<hbm>> -> memref<10000x128xf32, #tpu.memory_space<hbm>>
      tpu.wait_indirect_dma semaphore(%arg14 : memref<!tpu.dma_semaphore, #tpu.memory_space<semaphore_mem>>) src(%dma_wait3A_137 : memref<10000x128xf32, #tpu.memory_space<hbm>>) dst(%arg10 : memref<80x128xf32, #tpu.memory_space<vmem>>)
      %run_scoped3A = arith.constant 0 : i32
      "tpu.region"() ({
        %run_scoped3A_161 = tpu.sem_alloc : memref<!tpu.dma_semaphore, #tpu.memory_space<semaphore_mem>>
        %dma_start3A_162 = arith.constant 0 : i32
        %dma_start3A_163 = tpu.memref_slice %arg9[%rem3A_103, %run_scoped3A, %dma_start3A_162] : memref<2x3x80xi32, #tpu.memory_space<vmem>> -> memref<1x1x80xi32, #tpu.memory_space<vmem>>
        %dma_start3A_164 = tpu.memref_squeeze %dma_start3A_163 : memref<1x1x80xi32, #tpu.memory_space<vmem>> -> memref<80xi32, #tpu.memory_space<vmem>>
        %dma_start3A_165 = arith.constant 0 : i32
        %dma_start3A_166 = arith.constant 0 : i32
        %dma_start3A_167 = tpu.memref_slice %arg7[%dma_start3A_165, %dma_start3A_166] : memref<10240x128xf32, #tpu.memory_space<vmem_shared>> -> memref<10240x128xf32, #tpu.memory_space<vmem_shared>>
        tpu.enqueue_indirect_dma source(%arg10 : memref<80x128xf32, #tpu.memory_space<vmem>>) target(%dma_start3A_167 : memref<10240x128xf32, #tpu.memory_space<vmem_shared>>) offsets(%dma_start3A_164 : memref<80xi32, #tpu.memory_space<vmem>>) semaphore(%run_scoped3A_161 : memref<!tpu.dma_semaphore, #tpu.memory_space<semaphore_mem>>) {add = true}
        %dma_wait3A_168 = arith.constant 0 : i32
        %dma_wait3A_169 = tpu.memref_slice %arg9[%rem3A_103, %run_scoped3A, %dma_wait3A_168] : memref<2x3x80xi32, #tpu.memory_space<vmem>> -> memref<1x1x80xi32, #tpu.memory_space<vmem>>
        %dma_wait3A_170 = tpu.memref_squeeze %dma_wait3A_169 : memref<1x1x80xi32, #tpu.memory_space<vmem>> -> memref<80xi32, #tpu.memory_space<vmem>>
        %dma_wait3A_171 = arith.constant 0 : i32
        %dma_wait3A_172 = arith.constant 0 : i32
        %dma_wait3A_173 = tpu.memref_slice %arg7[%dma_wait3A_171, %dma_wait3A_172] : memref<10240x128xf32, #tpu.memory_space<vmem_shared>> -> memref<10240x128xf32, #tpu.memory_space<vmem_shared>>
        tpu.wait_indirect_dma semaphore(%run_scoped3A_161 : memref<!tpu.dma_semaphore, #tpu.memory_space<semaphore_mem>>) src(%arg10 : memref<80x128xf32, #tpu.memory_space<vmem>>) dst(%dma_wait3A_173 : memref<10240x128xf32, #tpu.memory_space<vmem_shared>>)
        tpu.yield
      }) : () -> ()
      %dma_wait3A_138 = arith.constant 1 : i32
      %dma_wait3A_139 = arith.constant 0 : i32
      %dma_wait3A_140 = tpu.memref_slice %arg8[%rem3A_103, %dma_wait3A_138, %dma_wait3A_139] : memref<2x3x80xi32, #tpu.memory_space<vmem>> -> memref<1x1x80xi32, #tpu.memory_space<vmem>>
      %dma_wait3A_141 = tpu.memref_squeeze %dma_wait3A_140 : memref<1x1x80xi32, #tpu.memory_space<vmem>> -> memref<80xi32, #tpu.memory_space<vmem>>
      %dma_wait3A_142 = arith.constant 0 : i32
      %dma_wait3A_143 = arith.constant 0 : i32
      %dma_wait3A_144 = tpu.memref_slice %arg2[%dma_wait3A_142, %dma_wait3A_143] : memref<10000x128xf32, #tpu.memory_space<hbm>> -> memref<10000x128xf32, #tpu.memory_space<hbm>>
      tpu.wait_indirect_dma semaphore(%arg14 : memref<!tpu.dma_semaphore, #tpu.memory_space<semaphore_mem>>) src(%dma_wait3A_144 : memref<10000x128xf32, #tpu.memory_space<hbm>>) dst(%arg11 : memref<80x128xf32, #tpu.memory_space<vmem>>)
      %run_scoped3A_145 = arith.constant 1 : i32
      "tpu.region"() ({
        %run_scoped3A_161 = tpu.sem_alloc : memref<!tpu.dma_semaphore, #tpu.memory_space<semaphore_mem>>
        %dma_start3A_162 = arith.constant 0 : i32
        %dma_start3A_163 = tpu.memref_slice %arg9[%rem3A_103, %run_scoped3A_145, %dma_start3A_162] : memref<2x3x80xi32, #tpu.memory_space<vmem>> -> memref<1x1x80xi32, #tpu.memory_space<vmem>>
        %dma_start3A_164 = tpu.memref_squeeze %dma_start3A_163 : memref<1x1x80xi32, #tpu.memory_space<vmem>> -> memref<80xi32, #tpu.memory_space<vmem>>
        %dma_start3A_165 = arith.constant 0 : i32
        %dma_start3A_166 = arith.constant 0 : i32
        %dma_start3A_167 = tpu.memref_slice %arg7[%dma_start3A_165, %dma_start3A_166] : memref<10240x128xf32, #tpu.memory_space<vmem_shared>> -> memref<10240x128xf32, #tpu.memory_space<vmem_shared>>
        tpu.enqueue_indirect_dma source(%arg11 : memref<80x128xf32, #tpu.memory_space<vmem>>) target(%dma_start3A_167 : memref<10240x128xf32, #tpu.memory_space<vmem_shared>>) offsets(%dma_start3A_164 : memref<80xi32, #tpu.memory_space<vmem>>) semaphore(%run_scoped3A_161 : memref<!tpu.dma_semaphore, #tpu.memory_space<semaphore_mem>>) {add = true}
        %dma_wait3A_168 = arith.constant 0 : i32
        %dma_wait3A_169 = tpu.memref_slice %arg9[%rem3A_103, %run_scoped3A_145, %dma_wait3A_168] : memref<2x3x80xi32, #tpu.memory_space<vmem>> -> memref<1x1x80xi32, #tpu.memory_space<vmem>>
        %dma_wait3A_170 = tpu.memref_squeeze %dma_wait3A_169 : memref<1x1x80xi32, #tpu.memory_space<vmem>> -> memref<80xi32, #tpu.memory_space<vmem>>
        %dma_wait3A_171 = arith.constant 0 : i32
        %dma_wait3A_172 = arith.constant 0 : i32
        %dma_wait3A_173 = tpu.memref_slice %arg7[%dma_wait3A_171, %dma_wait3A_172] : memref<10240x128xf32, #tpu.memory_space<vmem_shared>> -> memref<10240x128xf32, #tpu.memory_space<vmem_shared>>
        tpu.wait_indirect_dma semaphore(%run_scoped3A_161 : memref<!tpu.dma_semaphore, #tpu.memory_space<semaphore_mem>>) src(%arg11 : memref<80x128xf32, #tpu.memory_space<vmem>>) dst(%dma_wait3A_173 : memref<10240x128xf32, #tpu.memory_space<vmem_shared>>)
        tpu.yield
      }) : () -> ()
      %dma_wait3A_146 = arith.constant 2 : i32
      %dma_wait3A_147 = arith.constant 0 : i32
      %dma_wait3A_148 = tpu.memref_slice %arg8[%rem3A_103, %dma_wait3A_146, %dma_wait3A_147] : memref<2x3x80xi32, #tpu.memory_space<vmem>> -> memref<1x1x80xi32, #tpu.memory_space<vmem>>
      %dma_wait3A_149 = tpu.memref_squeeze %dma_wait3A_148 : memref<1x1x80xi32, #tpu.memory_space<vmem>> -> memref<80xi32, #tpu.memory_space<vmem>>
      %dma_wait3A_150 = arith.constant 0 : i32
      %dma_wait3A_151 = arith.constant 0 : i32
      %dma_wait3A_152 = tpu.memref_slice %arg2[%dma_wait3A_150, %dma_wait3A_151] : memref<10000x128xf32, #tpu.memory_space<hbm>> -> memref<10000x128xf32, #tpu.memory_space<hbm>>
      tpu.wait_indirect_dma semaphore(%arg14 : memref<!tpu.dma_semaphore, #tpu.memory_space<semaphore_mem>>) src(%dma_wait3A_152 : memref<10000x128xf32, #tpu.memory_space<hbm>>) dst(%arg12 : memref<80x128xf32, #tpu.memory_space<vmem>>)
      %run_scoped3A_153 = arith.constant 2 : i32
      "tpu.region"() ({
        %run_scoped3A_161 = tpu.sem_alloc : memref<!tpu.dma_semaphore, #tpu.memory_space<semaphore_mem>>
        %dma_start3A_162 = arith.constant 0 : i32
        %dma_start3A_163 = tpu.memref_slice %arg9[%rem3A_103, %run_scoped3A_153, %dma_start3A_162] : memref<2x3x80xi32, #tpu.memory_space<vmem>> -> memref<1x1x80xi32, #tpu.memory_space<vmem>>
        %dma_start3A_164 = tpu.memref_squeeze %dma_start3A_163 : memref<1x1x80xi32, #tpu.memory_space<vmem>> -> memref<80xi32, #tpu.memory_space<vmem>>
        %dma_start3A_165 = arith.constant 0 : i32
        %dma_start3A_166 = arith.constant 0 : i32
        %dma_start3A_167 = tpu.memref_slice %arg7[%dma_start3A_165, %dma_start3A_166] : memref<10240x128xf32, #tpu.memory_space<vmem_shared>> -> memref<10240x128xf32, #tpu.memory_space<vmem_shared>>
        tpu.enqueue_indirect_dma source(%arg12 : memref<80x128xf32, #tpu.memory_space<vmem>>) target(%dma_start3A_167 : memref<10240x128xf32, #tpu.memory_space<vmem_shared>>) offsets(%dma_start3A_164 : memref<80xi32, #tpu.memory_space<vmem>>) semaphore(%run_scoped3A_161 : memref<!tpu.dma_semaphore, #tpu.memory_space<semaphore_mem>>) {add = true}
        %dma_wait3A_168 = arith.constant 0 : i32
        %dma_wait3A_169 = tpu.memref_slice %arg9[%rem3A_103, %run_scoped3A_153, %dma_wait3A_168] : memref<2x3x80xi32, #tpu.memory_space<vmem>> -> memref<1x1x80xi32, #tpu.memory_space<vmem>>
        %dma_wait3A_170 = tpu.memref_squeeze %dma_wait3A_169 : memref<1x1x80xi32, #tpu.memory_space<vmem>> -> memref<80xi32, #tpu.memory_space<vmem>>
        %dma_wait3A_171 = arith.constant 0 : i32
        %dma_wait3A_172 = arith.constant 0 : i32
        %dma_wait3A_173 = tpu.memref_slice %arg7[%dma_wait3A_171, %dma_wait3A_172] : memref<10240x128xf32, #tpu.memory_space<vmem_shared>> -> memref<10240x128xf32, #tpu.memory_space<vmem_shared>>
        tpu.wait_indirect_dma semaphore(%run_scoped3A_161 : memref<!tpu.dma_semaphore, #tpu.memory_space<semaphore_mem>>) src(%arg12 : memref<80x128xf32, #tpu.memory_space<vmem>>) dst(%dma_wait3A_173 : memref<10240x128xf32, #tpu.memory_space<vmem_shared>>)
        tpu.yield
      }) : () -> ()
      %add3A_154 = arith.constant 1 : i32
      %add3A_155 = arith.addi %scan3A_102, %add3A_154 : i32
      %lt3A_156 = arith.constant 42 : i32
      %lt3A_157 = arith.cmpi slt, %add3A_155, %lt3A_156 : i32
      %convert_element_type3A_158 = arith.extui %lt3A_157 : i1 to i32
      %cond3A_159 = arith.constant 0 : i32
      %cond3A_160 = arith.cmpi ne, %convert_element_type3A_158, %cond3A_159 : i32
      scf.if %cond3A_160 {
        %add3A_161 = arith.constant 1 : i32
        %add3A_162 = arith.addi %scan3A_102, %add3A_161 : i32
        %sub3A = arith.constant 1 : i32
        %sub3A_163 = arith.subi %sub3A, %rem3A_103 : i32
        %dma_wait3A_164 = arith.constant 0 : i32
        %dma_wait3A_165 = arith.constant 0 : i32
        %dma_wait3A_166 = tpu.memref_slice %arg8[%sub3A_163, %dma_wait3A_164, %dma_wait3A_165] : memref<2x3x80xi32, #tpu.memory_space<vmem>> -> memref<1x3x80xi32, #tpu.memory_space<vmem>>
        %dma_wait3A_167 = tpu.memref_squeeze %dma_wait3A_166 : memref<1x3x80xi32, #tpu.memory_space<vmem>> -> memref<3x80xi32, #tpu.memory_space<vmem>>
        %dma_wait3A_168 = arith.constant 0 : i32
        %dma_wait3A_169 = arith.constant 0 : i32
        %dma_wait3A_170 = tpu.memref_slice %arg3[%add3A, %add3A_162, %dma_wait3A_168, %dma_wait3A_169] : memref<32x42x3x80xi32, #tpu.memory_space<hbm>> -> memref<1x1x3x80xi32, #tpu.memory_space<hbm>>
        %dma_wait3A_171 = tpu.memref_squeeze %dma_wait3A_170 : memref<1x1x3x80xi32, #tpu.memory_space<hbm>> -> memref<3x80xi32, #tpu.memory_space<hbm>>
        %dma_wait3A_172 = arith.constant 0 : i32
        %dma_wait3A_173 = arith.constant 0 : i32
        %dma_wait3A_174 = tpu.memref_slice %arg8[%sub3A_163, %dma_wait3A_172, %dma_wait3A_173] : memref<2x3x80xi32, #tpu.memory_space<vmem>> -> memref<1x3x80xi32, #tpu.memory_space<vmem>>
        %dma_wait3A_175 = tpu.memref_squeeze %dma_wait3A_174 : memref<1x3x80xi32, #tpu.memory_space<vmem>> -> memref<3x80xi32, #tpu.memory_space<vmem>>
        %dma_wait3A_176 = arith.constant 0 : i32
        %dma_wait3A_177 = arith.constant 0 : i32
        %dma_wait3A_178 = tpu.memref_slice %arg3[%add3A, %add3A_162, %dma_wait3A_176, %dma_wait3A_177] : memref<32x42x3x80xi32, #tpu.memory_space<hbm>> -> memref<1x1x3x80xi32, #tpu.memory_space<hbm>>
        %dma_wait3A_179 = tpu.memref_squeeze %dma_wait3A_178 : memref<1x1x3x80xi32, #tpu.memory_space<hbm>> -> memref<3x80xi32, #tpu.memory_space<hbm>>
        tpu.wait_dma2 semaphore(%arg15 : memref<!tpu.dma_semaphore, #tpu.memory_space<semaphore_mem>>) src(%dma_wait3A_179 : memref<3x80xi32, #tpu.memory_space<hbm>>) dst(%dma_wait3A_175 : memref<3x80xi32, #tpu.memory_space<vmem>>)
        %add3A_180 = arith.constant 1 : i32
        %add3A_181 = arith.addi %scan3A_102, %add3A_180 : i32
        %sub3A_182 = arith.constant 1 : i32
        %sub3A_183 = arith.subi %sub3A_182, %rem3A_103 : i32
        %dma_wait3A_184 = arith.constant 0 : i32
        %dma_wait3A_185 = arith.constant 0 : i32
        %dma_wait3A_186 = tpu.memref_slice %arg9[%sub3A_183, %dma_wait3A_184, %dma_wait3A_185] : memref<2x3x80xi32, #tpu.memory_space<vmem>> -> memref<1x3x80xi32, #tpu.memory_space<vmem>>
        %dma_wait3A_187 = tpu.memref_squeeze %dma_wait3A_186 : memref<1x3x80xi32, #tpu.memory_space<vmem>> -> memref<3x80xi32, #tpu.memory_space<vmem>>
        %dma_wait3A_188 = arith.constant 0 : i32
        %dma_wait3A_189 = arith.constant 0 : i32
        %dma_wait3A_190 = tpu.memref_slice %arg4[%add3A, %add3A_181, %dma_wait3A_188, %dma_wait3A_189] : memref<32x42x3x80xi32, #tpu.memory_space<hbm>> -> memref<1x1x3x80xi32, #tpu.memory_space<hbm>>
        %dma_wait3A_191 = tpu.memref_squeeze %dma_wait3A_190 : memref<1x1x3x80xi32, #tpu.memory_space<hbm>> -> memref<3x80xi32, #tpu.memory_space<hbm>>
        %dma_wait3A_192 = arith.constant 0 : i32
        %dma_wait3A_193 = arith.constant 0 : i32
        %dma_wait3A_194 = tpu.memref_slice %arg9[%sub3A_183, %dma_wait3A_192, %dma_wait3A_193] : memref<2x3x80xi32, #tpu.memory_space<vmem>> -> memref<1x3x80xi32, #tpu.memory_space<vmem>>
        %dma_wait3A_195 = tpu.memref_squeeze %dma_wait3A_194 : memref<1x3x80xi32, #tpu.memory_space<vmem>> -> memref<3x80xi32, #tpu.memory_space<vmem>>
        %dma_wait3A_196 = arith.constant 0 : i32
        %dma_wait3A_197 = arith.constant 0 : i32
        %dma_wait3A_198 = tpu.memref_slice %arg4[%add3A, %add3A_181, %dma_wait3A_196, %dma_wait3A_197] : memref<32x42x3x80xi32, #tpu.memory_space<hbm>> -> memref<1x1x3x80xi32, #tpu.memory_space<hbm>>
        %dma_wait3A_199 = tpu.memref_squeeze %dma_wait3A_198 : memref<1x1x3x80xi32, #tpu.memory_space<hbm>> -> memref<3x80xi32, #tpu.memory_space<hbm>>
        tpu.wait_dma2 semaphore(%arg15 : memref<!tpu.dma_semaphore, #tpu.memory_space<semaphore_mem>>) src(%dma_wait3A_199 : memref<3x80xi32, #tpu.memory_space<hbm>>) dst(%dma_wait3A_195 : memref<3x80xi32, #tpu.memory_space<vmem>>)
      } else {
      }
    }
    %scan3A_93 = arith.constant 42 : i32
    %barrier3A_94 = arith.constant 0 : index
    tpu.barrier barrier_id(%barrier3A_94)
    %eq3A = arith.constant 0 : i32
    %eq3A_95 = arith.cmpi eq, %arg0, %eq3A : i32
    %convert_element_type3A = arith.extui %eq3A_95 : i1 to i32
    %cond3A = arith.constant 0 : i32
    %cond3A_96 = arith.cmpi ne, %convert_element_type3A, %cond3A : i32
    scf.if %cond3A_96 {
      "tpu.region"() ({
        %run_scoped3A = tpu.sem_alloc : memref<!tpu.dma_semaphore, #tpu.memory_space<semaphore_mem>>
        %dma_start3A_102 = arith.constant 0 : i32
        %dma_start3A_103 = tpu.memref_slice %arg5[%mul3A_0, %dma_start3A_102] : memref<10240x128xf32, #tpu.memory_space<hbm>> -> memref<640x128xf32, #tpu.memory_space<hbm>>
        %dma_start3A_104 = arith.constant 0 : i32
        %dma_start3A_105 = tpu.memref_slice %arg7[%mul3A_0, %dma_start3A_104] : memref<10240x128xf32, #tpu.memory_space<vmem_shared>> -> memref<640x128xf32, #tpu.memory_space<vmem_shared>>
        tpu.enqueue_dma source(%dma_start3A_105 : memref<640x128xf32, #tpu.memory_space<vmem_shared>>) target(%dma_start3A_103 : memref<640x128xf32, #tpu.memory_space<hbm>>) target_semaphore(%run_scoped3A : memref<!tpu.dma_semaphore, #tpu.memory_space<semaphore_mem>>)
        %dma_wait3A_106 = arith.constant 0 : i32
        %dma_wait3A_107 = tpu.memref_slice %arg5[%mul3A_0, %dma_wait3A_106] : memref<10240x128xf32, #tpu.memory_space<hbm>> -> memref<640x128xf32, #tpu.memory_space<hbm>>
        %dma_wait3A_108 = arith.constant 0 : i32
        %dma_wait3A_109 = tpu.memref_slice %arg7[%mul3A_0, %dma_wait3A_108] : memref<10240x128xf32, #tpu.memory_space<vmem_shared>> -> memref<640x128xf32, #tpu.memory_space<vmem_shared>>
        tpu.wait_dma2 semaphore(%run_scoped3A : memref<!tpu.dma_semaphore, #tpu.memory_space<semaphore_mem>>) src(%dma_wait3A_109 : memref<640x128xf32, #tpu.memory_space<vmem_shared>>) dst(%dma_wait3A_107 : memref<640x128xf32, #tpu.memory_space<hbm>>)
        tpu.yield
      }) : () -> ()
    } else {
    }
    %eq3A_97 = arith.constant 1 : i32
    %eq3A_98 = arith.cmpi eq, %arg0, %eq3A_97 : i32
    %convert_element_type3A_99 = arith.extui %eq3A_98 : i1 to i32
    %cond3A_100 = arith.constant 0 : i32
    %cond3A_101 = arith.cmpi ne, %convert_element_type3A_99, %cond3A_100 : i32
    scf.if %cond3A_101 {
      "tpu.region"() ({
        %run_scoped3A = tpu.sem_alloc : memref<!tpu.dma_semaphore, #tpu.memory_space<semaphore_mem>>
        %dma_start3A_102 = arith.constant 0 : i32
        %dma_start3A_103 = tpu.memref_slice %arg6[%mul3A_0, %dma_start3A_102] : memref<10240x128xf32, #tpu.memory_space<hbm>> -> memref<640x128xf32, #tpu.memory_space<hbm>>
        %dma_start3A_104 = arith.constant 0 : i32
        %dma_start3A_105 = tpu.memref_slice %arg7[%mul3A_0, %dma_start3A_104] : memref<10240x128xf32, #tpu.memory_space<vmem_shared>> -> memref<640x128xf32, #tpu.memory_space<vmem_shared>>
        tpu.enqueue_dma source(%dma_start3A_105 : memref<640x128xf32, #tpu.memory_space<vmem_shared>>) target(%dma_start3A_103 : memref<640x128xf32, #tpu.memory_space<hbm>>) target_semaphore(%run_scoped3A : memref<!tpu.dma_semaphore, #tpu.memory_space<semaphore_mem>>)
        %dma_wait3A_106 = arith.constant 0 : i32
        %dma_wait3A_107 = tpu.memref_slice %arg6[%mul3A_0, %dma_wait3A_106] : memref<10240x128xf32, #tpu.memory_space<hbm>> -> memref<640x128xf32, #tpu.memory_space<hbm>>
        %dma_wait3A_108 = arith.constant 0 : i32
        %dma_wait3A_109 = tpu.memref_slice %arg7[%mul3A_0, %dma_wait3A_108] : memref<10240x128xf32, #tpu.memory_space<vmem_shared>> -> memref<640x128xf32, #tpu.memory_space<vmem_shared>>
        tpu.wait_dma2 semaphore(%run_scoped3A : memref<!tpu.dma_semaphore, #tpu.memory_space<semaphore_mem>>) src(%dma_wait3A_109 : memref<640x128xf32, #tpu.memory_space<vmem_shared>>) dst(%dma_wait3A_107 : memref<640x128xf32, #tpu.memory_space<hbm>>)
        tpu.yield
      }) : () -> ()
    } else {
    }
    return
  }
}

module attributes {stable_mosaic.version = 14 : i64} {
  func.func @_mm1_body(%arg0: i32, %arg1: memref<2000x128xf32, #tpu.memory_space<vmem>>, %arg2: memref<128x128xf32, #tpu.memory_space<vmem>>, %arg3: memref<2000x16xf32, #tpu.memory_space<vmem>>, %arg4: memref<2000x16xf32, #tpu.memory_space<vmem>>, %arg5: memref<2000x128xf32, #tpu.memory_space<vmem>>) attributes {dimension_semantics = [#tpu.dimension_semantics<arbitrary>], iteration_bounds = array<i64: 5>, scalar_prefetch = 0 : i64, scratch_operands = 0 : i64, tpu.core_type = #tpu.core_type<tc>, window_params = [{transform_indices = @transform_0, window_bounds = array<i64: 2000, 128>}, {pipeline_mode = #tpu.pipeline_mode<synchronous>, transform_indices = @transform_1, window_bounds = array<i64: 128, 128>}, {transform_indices = @transform_2, window_bounds = array<i64: 2000, 16>}, {transform_indices = @transform_3, window_bounds = array<i64: 2000, 16>}, {transform_indices = @transform_4, window_bounds = array<i64: 2000, 128>}]} {
    %get3A = arith.constant 0 : index
    %get3A_0 = arith.constant 0 : index
    %get3A_1 = vector.load %arg3[%get3A, %get3A_0] : memref<2000x16xf32, #tpu.memory_space<vmem>>, vector<2000x16xf32>
    %get3A_2 = arith.constant 0 : index
    %get3A_3 = arith.constant 0 : index
    %get3A_4 = vector.load %arg4[%get3A_2, %get3A_3] : memref<2000x16xf32, #tpu.memory_space<vmem>>, vector<2000x16xf32>
    %slice3A = vector.extract_strided_slice %get3A_1 {offsets = [0, 0], sizes = [2000, 1], strides = [1, 1]} : vector<2000x16xf32> to vector<2000x1xf32>
    %slice3A_5 = vector.extract_strided_slice %get3A_4 {offsets = [0, 0], sizes = [2000, 1], strides = [1, 1]} : vector<2000x16xf32> to vector<2000x1xf32>
    %add3A = arith.addf %slice3A, %slice3A_5 : vector<2000x1xf32>
    %add3A_6 = arith.constant 1.000000e+00 : f32
    %add3A_7 = vector.broadcast %add3A_6 : f32 to vector<2000x1xf32>
    %add3A_8 = arith.addf %add3A, %add3A_7 : vector<2000x1xf32>
    %rsqrt3A = math.rsqrt %add3A_8 : vector<2000x1xf32>
    %get3A_9 = arith.constant 0 : index
    %get3A_10 = arith.constant 0 : index
    %get3A_11 = vector.load %arg1[%get3A_9, %get3A_10] : memref<2000x128xf32, #tpu.memory_space<vmem>>, vector<2000x128xf32>
    %get3A_12 = arith.constant 0 : index
    %get3A_13 = arith.constant 0 : index
    %get3A_14 = vector.load %arg2[%get3A_12, %get3A_13] : memref<128x128xf32, #tpu.memory_space<vmem>>, vector<128x128xf32>
    %dot_general3A = arith.constant dense<0.000000e+00> : vector<2000x128xf32>
    %dot_general3A_15 = tpu.matmul %get3A_11, %get3A_14, %dot_general3A {dimension_numbers = #tpu.dot_dimension_numbers<[1], [0], [0], [1], [0, 0, 1, 1], [], []>, transpose_lhs_hint = false} : vector<2000x128xf32>, vector<128x128xf32>, vector<2000x128xf32> -> vector<2000x128xf32>
    %mul3A = vector.broadcast %rsqrt3A : vector<2000x1xf32> to vector<2000x128xf32>
    %mul3A_16 = arith.mulf %mul3A, %dot_general3A_15 : vector<2000x128xf32>
    %swap3A = arith.constant 0 : index
    %swap3A_17 = arith.constant 0 : index
    %swap3A_18 = vector.load %arg5[%swap3A, %swap3A_17] : memref<2000x128xf32, #tpu.memory_space<vmem>>, vector<2000x128xf32>
    tpu.vector_store %arg5[%swap3A, %swap3A_17], %mul3A_16 {strides = array<i32>} : memref<2000x128xf32, #tpu.memory_space<vmem>>, vector<2000x128xf32>,
    return
  }
  func.func @transform_0(%arg0: i32) -> (i32, i32) {
    %c0_i32 = arith.constant 0 : i32
    %c0_i32_0 = arith.constant 0 : i32
    return %arg0, %c0_i32 : i32, i32
  }
  func.func @transform_1(%arg0: i32) -> (i32, i32) {
    %c0_i32 = arith.constant 0 : i32
    %c0_i32_0 = arith.constant 0 : i32
    %c0_i32_1 = arith.constant 0 : i32
    return %c0_i32, %c0_i32_0 : i32, i32
  }
  func.func @transform_2(%arg0: i32) -> (i32, i32) {
    %c0_i32 = arith.constant 0 : i32
    %c0_i32_0 = arith.constant 0 : i32
    return %arg0, %c0_i32 : i32, i32
  }
  func.func @transform_3(%arg0: i32) -> (i32, i32) {
    %c0_i32 = arith.constant 0 : i32
    %c0_i32_0 = arith.constant 0 : i32
    return %arg0, %c0_i32 : i32, i32
  }
  func.func @transform_4(%arg0: i32) -> (i32, i32) {
    %c0_i32 = arith.constant 0 : i32
    %c0_i32_0 = arith.constant 0 : i32
    return %arg0, %c0_i32 : i32, i32
  }
}

module attributes {stable_mosaic.version = 14 : i64} {
  func.func @_mm_mid_body(%arg0: i32, %arg1: memref<2000x128xf32, #tpu.memory_space<vmem>>, %arg2: memref<2000x128xf32, #tpu.memory_space<vmem>>, %arg3: memref<2000x128xf32, #tpu.memory_space<vmem>>, %arg4: memref<2000x16xf32, #tpu.memory_space<vmem>>, %arg5: memref<2000x16xf32, #tpu.memory_space<vmem>>, %arg6: memref<1x128xf32, #tpu.memory_space<vmem>>, %arg7: memref<128x128xf32, #tpu.memory_space<vmem>>, %arg8: memref<2000x128xf32, #tpu.memory_space<vmem>>) attributes {dimension_semantics = [#tpu.dimension_semantics<arbitrary>], iteration_bounds = array<i64: 5>, scalar_prefetch = 0 : i64, scratch_operands = 0 : i64, tpu.core_type = #tpu.core_type<tc>, window_params = [{transform_indices = @transform_0, window_bounds = array<i64: 2000, 128>}, {transform_indices = @transform_1, window_bounds = array<i64: 2000, 128>}, {transform_indices = @transform_2, window_bounds = array<i64: 2000, 128>}, {transform_indices = @transform_3, window_bounds = array<i64: 2000, 16>}, {transform_indices = @transform_4, window_bounds = array<i64: 2000, 16>}, {pipeline_mode = #tpu.pipeline_mode<synchronous>, transform_indices = @transform_5, window_bounds = array<i64: 1, 128>}, {pipeline_mode = #tpu.pipeline_mode<synchronous>, transform_indices = @transform_6, window_bounds = array<i64: 128, 128>}, {transform_indices = @transform_7, window_bounds = array<i64: 2000, 128>}]} {
    %get3A = arith.constant 0 : index
    %get3A_0 = arith.constant 0 : index
    %get3A_1 = vector.load %arg4[%get3A, %get3A_0] : memref<2000x16xf32, #tpu.memory_space<vmem>>, vector<2000x16xf32>
    %get3A_2 = arith.constant 0 : index
    %get3A_3 = arith.constant 0 : index
    %get3A_4 = vector.load %arg5[%get3A_2, %get3A_3] : memref<2000x16xf32, #tpu.memory_space<vmem>>, vector<2000x16xf32>
    %slice3A = vector.extract_strided_slice %get3A_1 {offsets = [0, 0], sizes = [2000, 1], strides = [1, 1]} : vector<2000x16xf32> to vector<2000x1xf32>
    %slice3A_5 = vector.extract_strided_slice %get3A_4 {offsets = [0, 0], sizes = [2000, 1], strides = [1, 1]} : vector<2000x16xf32> to vector<2000x1xf32>
    %add3A = arith.addf %slice3A, %slice3A_5 : vector<2000x1xf32>
    %add3A_6 = arith.constant 1.000000e+00 : f32
    %add3A_7 = vector.broadcast %add3A_6 : f32 to vector<2000x1xf32>
    %add3A_8 = arith.addf %add3A, %add3A_7 : vector<2000x1xf32>
    %rsqrt3A = math.rsqrt %add3A_8 : vector<2000x1xf32>
    %get3A_9 = arith.constant 0 : index
    %get3A_10 = arith.constant 0 : index
    %get3A_11 = vector.load %arg1[%get3A_9, %get3A_10] : memref<2000x128xf32, #tpu.memory_space<vmem>>, vector<2000x128xf32>
    %get3A_12 = arith.constant 0 : index
    %get3A_13 = arith.constant 0 : index
    %get3A_14 = vector.load %arg2[%get3A_12, %get3A_13] : memref<2000x128xf32, #tpu.memory_space<vmem>>, vector<2000x128xf32>
    %add3A_15 = arith.addf %get3A_11, %get3A_14 : vector<2000x128xf32>
    %get3A_16 = arith.constant 0 : index
    %get3A_17 = arith.constant 0 : index
    %get3A_18 = vector.load %arg3[%get3A_16, %get3A_17] : memref<2000x128xf32, #tpu.memory_space<vmem>>, vector<2000x128xf32>
    %add3A_19 = arith.addf %add3A_15, %get3A_18 : vector<2000x128xf32>
    %mul3A = vector.broadcast %rsqrt3A : vector<2000x1xf32> to vector<2000x128xf32>
    %mul3A_20 = arith.mulf %mul3A, %add3A_19 : vector<2000x128xf32>
    %get3A_21 = arith.constant 0 : index
    %get3A_22 = arith.constant 0 : index
    %get3A_23 = vector.load %arg6[%get3A_21, %get3A_22] : memref<1x128xf32, #tpu.memory_space<vmem>>, vector<1x128xf32>
    %add3A_24 = vector.broadcast %get3A_23 : vector<1x128xf32> to vector<2000x128xf32>
    %add3A_25 = arith.addf %mul3A_20, %add3A_24 : vector<2000x128xf32>
    %max3A = arith.constant 0.000000e+00 : f32
    %max3A_26 = vector.broadcast %max3A : f32 to vector<2000x128xf32>
    %max3A_27 = arith.maximumf %add3A_25, %max3A_26 : vector<2000x128xf32>
    %get3A_28 = arith.constant 0 : index
    %get3A_29 = arith.constant 0 : index
    %get3A_30 = vector.load %arg7[%get3A_28, %get3A_29] : memref<128x128xf32, #tpu.memory_space<vmem>>, vector<128x128xf32>
    %dot_general3A = arith.constant dense<0.000000e+00> : vector<2000x128xf32>
    %dot_general3A_31 = tpu.matmul %max3A_27, %get3A_30, %dot_general3A {dimension_numbers = #tpu.dot_dimension_numbers<[1], [0], [0], [1], [0, 0, 1, 1], [], []>, transpose_lhs_hint = false} : vector<2000x128xf32>, vector<128x128xf32>, vector<2000x128xf32> -> vector<2000x128xf32>
    %mul3A_32 = vector.broadcast %rsqrt3A : vector<2000x1xf32> to vector<2000x128xf32>
    %mul3A_33 = arith.mulf %mul3A_32, %dot_general3A_31 : vector<2000x128xf32>
    %swap3A = arith.constant 0 : index
    %swap3A_34 = arith.constant 0 : index
    %swap3A_35 = vector.load %arg8[%swap3A, %swap3A_34] : memref<2000x128xf32, #tpu.memory_space<vmem>>, vector<2000x128xf32>
    tpu.vector_store %arg8[%swap3A, %swap3A_34], %mul3A_33 {strides = array<i32>} : memref<2000x128xf32, #tpu.memory_space<vmem>>, vector<2000x128xf32>,
    return
  }
  func.func @transform_0(%arg0: i32) -> (i32, i32) {
    %c0_i32 = arith.constant 0 : i32
    %c0_i32_0 = arith.constant 0 : i32
    return %arg0, %c0_i32 : i32, i32
  }
  func.func @transform_1(%arg0: i32) -> (i32, i32) {
    %c0_i32 = arith.constant 0 : i32
    %c0_i32_0 = arith.constant 0 : i32
    return %arg0, %c0_i32 : i32, i32
  }
  func.func @transform_2(%arg0: i32) -> (i32, i32) {
    %c0_i32 = arith.constant 0 : i32
    %c0_i32_0 = arith.constant 0 : i32
    return %arg0, %c0_i32 : i32, i32
  }
  func.func @transform_3(%arg0: i32) -> (i32, i32) {
    %c0_i32 = arith.constant 0 : i32
    %c0_i32_0 = arith.constant 0 : i32
    return %arg0, %c0_i32 : i32, i32
  }
  func.func @transform_4(%arg0: i32) -> (i32, i32) {
    %c0_i32 = arith.constant 0 : i32
    %c0_i32_0 = arith.constant 0 : i32
    return %arg0, %c0_i32 : i32, i32
  }
  func.func @transform_5(%arg0: i32) -> (i32, i32) {
    %c0_i32 = arith.constant 0 : i32
    %c0_i32_0 = arith.constant 0 : i32
    %c0_i32_1 = arith.constant 0 : i32
    return %c0_i32, %c0_i32_0 : i32, i32
  }
  func.func @transform_6(%arg0: i32) -> (i32, i32) {
    %c0_i32 = arith.constant 0 : i32
    %c0_i32_0 = arith.constant 0 : i32
    %c0_i32_1 = arith.constant 0 : i32
    return %c0_i32, %c0_i32_0 : i32, i32
  }
  func.func @transform_7(%arg0: i32) -> (i32, i32) {
    %c0_i32 = arith.constant 0 : i32
    %c0_i32_0 = arith.constant 0 : i32
    return %arg0, %c0_i32 : i32, i32
  }
}

module attributes {stable_mosaic.version = 14 : i64} {
  func.func @_pool_body(%arg0: i32, %arg1: memref<2000x128xf32, #tpu.memory_space<vmem>>, %arg2: memref<2000x128xf32, #tpu.memory_space<vmem>>, %arg3: memref<2000x128xf32, #tpu.memory_space<vmem>>, %arg4: memref<2000x16xf32, #tpu.memory_space<vmem>>, %arg5: memref<2000x16xf32, #tpu.memory_space<vmem>>, %arg6: memref<1x128xf32, #tpu.memory_space<vmem>>, %arg7: memref<1x1x2000xi32, #tpu.memory_space<vmem>>, %arg8: memref<128x128xf32, #tpu.memory_space<vmem>>, %arg9: memref<1x128xf32, #tpu.memory_space<vmem>>, %arg10: memref<1x128xf32, #tpu.memory_space<vmem>>, %arg11: memref<64x128xf32, #tpu.memory_space<vmem>>, %arg12: memref<64x128xf32, #tpu.memory_space<vmem>>, %arg13: memref<64x128xf32, #tpu.memory_space<vmem>>) attributes {dimension_semantics = [#tpu.dimension_semantics<arbitrary>], iteration_bounds = array<i64: 5>, scalar_prefetch = 0 : i64, scratch_operands = 2 : i64, tpu.core_type = #tpu.core_type<tc>, window_params = [{transform_indices = @transform_0, window_bounds = array<i64: 2000, 128>}, {transform_indices = @transform_1, window_bounds = array<i64: 2000, 128>}, {transform_indices = @transform_2, window_bounds = array<i64: 2000, 128>}, {transform_indices = @transform_3, window_bounds = array<i64: 2000, 16>}, {transform_indices = @transform_4, window_bounds = array<i64: 2000, 16>}, {pipeline_mode = #tpu.pipeline_mode<synchronous>, transform_indices = @transform_5, window_bounds = array<i64: 1, 128>}, {transform_indices = @transform_6, window_bounds = array<i64: 1, 1, 2000>}, {pipeline_mode = #tpu.pipeline_mode<synchronous>, transform_indices = @transform_7, window_bounds = array<i64: 128, 128>}, {pipeline_mode = #tpu.pipeline_mode<synchronous>, transform_indices = @transform_8, window_bounds = array<i64: 1, 128>}, {pipeline_mode = #tpu.pipeline_mode<synchronous>, transform_indices = @transform_9, window_bounds = array<i64: 1, 128>}, {pipeline_mode = #tpu.pipeline_mode<synchronous>, transform_indices = @transform_10, window_bounds = array<i64: 64, 128>}]} {
    %eq3A = arith.constant 0 : i32
    %eq3A_0 = arith.cmpi eq, %arg0, %eq3A : i32
    %convert_element_type3A = arith.extui %eq3A_0 : i1 to i32
    %cond3A = arith.constant 0 : i32
    %cond3A_1 = arith.cmpi ne, %convert_element_type3A, %cond3A : i32
    scf.if %cond3A_1 {
      %broadcast_in_dim3A_58 = arith.constant 0.000000e+00 : f32
      %broadcast_in_dim3A_59 = vector.broadcast %broadcast_in_dim3A_58 : f32 to vector<64x128xf32>
      %swap3A_60 = arith.constant 0 : index
      %swap3A_61 = arith.constant 0 : index
      %swap3A_62 = vector.load %arg12[%swap3A_60, %swap3A_61] : memref<64x128xf32, #tpu.memory_space<vmem>>, vector<64x128xf32>
      tpu.vector_store %arg12[%swap3A_60, %swap3A_61], %broadcast_in_dim3A_59 {strides = array<i32>} : memref<64x128xf32, #tpu.memory_space<vmem>>, vector<64x128xf32>,
      %broadcast_in_dim3A_63 = arith.constant 0.000000e+00 : f32
      %broadcast_in_dim3A_64 = vector.broadcast %broadcast_in_dim3A_63 : f32 to vector<64x128xf32>
      %swap3A_65 = arith.constant 0 : index
      %swap3A_66 = arith.constant 0 : index
      %swap3A_67 = vector.load %arg13[%swap3A_65, %swap3A_66] : memref<64x128xf32, #tpu.memory_space<vmem>>, vector<64x128xf32>
      tpu.vector_store %arg13[%swap3A_65, %swap3A_66], %broadcast_in_dim3A_64 {strides = array<i32>} : memref<64x128xf32, #tpu.memory_space<vmem>>, vector<64x128xf32>,
    } else {
    }
    %get3A = arith.constant 0 : index
    %get3A_2 = arith.constant 0 : index
    %get3A_3 = vector.load %arg4[%get3A, %get3A_2] : memref<2000x16xf32, #tpu.memory_space<vmem>>, vector<2000x16xf32>
    %get3A_4 = arith.constant 0 : index
    %get3A_5 = arith.constant 0 : index
    %get3A_6 = vector.load %arg5[%get3A_4, %get3A_5] : memref<2000x16xf32, #tpu.memory_space<vmem>>, vector<2000x16xf32>
    %slice3A = vector.extract_strided_slice %get3A_3 {offsets = [0, 0], sizes = [2000, 1], strides = [1, 1]} : vector<2000x16xf32> to vector<2000x1xf32>
    %slice3A_7 = vector.extract_strided_slice %get3A_6 {offsets = [0, 0], sizes = [2000, 1], strides = [1, 1]} : vector<2000x16xf32> to vector<2000x1xf32>
    %add3A = arith.addf %slice3A, %slice3A_7 : vector<2000x1xf32>
    %add3A_8 = arith.constant 1.000000e+00 : f32
    %add3A_9 = vector.broadcast %add3A_8 : f32 to vector<2000x1xf32>
    %add3A_10 = arith.addf %add3A, %add3A_9 : vector<2000x1xf32>
    %rsqrt3A = math.rsqrt %add3A_10 : vector<2000x1xf32>
    %get3A_11 = arith.constant 0 : index
    %get3A_12 = arith.constant 0 : index
    %get3A_13 = vector.load %arg1[%get3A_11, %get3A_12] : memref<2000x128xf32, #tpu.memory_space<vmem>>, vector<2000x128xf32>
    %get3A_14 = arith.constant 0 : index
    %get3A_15 = arith.constant 0 : index
    %get3A_16 = vector.load %arg2[%get3A_14, %get3A_15] : memref<2000x128xf32, #tpu.memory_space<vmem>>, vector<2000x128xf32>
    %add3A_17 = arith.addf %get3A_13, %get3A_16 : vector<2000x128xf32>
    %get3A_18 = arith.constant 0 : index
    %get3A_19 = arith.constant 0 : index
    %get3A_20 = vector.load %arg3[%get3A_18, %get3A_19] : memref<2000x128xf32, #tpu.memory_space<vmem>>, vector<2000x128xf32>
    %add3A_21 = arith.addf %add3A_17, %get3A_20 : vector<2000x128xf32>
    %mul3A = vector.broadcast %rsqrt3A : vector<2000x1xf32> to vector<2000x128xf32>
    %mul3A_22 = arith.mulf %mul3A, %add3A_21 : vector<2000x128xf32>
    %get3A_23 = arith.constant 0 : index
    %get3A_24 = arith.constant 0 : index
    %get3A_25 = vector.load %arg6[%get3A_23, %get3A_24] : memref<1x128xf32, #tpu.memory_space<vmem>>, vector<1x128xf32>
    %add3A_26 = vector.broadcast %get3A_25 : vector<1x128xf32> to vector<2000x128xf32>
    %add3A_27 = arith.addf %mul3A_22, %add3A_26 : vector<2000x128xf32>
    %get3A_28 = arith.constant 0 : index
    %get3A_29 = arith.constant 0 : index
    %get3A_30 = arith.constant 0 : index
    %get3A_31 = vector.load %arg7[%get3A_28, %get3A_29, %get3A_30] : memref<1x1x2000xi32, #tpu.memory_space<vmem>>, vector<1x1x2000xi32>
    %get3A_32 = vector.shape_cast %get3A_31 : vector<1x1x2000xi32> to vector<1x2000xi32>
    %iota3A = tpu.iota {dimensions = array<i32: 0>} : vector<64x2000xi32>
    %eq3A_33 = vector.broadcast %get3A_32 : vector<1x2000xi32> to vector<64x2000xi32>
    %eq3A_34 = arith.cmpi eq, %eq3A_33, %iota3A : vector<64x2000xi32>
    %convert_element_type3A_35 = arith.extui %eq3A_34 : vector<64x2000xi1> to vector<64x2000xi32>
    %convert_element_type3A_36 = arith.sitofp %convert_element_type3A_35 : vector<64x2000xi32> to vector<64x2000xf32>
    %get3A_37 = arith.constant 0 : index
    %get3A_38 = arith.constant 0 : index
    %get3A_39 = vector.load %arg12[%get3A_37, %get3A_38] : memref<64x128xf32, #tpu.memory_space<vmem>>, vector<64x128xf32>
    %dot_general3A = arith.constant dense<0.000000e+00> : vector<64x128xf32>
    %dot_general3A_40 = tpu.matmul %convert_element_type3A_36, %add3A_27, %dot_general3A {dimension_numbers = #tpu.dot_dimension_numbers<[1], [0], [0], [1], [0, 0, 1, 1], [], []>, transpose_lhs_hint = false} : vector<64x2000xf32>, vector<2000x128xf32>, vector<64x128xf32> -> vector<64x128xf32>
    %add3A_41 = arith.addf %get3A_39, %dot_general3A_40 : vector<64x128xf32>
    %swap3A = arith.constant 0 : index
    %swap3A_42 = arith.constant 0 : index
    %swap3A_43 = vector.load %arg12[%swap3A, %swap3A_42] : memref<64x128xf32, #tpu.memory_space<vmem>>, vector<64x128xf32>
    tpu.vector_store %arg12[%swap3A, %swap3A_42], %add3A_41 {strides = array<i32>} : memref<64x128xf32, #tpu.memory_space<vmem>>, vector<64x128xf32>,
    %get3A_44 = arith.constant 0 : index
    %get3A_45 = arith.constant 0 : index
    %get3A_46 = vector.load %arg13[%get3A_44, %get3A_45] : memref<64x128xf32, #tpu.memory_space<vmem>>, vector<64x128xf32>
    %reduce_sum3A = arith.constant dense<0.000000e+00> : vector<64xf32>
    %reduce_sum3A_47 = vector.multi_reduction <add>, %convert_element_type3A_36, %reduce_sum3A [1] : vector<64x2000xf32> to vector<64xf32>
    %broadcast_in_dim3A = vector.shape_cast %reduce_sum3A_47 : vector<64xf32> to vector<64x1xf32>
    %add3A_48 = vector.broadcast %broadcast_in_dim3A : vector<64x1xf32> to vector<64x128xf32>
    %add3A_49 = arith.addf %get3A_46, %add3A_48 : vector<64x128xf32>
    %swap3A_50 = arith.constant 0 : index
    %swap3A_51 = arith.constant 0 : index
    %swap3A_52 = vector.load %arg13[%swap3A_50, %swap3A_51] : memref<64x128xf32, #tpu.memory_space<vmem>>, vector<64x128xf32>
    tpu.vector_store %arg13[%swap3A_50, %swap3A_51], %add3A_49 {strides = array<i32>} : memref<64x128xf32, #tpu.memory_space<vmem>>, vector<64x128xf32>,
    %eq3A_53 = arith.constant 4 : i32
    %eq3A_54 = arith.cmpi eq, %arg0, %eq3A_53 : i32
    %convert_element_type3A_55 = arith.extui %eq3A_54 : i1 to i32
    %cond3A_56 = arith.constant 0 : i32
    %cond3A_57 = arith.cmpi ne, %convert_element_type3A_55, %cond3A_56 : i32
    scf.if %cond3A_57 {
      %get3A_58 = arith.constant 0 : index
      %get3A_59 = arith.constant 0 : index
      %get3A_60 = vector.load %arg12[%get3A_58, %get3A_59] : memref<64x128xf32, #tpu.memory_space<vmem>>, vector<64x128xf32>
      %get3A_61 = arith.constant 0 : index
      %get3A_62 = arith.constant 0 : index
      %get3A_63 = vector.load %arg13[%get3A_61, %get3A_62] : memref<64x128xf32, #tpu.memory_space<vmem>>, vector<64x128xf32>
      %max3A = arith.constant 1.000000e+00 : f32
      %max3A_64 = vector.broadcast %max3A : f32 to vector<64x128xf32>
      %max3A_65 = arith.maximumf %get3A_63, %max3A_64 : vector<64x128xf32>
      %div3A = arith.divf %get3A_60, %max3A_65 : vector<64x128xf32>
      %get3A_66 = arith.constant 0 : index
      %get3A_67 = arith.constant 0 : index
      %get3A_68 = vector.load %arg8[%get3A_66, %get3A_67] : memref<128x128xf32, #tpu.memory_space<vmem>>, vector<128x128xf32>
      %dot_general3A_69 = arith.constant dense<0.000000e+00> : vector<64x128xf32>
      %dot_general3A_70 = tpu.matmul %div3A, %get3A_68, %dot_general3A_69 {dimension_numbers = #tpu.dot_dimension_numbers<[1], [0], [0], [1], [0, 0, 1, 1], [], []>, transpose_lhs_hint = false} : vector<64x128xf32>, vector<128x128xf32>, vector<64x128xf32> -> vector<64x128xf32>
      %mul3A_71 = arith.mulf %get3A_68, %get3A_68 : vector<128x128xf32>
      %reduce_sum3A_72 = arith.constant dense<0.000000e+00> : vector<128xf32>
      %reduce_sum3A_73 = vector.multi_reduction <add>, %mul3A_71, %reduce_sum3A_72 [0] : vector<128x128xf32> to vector<128xf32>
      %broadcast_in_dim3A_74 = vector.shape_cast %reduce_sum3A_73 : vector<128xf32> to vector<1x128xf32>
      %mul3A_75 = arith.mulf %div3A, %div3A : vector<64x128xf32>
      %reduce_sum3A_76 = arith.constant dense<0.000000e+00> : vector<64xf32>
      %reduce_sum3A_77 = vector.multi_reduction <add>, %mul3A_75, %reduce_sum3A_76 [1] : vector<64x128xf32> to vector<64xf32>
      %broadcast_in_dim3A_78 = vector.shape_cast %reduce_sum3A_77 : vector<64xf32> to vector<64x1xf32>
      %add3A_79 = vector.broadcast %broadcast_in_dim3A_78 : vector<64x1xf32> to vector<64x128xf32>
      %add3A_80 = vector.broadcast %broadcast_in_dim3A_74 : vector<1x128xf32> to vector<64x128xf32>
      %add3A_81 = arith.addf %add3A_79, %add3A_80 : vector<64x128xf32>
      %mul3A_82 = arith.constant 2.000000e+00 : f32
      %mul3A_83 = vector.broadcast %mul3A_82 : f32 to vector<64x128xf32>
      %mul3A_84 = arith.mulf %mul3A_83, %dot_general3A_70 : vector<64x128xf32>
      %sub3A = arith.subf %add3A_81, %mul3A_84 : vector<64x128xf32>
      %max3A_85 = arith.constant 0.000000e+00 : f32
      %max3A_86 = vector.broadcast %max3A_85 : f32 to vector<64x128xf32>
      %max3A_87 = arith.maximumf %sub3A, %max3A_86 : vector<64x128xf32>
      %slice3A_88 = vector.extract_strided_slice %max3A_87 {offsets = [0, 0], sizes = [64, 64], strides = [1, 1]} : vector<64x128xf32> to vector<64x64xf32>
      %slice3A_89 = vector.extract_strided_slice %max3A_87 {offsets = [0, 64], sizes = [64, 64], strides = [1, 1]} : vector<64x128xf32> to vector<64x64xf32>
      %min3A = arith.minimumf %slice3A_88, %slice3A_89 : vector<64x64xf32>
      %sqrt3A = math.sqrt %min3A : vector<64x64xf32>
      %iota3A_90 = tpu.iota {dimensions = array<i32: 1>} : vector<64x64xi32>
      %lt3A = arith.constant 18 : i32
      %lt3A_91 = vector.broadcast %lt3A : i32 to vector<64x64xi32>
      %lt3A_92 = arith.cmpi slt, %iota3A_90, %lt3A_91 : vector<64x64xi32>
      %jit3A = arith.constant 1.000000e+30 : f32
      %broadcast_in_dim3A_93 = vector.broadcast %jit3A : f32 to vector<64x64xf32>
      %select_n3A = arith.select %lt3A_92, %sqrt3A, %broadcast_in_dim3A_93 : vector<64x64xi1>, vector<64x64xf32>
      %reduce_min3A = arith.constant dense<0x7F800000> : vector<64xf32>
      %reduce_min3A_94 = vector.multi_reduction <minimumf>, %select_n3A, %reduce_min3A [1] : vector<64x64xf32> to vector<64xf32>
      %broadcast_in_dim3A_95 = vector.shape_cast %reduce_min3A_94 : vector<64xf32> to vector<64x1xf32>
      %get3A_96 = arith.constant 0 : index
      %get3A_97 = arith.constant 0 : index
      %get3A_98 = vector.load %arg9[%get3A_96, %get3A_97] : memref<1x128xf32, #tpu.memory_space<vmem>>, vector<1x128xf32>
      %sub3A_99 = vector.broadcast %get3A_98 : vector<1x128xf32> to vector<64x128xf32>
      %sub3A_100 = vector.broadcast %broadcast_in_dim3A_95 : vector<64x1xf32> to vector<64x128xf32>
      %sub3A_101 = arith.subf %sub3A_99, %sub3A_100 : vector<64x128xf32>
      %neg3A = arith.constant 0.000000e+00 : f32
      %neg3A_102 = vector.broadcast %neg3A : f32 to vector<64x128xf32>
      %neg3A_103 = arith.subf %neg3A_102, %sub3A_101 : vector<64x128xf32>
      %get3A_104 = arith.constant 0 : index
      %get3A_105 = arith.constant 0 : index
      %get3A_106 = vector.load %arg10[%get3A_104, %get3A_105] : memref<1x128xf32, #tpu.memory_space<vmem>>, vector<1x128xf32>
      %mul3A_107 = vector.broadcast %get3A_106 : vector<1x128xf32> to vector<64x128xf32>
      %mul3A_108 = arith.mulf %neg3A_103, %mul3A_107 : vector<64x128xf32>
      %exp3A = math.exp %mul3A_108 : vector<64x128xf32>
      %add3A_109 = arith.constant 1.000000e+00 : f32
      %add3A_110 = vector.broadcast %add3A_109 : f32 to vector<64x128xf32>
      %add3A_111 = arith.addf %add3A_110, %exp3A : vector<64x128xf32>
      %div3A_112 = arith.constant 1.000000e+00 : f32
      %div3A_113 = vector.broadcast %div3A_112 : f32 to vector<64x128xf32>
      %div3A_114 = arith.divf %div3A_113, %add3A_111 : vector<64x128xf32>
      %concatenate3A = tpu.concatenate %sqrt3A, %sqrt3A in 1 : vector<64x64xf32>, vector<64x64xf32> -> vector<64x128xf32>
      %iota3A_115 = tpu.iota {dimensions = array<i32: 1>} : vector<64x128xi32>
      %lt3A_116 = arith.constant 18 : i32
      %lt3A_117 = vector.broadcast %lt3A_116 : i32 to vector<64x128xi32>
      %lt3A_118 = arith.cmpi slt, %iota3A_115, %lt3A_117 : vector<64x128xi32>
      %neg3A_119 = arith.constant 0.000000e+00 : f32
      %neg3A_120 = vector.broadcast %neg3A_119 : f32 to vector<64x128xf32>
      %neg3A_121 = arith.subf %neg3A_120, %concatenate3A : vector<64x128xf32>
      %eq3A_122 = arith.constant 18 : i32
      %eq3A_123 = vector.broadcast %eq3A_122 : i32 to vector<64x128xi32>
      %eq3A_124 = arith.cmpi eq, %iota3A_115, %eq3A_123 : vector<64x128xi32>
      %jit3A_125 = arith.constant 0.000000e+00 : f32
      %broadcast_in_dim3A_126 = vector.broadcast %jit3A_125 : f32 to vector<64x128xf32>
      %select_n3A_127 = arith.select %eq3A_124, %div3A_114, %broadcast_in_dim3A_126 : vector<64x128xi1>, vector<64x128xf32>
      %select_n3A_128 = arith.select %lt3A_118, %neg3A_121, %select_n3A_127 : vector<64x128xi1>, vector<64x128xf32>
      %swap3A_129 = arith.constant 0 : index
      %swap3A_130 = arith.constant 0 : index
      %swap3A_131 = vector.load %arg11[%swap3A_129, %swap3A_130] : memref<64x128xf32, #tpu.memory_space<vmem>>, vector<64x128xf32>
      tpu.vector_store %arg11[%swap3A_129, %swap3A_130], %select_n3A_128 {strides = array<i32>} : memref<64x128xf32, #tpu.memory_space<vmem>>, vector<64x128xf32>,
    } else {
    }
    return
  }
  func.func @transform_0(%arg0: i32) -> (i32, i32) {
    %c0_i32 = arith.constant 0 : i32
    %c0_i32_0 = arith.constant 0 : i32
    return %arg0, %c0_i32 : i32, i32
  }
  func.func @transform_1(%arg0: i32) -> (i32, i32) {
    %c0_i32 = arith.constant 0 : i32
    %c0_i32_0 = arith.constant 0 : i32
    return %arg0, %c0_i32 : i32, i32
  }
  func.func @transform_2(%arg0: i32) -> (i32, i32) {
    %c0_i32 = arith.constant 0 : i32
    %c0_i32_0 = arith.constant 0 : i32
    return %arg0, %c0_i32 : i32, i32
  }
  func.func @transform_3(%arg0: i32) -> (i32, i32) {
    %c0_i32 = arith.constant 0 : i32
    %c0_i32_0 = arith.constant 0 : i32
    return %arg0, %c0_i32 : i32, i32
  }
  func.func @transform_4(%arg0: i32) -> (i32, i32) {
    %c0_i32 = arith.constant 0 : i32
    %c0_i32_0 = arith.constant 0 : i32
    return %arg0, %c0_i32 : i32, i32
  }
  func.func @transform_5(%arg0: i32) -> (i32, i32) {
    %c0_i32 = arith.constant 0 : i32
    %c0_i32_0 = arith.constant 0 : i32
    %c0_i32_1 = arith.constant 0 : i32
    return %c0_i32, %c0_i32_0 : i32, i32
  }
  func.func @transform_6(%arg0: i32) -> (i32, i32, i32) {
    %c0_i32 = arith.constant 0 : i32
    %c0_i32_0 = arith.constant 0 : i32
    %c0_i32_1 = arith.constant 0 : i32
    return %arg0, %c0_i32, %c0_i32_0 : i32, i32, i32
  }
  func.func @transform_7(%arg0: i32) -> (i32, i32) {
    %c0_i32 = arith.constant 0 : i32
    %c0_i32_0 = arith.constant 0 : i32
    %c0_i32_1 = arith.constant 0 : i32
    return %c0_i32, %c0_i32_0 : i32, i32
  }
  func.func @transform_8(%arg0: i32) -> (i32, i32) {
    %c0_i32 = arith.constant 0 : i32
    %c0_i32_0 = arith.constant 0 : i32
    %c0_i32_1 = arith.constant 0 : i32
    return %c0_i32, %c0_i32_0 : i32, i32
  }
  func.func @transform_9(%arg0: i32) -> (i32, i32) {
    %c0_i32 = arith.constant 0 : i32
    %c0_i32_0 = arith.constant 0 : i32
    %c0_i32_1 = arith.constant 0 : i32
    return %c0_i32, %c0_i32_0 : i32, i32
  }
  func.func @transform_10(%arg0: i32) -> (i32, i32) {
    %c0_i32 = arith.constant 0 : i32
    %c0_i32_0 = arith.constant 0 : i32
    %c0_i32_1 = arith.constant 0 : i32
    return %c0_i32, %c0_i32_0 : i32, i32
  }
}

</mosaic_0001>

<sc_bundles>
// kernel: kernel.10.cloned.1.call-start
scs
__scs_entry_jumppad:
0x0: {  	(pc) =	sbr.rel $0x88, $3  }
0x1: {  	(tag) =	ssettag $0x0;
	lr =	simm.s32 $0x1  }
0x2: {  	[smem:$0x3F93] =	sst lr;
	_ =	strace $0xD0000000  }
0x3: {  	_ = 	snop  }
0x4: {  	_ = 	snop  }
0x5: {  	_ = 	snop  }
0x6: {  	_ = 	snop  }
0x7: {  	_ = 	snop  }
__scs_overlays_trampoline_lowered:
0x8: {  	[smem:$0x3FA2] =	sst s0  }
0x9: {  	[smem:$0x3FA3] =	sst s1  }
0xa: {  	[smem:$0x3FA4] =	sst s2  }
0xb: {  	[smem:$0x3FA5] =	sst s3  }
0xc: {  	[smem:$0x3FA6] =	sst s4  }
0xd: {  	[smem:$0x3FA7] =	sst s5  }
0xe: {  	[smem:$0x3FA8] =	sst s6  }
0xf: {  	[smem:$0x3FA9] =	sst s7  }
0x10: {  	[smem:$0x3FAA] =	sst s8  }
0x11: {  	[smem:$0x3FAB] =	sst s9;
	s0 =	simm.s32 @!p0 $0x0  }
0x12: {  	s1 =	sld [smem:$0x3F91];
	s0 =	simm.s32 @p0 $0x1  }
0x13: {  	[smem:$0x3FAC] =	sst s0;
	s0 =	simm.s32 @!p1 $0x0  }
0x14: {  	s2 =	sld [smem:$0x3F90];
	s0 =	simm.s32 @p1 $0x1  }
0x15: {  	[smem:$0x3FAD] =	sst s0;
	s0 =	simm.s32 @!p2 $0x0  }
0x16: {  	s3 =	sld [smem:$0x3FDB];
	s0 =	simm.s32 @p2 $0x1  }
0x17: {  	s4 =	simm.s32 $0x1BF5;
	[smem:$0x3FAF] =	sst s0  }
0x18: {  	s0 =	sld [smem:$0x3F92];
	_ =	swait.ge [sflag:s4], $0x0  }
0x19: {  	s7 =	sld [smem:$0x3F93]  }
0x1a: {  	s8 =	sadd.s32 $0xFFFFE003, lr  }
0x1b: {  	s9 =	sadd.s32 $0xFFFFFEF7, lr;
	s5 =	simm.s32 $0xFFFFFFFF;
	p2 =	slt.u32 s8, $0xFFFFF086  }
0x1c: {  	p1 =	slt.u32 s9, $0xF7A;
	s5 =	simm.s32 @!p2 $0x0  }
0x1d: {  	s5 =	simm.s32 @p1 $0x1;
	p0 =	seq.s32 s7, s2  }
0x1e: {  	s7 =	smul.u32 @!p0 $0xF7A, s2;
	p2 =	seq.s32 @!p0 s5, $0x0  }
0x1f: {  	s9 =	smul.u32 $0xF7A, s1;
	s8 =	simm.s32 @!p0 $0x1BF5;
	p2 =	por !p2, p0  }
0x20: {  	[sflag:s8] =	ssyncset.s32 @!p0 $0xFFFFF086;
	s6 =	sadd.s32 @!p0 s3, s7;
	s7 =	simm.s32 @!p0 $0x108  }
0x21: {  	s3 =	sadd.s32 s3, s9;
	s6 =	sadd.s32 @!p0 $0x88, s6;
	s7 =	simm.s32 @p2 $0x1082  }
0x22: {  	[simem:s7], [sflag:s8] =	dma.local @!p0 [hbm:s6], $0xF7A  }
0x23: {  	s9 =	sor.u32 $0xD0000000, s2;
	s6 =	simm.s32 $0x108;
	_ =	swait.ge @!p0 [sflag:s8], $0x0  }
0x24: {  	s3 =	sadd.s32 $0x88, s3;
	s6 =	simm.s32 @!p1 $0x1082;
	[sflag:s4] =	ssyncset.s32 $0xFFFFF086  }
0x25: {  	[simem:s6], [sflag:s4] =	dma.local [hbm:s3], $0xF7A  }
0x26: {  	[smem:$0x3F93] =	sst s1;
	(tag) =	ssettag s2;
	_ =	strace s9  }
0x27: {  	s1 =	sld [smem:$0x3FA3]  }
0x28: {  	s2 =	sld [smem:$0x3FA4]  }
0x29: {  	s4 =	sld [smem:$0x3FA6]  }
0x2a: {  	p0 =	seq.s32 s5, $0x0;
	s5 =	sld [smem:$0x3FA7]  }
0x2b: {  	s6 =	sld [smem:$0x3FA8]  }
0x2c: {  	s7 =	sld [smem:$0x3FA9]  }
0x2d: {  	s3 =	simm.s32 $0x108;
	s8 =	sld [smem:$0x3FAA]  }
0x2e: {  	s3 =	simm.s32 @!p0 $0x1082;
	s9 =	sld [smem:$0x3FAB]  }
0x2f: {  	lr =	sadd.s32 s0, s3;
	s0 =	sld [smem:$0x3FA2]  }
0x30: {  	s3 =	sld [smem:$0x3FA5]  }
0x31: {  	[smem:$0x3FAE] =	sst s10  }
0x32: {  	s10 =	sld [smem:$0x3FAC];
	_ =	sdelay $0x3  }
0x33: {  	p0 =	seq.s32 s10, $0x1;
	s10 =	sld [smem:$0x3FAE];
	_ =	sdelay $0x3  }
0x34: {  	[smem:$0x3FAE] =	sst s10  }
0x35: {  	s10 =	sld [smem:$0x3FAD];
	_ =	sdelay $0x3  }
0x36: {  	p1 =	seq.s32 s10, $0x1;
	s10 =	sld [smem:$0x3FAE];
	_ =	sdelay $0x3  }
0x37: {  	[smem:$0x3FAE] =	sst s10  }
0x38: {  	s10 =	sld [smem:$0x3FAF]  }
0x39: {  	_ = 	snop;
	(pc) =	sbr.ind lr, $3  }
0x3a: {  	_ = 	snop  }
0x3b: {  	_ = 	snop  }
0x3c: {  	p2 =	seq.s32 s10, $0x1;
	s10 =	sld [smem:$0x3FAE]  }
0x3d: {  	_ =	shalt  }
0x3e: {  	_ =	shalt  }
0x3f: {  	_ =	shalt  }
0x40: {  	_ =	shalt  }
0x41: {  	_ =	shalt  }
0x42: {  	_ =	shalt  }
0x43: {  	_ =	shalt  }
0x44: {  	_ =	shalt  }
0x45: {  	_ =	shalt  }
0x46: {  	_ =	shalt  }
0x47: {  	_ =	shalt  }
0x48: {  	_ =	shalt  }
0x49: {  	_ =	shalt  }
0x4a: {  	_ =	shalt  }
0x4b: {  	_ =	shalt  }
0x4c: {  	_ =	shalt  }
0x4d: {  	_ =	shalt  }
0x4e: {  	_ =	shalt  }
0x4f: {  	_ =	shalt  }
0x50: {  	_ =	shalt  }
0x51: {  	_ =	shalt  }
0x52: {  	_ =	shalt  }
0x53: {  	_ =	shalt  }
0x54: {  	_ =	shalt  }
0x55: {  	_ =	shalt  }
0x56: {  	_ =	shalt  }
0x57: {  	_ =	shalt  }
0x58: {  	_ =	shalt  }
0x59: {  	_ =	shalt  }
0x5a: {  	_ =	shalt  }
0x5b: {  	_ =	shalt  }
0x5c: {  	_ =	shalt  }
0x5d: {  	_ =	shalt  }
0x5e: {  	_ =	shalt  }
0x5f: {  	_ =	shalt  }
0x60: {  	_ =	shalt  }
0x61: {  	_ =	shalt  }
0x62: {  	_ =	shalt  }
0x63: {  	_ =	shalt  }
0x64: {  	_ =	shalt  }
0x65: {  	_ =	shalt  }
0x66: {  	_ =	shalt  }
0x67: {  	_ =	shalt  }
0x68: {  	_ =	shalt  }
0x69: {  	_ =	shalt  }
0x6a: {  	_ =	shalt  }
0x6b: {  	_ =	shalt  }
0x6c: {  	_ =	shalt  }
0x6d: {  	_ =	shalt  }
0x6e: {  	_ =	shalt  }
0x6f: {  	_ =	shalt  }
0x70: {  	_ =	shalt  }
0x71: {  	_ =	shalt  }
0x72: {  	_ =	shalt  }
0x73: {  	_ =	shalt  }
0x74: {  	_ =	shalt  }
0x75: {  	_ =	shalt  }
0x76: {  	_ =	shalt  }
0x77: {  	_ =	shalt  }
0x78: {  	_ =	shalt  }
0x79: {  	_ =	shalt  }
0x7a: {  	_ =	shalt  }
0x7b: {  	_ =	shalt  }
0x7c: {  	_ =	shalt  }
0x7d: {  	_ =	shalt  }
0x7e: {  	_ =	shalt  }
0x7f: {  	_ =	shalt  }
0x80: {  	_ =	shalt  }
0x81: {  	_ =	shalt  }
0x82: {  	_ =	shalt  }
0x83: {  	_ =	shalt  }
0x84: {  	_ =	shalt  }
0x85: {  	_ =	shalt  }
0x86: {  	_ =	shalt  }
0x87: {  	_ =	shalt  }
.Lfunc_end0:
.L_simem_size_0:
called_computation_lowered:
.L_overlay_start_0:
0x88: {  	s2 =	sld [smem:$0x3FD9]  }
0x89: {  	s3 =	sld [smem:$0x3FFE];
	_ =	sdelay $0x1  }
0x8a: {  	s1 =	srdreg.scid  }
0x8b: {  	s0 =	sand.u32 $0x1, s1  }
0x8c: {  	s16 =	sshll.u32 s0, $0xA;
	s2 =	sadd.s32 s3, s2  }
0x8d: {  	s2 =	sadd.s32 s2, s16  }
0x8e: {  	[smem:$0x3FBA] =	sst s2  }
0x8f: {  	_ = 	snop  }
0x90: {  	(tm) =	ssettm $0x1  }
0x91: {  	s17 =	sld [smem:$0x3FFB];
	_ =	sdelay $0x3  }
0x92: {  	_ =	strace s17  }
0x93: {  	s2 =	sld [smem:$0x3FFC];
	_ =	sdelay $0x3  }
0x94: {  	_ =	strace s2  }
0x95: {  	s2 =	sld [smem:$0x3FFD];
	_ =	sdelay $0x3  }
0x96: {  	_ =	strace s2  }
0x97: {  	_ =	strace $0x8FFFFFFF  }
0x98: {  	s18 =	sld [smem:$0x3FDB];
	_ =	sdelay $0x1  }
0x99: {  	s19 =	simm.s32 $_scs_section_size  }
0x9a: {  	s4 =	simm.s32 $_size__tile_overlayer_lowered;
	s5 =	simm.s32 $_tile_overlayer_lowered  }
0x9b: {  	s22 =	simm.s32 $0x1BFF;
	s21 =	sshll.u32 s5, $0x1;
	s2 =	sadd.s32 s19, s18  }
0x9c: {  	s6 =	simm.s32 $0x0;
	s20 =	sshll.u32 s4, $0x1;
	s4 =	sadd.s32 s21, s2  }
0x9d: {  	[timem:s6], [sflag:s22] =	dma.local [hbm:s4], s20  }
0x9e: {  	_ =	swait.ge [sflag:s22], s20  }
0x9f: {  	s3 =	ssub.s32 $0x0, s20;
	[sflag:s22] =	ssyncset.done $0x0  }
0xa0: {  	[sflag:s22] =	ssyncadd.s32 s3;
	_ =	sdelay $0x1  }
0xa1: {  	s23 =	simm.s32 $0x1B8B  }
0xa2: {  	_ =	swait.ge [sflag:s23], $0x1  }
0xa3: {  	[sflag:s23] =	ssyncset.done $0x0  }
0xa4: {  	s25 =	simm.s32 $0x1B8E;
	s24 =	sld [smem:$0x3FFE];
	[sflag:s23] =	ssyncadd.s32 $0xFFFFFFFF  }
0xa5: {  	s26 =	simm.s32 $execute0_lowered;
	[smem:$0x3FD2] =	sst s25  }
0xa6: {  	s4 =	sshll.u32 s26, $0x1;
	_ =	strace $0x80000046;
	[dreg:$0x1] =	wrdreg $0xFFFFFFFF  }
0xa7: {  	s28 =	simm.s32 $_size_execute0_lowered;
	s2 =	sadd.s32 s2, s4;
	[dreg:$0x0] =	wrdreg $0x0  }
0xa8: {  	s4 =	sshll.u32 s28, $0x1;
	[dreg:$0x2] =	wrdreg s2  }
0xa9: {  	[dreg:$0x3] =	wrdreg s4  }
0xaa: {  	[dreg:$0x4] =	wrdreg $0xC0  }
0xab: {  	_ =	task [dreg:s6], $0x5FFFF  }
0xac: {  	[dreg:$0x1] =	wrdreg $0xFFFFFFFF  }
0xad: {  	[dreg:$0x0] =	wrdreg $0x60  }
0xae: {  	[dreg:$0x2] =	wrdreg s24  }
0xaf: {  	[dreg:$0x3] =	wrdreg $0x0  }
0xb0: {  	[dreg:$0x4] =	wrdreg $0x9  }
0xb1: {  	_ =	task.clear_ibuf [dreg:s6], $0x5FFFF;
	_ =	strace $0x90000046  }
0xb2: {  	s29 =	simm.s32 $0x9;
	_ =	strace $0x80000048  }
0xb3: {  	_ =	swait.ge [sflag:s29], $0x1  }
0xb4: {  	[sflag:s29] =	ssyncadd.s32 $0xFFFFFFFF  }
0xb5: {  	_ =	strace $0x90000048  }
0xb6: {  	_ =	sfence  }
0xb7: {  	s30 =	sld [smem:$0x0];
	_ =	sdelay $0x2  }
0xb8: {  	s31 =	sshll.u32 s1, $0xD;
	s1 =	sshrl.u32 s1, $0x2  }
0xb9: {  	s3 =	sand.u32 $0x4000, s31;
	s1 =	sadd.s32 s1, s30  }
0xba: {  	s0 =	sor.u32 s3, s0;
	s1 =	sshll.u32 s1, $0x11  }
0xbb: {  	s0 =	sor.u32 s1, s0  }
0xbc: {  	s0 =	sadd.s32 $0x8F2B, s0  }
0xbd: {  	[sflag:s0] =	ssyncadd.remote.s32 $0x1  }
0xbe: {  	_ =	sfence.sel $0xFFFF  }
0xbf: {  	[dreg:$0x0] =	wrdreg $0xFFFFFFFF;
	(pc) =	sbr.abs _section_cstart, $3  }
0xc0: {  	[dreg:$0x1] =	wrdreg $0xFFFFFFFF  }
0xc1: {  	_ =	task.clear_ibuf [dreg:s6], $0x2FFFF;
	_ =	strace $0x9FFFFFFF  }
0xc2: {  	(tm) =	ssettm $0x7FFFFFFF  }
0xc3: {  	_ =	shalt  }
tec
execute0_lowered:
.L_overlay_start_1:
0x0: {  	(tag) =	ssettag $0x1  }
0x1: {  	s5 =	rddreg [dreg:$0x0]  }
0x2: {  	s2 =	rddreg [dreg:$0x1]  }
0x3: {  	s0 =	srdreg.scid;
	s1 =	rddreg [dreg:$0x2]  }
0x4: {  	s3 =	simm.s32 $0x0;
	s10 =	simm.s32 $0x36400;
	s4 =	sand.u32 $0x1, s0  }
0x5: {  	s11 =	simm.s32 $0x50;
	s0 =	stileid.u32;
	s6 =	smul.u32 $0x27100, s4  }
0x6: {  	s12 =	simm.s32 $0x2880;
	[smem:$0x7FF] =	sst s3;
	s7 =	smul.u32 $0x2710, s0  }
0x7: {  	s15 =	simm.s32 $0x0;
	_ =	strace $0x80000047;
	s8 =	smul.u32 $0x50000, s0  }
0x8: {  	s28 =	ssub.s32 $0x2, s4;
	p0 =	seq.s32 s4, $0x1;
	s30 =	smul.u32 $0x2800, s0  }
0x9: {  	s13 =	sshll.u32 s0, $0x6;
	s9 =	sshrl.u32 s28, $0x1;
	s10 =	simm.s32 @!p0 $0xE400  }
0xa: {  	s13 =	sor.u32 $0x1C01, s13;
	s6 =	sadd.s32 s7, s6;
	s29 =	sshrl.u32 s8, $0x2  }
0xb: {  	s31 =	sadd.s32 s10, s5;
	s8 =	simm.s32 $0x5080;
	s6 =	sshrl.u32 s6, $0x3  }
0xc: {  	s10 =	simm.s32 $0x2800;
	s4 =	sadd.s32 s29, s2;
	s26 =	sadd.s32 s6, s5  }
0xd: {  	s6 =	ssub.s32 s28, s9;
	s9 =	simm.s32 $0x1;
	s14 =	sshrl.u32 s4, $0x3  }
0xe: {  	v0 =	vimm.f32 $1.000000000e+00;
	v1 =	vimm.f32 $0.0e+00;
	s5 =	smax.u32 s6, $0x1;
	s6 =	sadd.s32 s31, s30;
	s7 =	sadd.s32 $0x4600, s26  }
.LBB2_1:
0xf: {  	s16 =	simm.s32 $0x0  }
.LBB2_2:
0x10: {  	p0 =	sne.s32 s16, $0x9E00  }
.Ltmp0:
0x11: {  	_ = 	snop;
	(pc) =	sbr.rel @p0 .LBB2_2-.Ltmp0, $3  }
0x12: {  	_ =	sdelay $0x1  }
0x13: {  	s17 =	sshra.s32 s16, $0x2  }
0x14: {  	s16 =	sadd.s32 $0x200, s16;
	[tilespmem:s17+$0x2880] =	vst v0  }
0x15: {  	s16 =	simm.s32 $0x200;
	s17 =	simm.s32 $0x0  }
.LBB2_4:
0x16: {  	p0 =	sne.s32 s16, $0x4FE00;
	[tilespmem:s17+$0x5080] =	vst v1;
	s17 =	smov.u32 s16;
	s16 =	sadd.s32 $0x200, s16  }
.Ltmp1:
0x17: {  	(pc) =	sbr.rel @p0 .LBB2_4-.Ltmp1, $2  }
0x18: {  	_ =	sdelay $0x2  }
0x19: {  	s17 =	sshra.s32 s17, $0x2  }
0x1a: {  	[tilespmem:s17+$0x5080] =	vst v1  }
0x1b: {  	[spmem:s4] =	stream.linear.scatter [tilespmem:s8], [sflag:$0x1], $0x14000, $0x38;
	[tilespmem:$0x19080] =	vst v63  }
0x1c: {  	_ =	swait.ge [sflag:s9], $0x14000  }
0x1d: {  	[sflag:s9] =	ssyncset.done $0x0  }
0x1e: {  	[sflag:s9] =	ssyncadd.s32 $0xFFFEC000  }
0x1f: {  	s16 =	sadd.s32 $0x0, s7;
	[bflag:$0x0] =	sbarrier.arrive $0xFFFF  }
0x20: {  	[tilespmem:s10], [sflag:$0x1] =	stream.linear.gather [hbm4b:s16+s3], $0x50, $0x38;
	[tilespmem:$0x19080] =	vst v63  }
0x21: {  	_ =	swait.ge [sflag:s9], $0x50  }
0x22: {  	[sflag:s9] =	ssyncset.done $0x0  }
0x23: {  	[sflag:s9] =	ssyncadd.s32 $0xFFFFFFB0  }
0x24: {  	[spmem:s2] =	stream.indirect.scatter.add.f32 [tilespmem:s12], [sflag:$0x1], $0x10, s10, s11, $0xb8;
	[tilespmem:$0x19080] =	vst v63  }
0x25: {  	_ =	swait.ge [sflag:s9], $0x500  }
0x26: {  	s17 =	simm.s32 $0x14;
	s16 =	simm.s32 $0xA;
	[sflag:s9] =	ssyncset.done $0x0  }
.LBB2_6:
0x27: {  	s18 =	sadd.s32 s16, s7  }
0x28: {  	[sflag:s9] =	ssyncadd.s32 $0xFFFFFB00;
	s16 =	smov.u32 s17;
	s19 =	sadd.s32 $0xA, s17  }
0x29: {  	[tilespmem:s10], [sflag:$0x1] =	stream.linear.gather [hbm4b:s18+s3], $0x50, $0x38;
	[tilespmem:$0x19080] =	vst v63  }
0x2a: {  	p0 =	sne.s32 s17, $0x4D8;
	_ =	swait.ge [sflag:s9], $0x50  }
.Ltmp2:
0x2b: {  	[sflag:s9] =	ssyncset.done $0x0;
	(pc) =	sbr.rel @p0 .LBB2_6-.Ltmp2, $4  }
0x2c: {  	[sflag:s9] =	ssyncadd.s32 $0xFFFFFFB0  }
0x2d: {  	[spmem:s2] =	stream.indirect.scatter.add.f32 [tilespmem:s12], [sflag:$0x1], $0x10, s10, s11, $0xb8;
	[tilespmem:$0x19080] =	vst v63  }
0x2e: {  	_ =	swait.ge [sflag:s9], $0x500  }
0x2f: {  	s17 =	smov.u32 s19;
	[sflag:s9] =	ssyncset.done $0x0  }
0x30: {  	s16 =	sadd.s32 s16, s7;
	[sflag:s9] =	ssyncadd.s32 $0xFFFFFB00  }
0x31: {  	[tilespmem:s10], [sflag:$0x1] =	stream.linear.gather [hbm4b:s16+s3], $0x50, $0x38;
	[tilespmem:$0x19080] =	vst v63  }
0x32: {  	_ =	swait.ge [sflag:s9], $0x50  }
0x33: {  	[sflag:s9] =	ssyncset.done $0x0  }
0x34: {  	[sflag:s9] =	ssyncadd.s32 $0xFFFFFFB0  }
0x35: {  	[spmem:s2] =	stream.indirect.scatter.add.f32 [tilespmem:s12], [sflag:$0x1], $0x10, s10, s11, $0xb8;
	[tilespmem:$0x19080] =	vst v63  }
0x36: {  	_ =	swait.ge [sflag:s9], $0x500  }
0x37: {  	s15 =	sadd.s32 $0x1, s15;
	[sflag:s9] =	ssyncset.done $0x0  }
0x38: {  	p0 =	sne.s32 s15, s5;
	[sflag:s9] =	ssyncadd.s32 $0xFFFFFB00  }
.Ltmp3:
0x39: {  	[bflag:$0x0] =	sbarrier.arrive $0xFFFF;
	(pc) =	sbr.rel @p0 .LBB2_1-.Ltmp3, $4  }
0x3a: {  	[hbm:s6], [sflag:s13] =	dma.local [spmem:s14], $0x2800  }
0x3b: {  	_ =	swait.ge [sflag:s9], $0x2800  }
0x3c: {  	[sflag:s9] =	ssyncset.done $0x0  }
0x3d: {  	[sflag:s9] =	ssyncadd.s32 $0xFFFFD800  }
0x3e: {  	_ =	sfence.sel $0x180000  }
0x3f: {  	[bflag:$0x0] =	sbarrier.arrive $0xFFFF  }
0x40: {  	p0 =	sne.s32 s0, $0x0;
	_ =	strace $0x90000047  }
0x41: {  	s0 =	sadd.s32 @!p0 $0x100000, s1;
	[bflag:$0x2] =	sbarrier.arrive $0xFFFF  }
0x42: {  	[sflag:s0] =	ssyncadd.tile.s32 @!p0 $0x1;
	_ =	shalt  }
.Lfunc_end2:
_tile_overlayer_lowered:
.L_overlay_start_2:
0x43: {  	(tag) =	ssettag $0x2  }
0x44: {  	s0 =	rddreg [dreg:$0x0];
	s2 =	stileid.u32  }
0x45: {  	s1 =	rddreg [dreg:$0x1];
	p0 =	sne.s32 s2, $0x0  }
0x46: {  	s3 =	rddreg [dreg:$0x2];
	[bflag:$0x3] =	sbarrier.arrive $0xFFFF;
	s2 =	simm.s32 @!p0 $0x1C01  }
0x47: {  	[timem:s3], [sflag:s2] =	dma.local @!p0 [hbm:s0], s1  }
0x48: {  	s0 =	simm.s32 @!p0 $0x1  }
0x49: {  	_ =	swait.ge @!p0 [sflag:s0], s1  }
0x4a: {  	s1 =	ssub.s32 @!p0 $0x0, s1;
	[sflag:s0] =	ssyncset.done @!p0 $0x0  }
0x4b: {  	[sflag:s0] =	ssyncadd.s32 @!p0 s1  }
0x4c: {  	[bflag:$0x3] =	sbarrier.arrive $0xFFFF  }
0x4d: {  	_ =	shalt  }

// kernel: kernel.13.cloned.1.call-start
scs
__scs_entry_jumppad:
0x0: {  	(pc) =	sbr.rel $0x88, $3  }
0x1: {  	(tag) =	ssettag $0x0;
	lr =	simm.s32 $0x1  }
0x2: {  	[smem:$0x3F93] =	sst lr;
	_ =	strace $0xD0000000  }
0x3: {  	_ = 	snop  }
0x4: {  	_ = 	snop  }
0x5: {  	_ = 	snop  }
0x6: {  	_ = 	snop  }
0x7: {  	_ = 	snop  }
__scs_overlays_trampoline_lowered:
0x8: {  	[smem:$0x3FA2] =	sst s0  }
0x9: {  	[smem:$0x3FA3] =	sst s1  }
0xa: {  	[smem:$0x3FA4] =	sst s2  }
0xb: {  	[smem:$0x3FA5] =	sst s3  }
0xc: {  	[smem:$0x3FA6] =	sst s4  }
0xd: {  	[smem:$0x3FA7] =	sst s5  }
0xe: {  	[smem:$0x3FA8] =	sst s6  }
0xf: {  	[smem:$0x3FA9] =	sst s7  }
0x10: {  	[smem:$0x3FAA] =	sst s8  }
0x11: {  	[smem:$0x3FAB] =	sst s9;
	s0 =	simm.s32 @!p0 $0x0  }
0x12: {  	s1 =	sld [smem:$0x3F91];
	s0 =	simm.s32 @p0 $0x1  }
0x13: {  	[smem:$0x3FAC] =	sst s0;
	s0 =	simm.s32 @!p1 $0x0  }
0x14: {  	s2 =	sld [smem:$0x3F90];
	s0 =	simm.s32 @p1 $0x1  }
0x15: {  	[smem:$0x3FAD] =	sst s0;
	s0 =	simm.s32 @!p2 $0x0  }
0x16: {  	s3 =	sld [smem:$0x3FDB];
	s0 =	simm.s32 @p2 $0x1  }
0x17: {  	s4 =	simm.s32 $0x1BF5;
	[smem:$0x3FAF] =	sst s0  }
0x18: {  	s0 =	sld [smem:$0x3F92];
	_ =	swait.ge [sflag:s4], $0x0  }
0x19: {  	s7 =	sld [smem:$0x3F93]  }
0x1a: {  	s8 =	sadd.s32 $0xFFFFE003, lr  }
0x1b: {  	s9 =	sadd.s32 $0xFFFFFEF7, lr;
	s5 =	simm.s32 $0xFFFFFFFF;
	p2 =	slt.u32 s8, $0xFFFFF086  }
0x1c: {  	p1 =	slt.u32 s9, $0xF7A;
	s5 =	simm.s32 @!p2 $0x0  }
0x1d: {  	s5 =	simm.s32 @p1 $0x1;
	p0 =	seq.s32 s7, s2  }
0x1e: {  	s7 =	smul.u32 @!p0 $0xF7A, s2;
	p2 =	seq.s32 @!p0 s5, $0x0  }
0x1f: {  	s9 =	smul.u32 $0xF7A, s1;
	s8 =	simm.s32 @!p0 $0x1BF5;
	p2 =	por !p2, p0  }
0x20: {  	[sflag:s8] =	ssyncset.s32 @!p0 $0xFFFFF086;
	s6 =	sadd.s32 @!p0 s3, s7;
	s7 =	simm.s32 @!p0 $0x108  }
0x21: {  	s3 =	sadd.s32 s3, s9;
	s6 =	sadd.s32 @!p0 $0x88, s6;
	s7 =	simm.s32 @p2 $0x1082  }
0x22: {  	[simem:s7], [sflag:s8] =	dma.local @!p0 [hbm:s6], $0xF7A  }
0x23: {  	s9 =	sor.u32 $0xD0000000, s2;
	s6 =	simm.s32 $0x108;
	_ =	swait.ge @!p0 [sflag:s8], $0x0  }
0x24: {  	s3 =	sadd.s32 $0x88, s3;
	s6 =	simm.s32 @!p1 $0x1082;
	[sflag:s4] =	ssyncset.s32 $0xFFFFF086  }
0x25: {  	[simem:s6], [sflag:s4] =	dma.local [hbm:s3], $0xF7A  }
0x26: {  	[smem:$0x3F93] =	sst s1;
	(tag) =	ssettag s2;
	_ =	strace s9  }
0x27: {  	s1 =	sld [smem:$0x3FA3]  }
0x28: {  	s2 =	sld [smem:$0x3FA4]  }
0x29: {  	s4 =	sld [smem:$0x3FA6]  }
0x2a: {  	p0 =	seq.s32 s5, $0x0;
	s5 =	sld [smem:$0x3FA7]  }
0x2b: {  	s6 =	sld [smem:$0x3FA8]  }
0x2c: {  	s7 =	sld [smem:$0x3FA9]  }
0x2d: {  	s3 =	simm.s32 $0x108;
	s8 =	sld [smem:$0x3FAA]  }
0x2e: {  	s3 =	simm.s32 @!p0 $0x1082;
	s9 =	sld [smem:$0x3FAB]  }
0x2f: {  	lr =	sadd.s32 s0, s3;
	s0 =	sld [smem:$0x3FA2]  }
0x30: {  	s3 =	sld [smem:$0x3FA5]  }
0x31: {  	[smem:$0x3FAE] =	sst s10  }
0x32: {  	s10 =	sld [smem:$0x3FAC];
	_ =	sdelay $0x3  }
0x33: {  	p0 =	seq.s32 s10, $0x1;
	s10 =	sld [smem:$0x3FAE];
	_ =	sdelay $0x3  }
0x34: {  	[smem:$0x3FAE] =	sst s10  }
0x35: {  	s10 =	sld [smem:$0x3FAD];
	_ =	sdelay $0x3  }
0x36: {  	p1 =	seq.s32 s10, $0x1;
	s10 =	sld [smem:$0x3FAE];
	_ =	sdelay $0x3  }
0x37: {  	[smem:$0x3FAE] =	sst s10  }
0x38: {  	s10 =	sld [smem:$0x3FAF]  }
0x39: {  	_ = 	snop;
	(pc) =	sbr.ind lr, $3  }
0x3a: {  	_ = 	snop  }
0x3b: {  	_ = 	snop  }
0x3c: {  	p2 =	seq.s32 s10, $0x1;
	s10 =	sld [smem:$0x3FAE]  }
0x3d: {  	_ =	shalt  }
0x3e: {  	_ =	shalt  }
0x3f: {  	_ =	shalt  }
0x40: {  	_ =	shalt  }
0x41: {  	_ =	shalt  }
0x42: {  	_ =	shalt  }
0x43: {  	_ =	shalt  }
0x44: {  	_ =	shalt  }
0x45: {  	_ =	shalt  }
0x46: {  	_ =	shalt  }
0x47: {  	_ =	shalt  }
0x48: {  	_ =	shalt  }
0x49: {  	_ =	shalt  }
0x4a: {  	_ =	shalt  }
0x4b: {  	_ =	shalt  }
0x4c: {  	_ =	shalt  }
0x4d: {  	_ =	shalt  }
0x4e: {  	_ =	shalt  }
0x4f: {  	_ =	shalt  }
0x50: {  	_ =	shalt  }
0x51: {  	_ =	shalt  }
0x52: {  	_ =	shalt  }
0x53: {  	_ =	shalt  }
0x54: {  	_ =	shalt  }
0x55: {  	_ =	shalt  }
0x56: {  	_ =	shalt  }
0x57: {  	_ =	shalt  }
0x58: {  	_ =	shalt  }
0x59: {  	_ =	shalt  }
0x5a: {  	_ =	shalt  }
0x5b: {  	_ =	shalt  }
0x5c: {  	_ =	shalt  }
0x5d: {  	_ =	shalt  }
0x5e: {  	_ =	shalt  }
0x5f: {  	_ =	shalt  }
0x60: {  	_ =	shalt  }
0x61: {  	_ =	shalt  }
0x62: {  	_ =	shalt  }
0x63: {  	_ =	shalt  }
0x64: {  	_ =	shalt  }
0x65: {  	_ =	shalt  }
0x66: {  	_ =	shalt  }
0x67: {  	_ =	shalt  }
0x68: {  	_ =	shalt  }
0x69: {  	_ =	shalt  }
0x6a: {  	_ =	shalt  }
0x6b: {  	_ =	shalt  }
0x6c: {  	_ =	shalt  }
0x6d: {  	_ =	shalt  }
0x6e: {  	_ =	shalt  }
0x6f: {  	_ =	shalt  }
0x70: {  	_ =	shalt  }
0x71: {  	_ =	shalt  }
0x72: {  	_ =	shalt  }
0x73: {  	_ =	shalt  }
0x74: {  	_ =	shalt  }
0x75: {  	_ =	shalt  }
0x76: {  	_ =	shalt  }
0x77: {  	_ =	shalt  }
0x78: {  	_ =	shalt  }
0x79: {  	_ =	shalt  }
0x7a: {  	_ =	shalt  }
0x7b: {  	_ =	shalt  }
0x7c: {  	_ =	shalt  }
0x7d: {  	_ =	shalt  }
0x7e: {  	_ =	shalt  }
0x7f: {  	_ =	shalt  }
0x80: {  	_ =	shalt  }
0x81: {  	_ =	shalt  }
0x82: {  	_ =	shalt  }
0x83: {  	_ =	shalt  }
0x84: {  	_ =	shalt  }
0x85: {  	_ =	shalt  }
0x86: {  	_ =	shalt  }
0x87: {  	_ =	shalt  }
.Lfunc_end0:
.L_simem_size_0:
called_computation.1_lowered:
.L_overlay_start_0:
0x88: {  	s2 =	sld [smem:$0x3FD9]  }
0x89: {  	s3 =	sld [smem:$0x3FFE];
	_ =	sdelay $0x1  }
0x8a: {  	s1 =	srdreg.scid  }
0x8b: {  	s0 =	sand.u32 $0x1, s1  }
0x8c: {  	s16 =	sshll.u32 s0, $0xA;
	s2 =	sadd.s32 s3, s2  }
0x8d: {  	s2 =	sadd.s32 s2, s16  }
0x8e: {  	[smem:$0x3FBA] =	sst s2  }
0x8f: {  	_ = 	snop  }
0x90: {  	(tm) =	ssettm $0x1  }
0x91: {  	s17 =	sld [smem:$0x3FFB];
	_ =	sdelay $0x3  }
0x92: {  	_ =	strace s17  }
0x93: {  	s2 =	sld [smem:$0x3FFC];
	_ =	sdelay $0x3  }
0x94: {  	_ =	strace s2  }
0x95: {  	s2 =	sld [smem:$0x3FFD];
	_ =	sdelay $0x3  }
0x96: {  	_ =	strace s2  }
0x97: {  	_ =	strace $0x8FFFFFFF  }
0x98: {  	s18 =	sld [smem:$0x3FDB];
	_ =	sdelay $0x1  }
0x99: {  	s19 =	simm.s32 $_scs_section_size  }
0x9a: {  	s4 =	simm.s32 $_size__tile_overlayer_lowered;
	s5 =	simm.s32 $_tile_overlayer_lowered  }
0x9b: {  	s22 =	simm.s32 $0x1BFF;
	s21 =	sshll.u32 s5, $0x1;
	s2 =	sadd.s32 s19, s18  }
0x9c: {  	s6 =	simm.s32 $0x0;
	s20 =	sshll.u32 s4, $0x1;
	s4 =	sadd.s32 s21, s2  }
0x9d: {  	[timem:s6], [sflag:s22] =	dma.local [hbm:s4], s20  }
0x9e: {  	_ =	swait.ge [sflag:s22], s20  }
0x9f: {  	s3 =	ssub.s32 $0x0, s20;
	[sflag:s22] =	ssyncset.done $0x0  }
0xa0: {  	[sflag:s22] =	ssyncadd.s32 s3;
	_ =	sdelay $0x1  }
0xa1: {  	s23 =	simm.s32 $0x1B8B  }
0xa2: {  	_ =	swait.ge [sflag:s23], $0x1  }
0xa3: {  	[sflag:s23] =	ssyncset.done $0x0  }
0xa4: {  	s25 =	simm.s32 $0x1B8E;
	s24 =	sld [smem:$0x3FFE];
	[sflag:s23] =	ssyncadd.s32 $0xFFFFFFFF  }
0xa5: {  	s26 =	simm.s32 $execute0_lowered;
	[smem:$0x3FD2] =	sst s25  }
0xa6: {  	s4 =	sshll.u32 s26, $0x1;
	_ =	strace $0x80000049;
	[dreg:$0x1] =	wrdreg $0xFFFFFFFF  }
0xa7: {  	s28 =	simm.s32 $_size_execute0_lowered;
	s2 =	sadd.s32 s2, s4;
	[dreg:$0x0] =	wrdreg $0x0  }
0xa8: {  	s4 =	sshll.u32 s28, $0x1;
	[dreg:$0x2] =	wrdreg s2  }
0xa9: {  	[dreg:$0x3] =	wrdreg s4  }
0xaa: {  	[dreg:$0x4] =	wrdreg $0xC0  }
0xab: {  	_ =	task [dreg:s6], $0x5FFFF  }
0xac: {  	[dreg:$0x1] =	wrdreg $0xFFFFFFFF  }
0xad: {  	[dreg:$0x0] =	wrdreg $0x60  }
0xae: {  	[dreg:$0x2] =	wrdreg s24  }
0xaf: {  	[dreg:$0x3] =	wrdreg $0x0  }
0xb0: {  	[dreg:$0x4] =	wrdreg $0x9  }
0xb1: {  	_ =	task.clear_ibuf [dreg:s6], $0x5FFFF;
	_ =	strace $0x90000049  }
0xb2: {  	s29 =	simm.s32 $0x9;
	_ =	strace $0x8000004B  }
0xb3: {  	_ =	swait.ge [sflag:s29], $0x1  }
0xb4: {  	[sflag:s29] =	ssyncadd.s32 $0xFFFFFFFF  }
0xb5: {  	_ =	strace $0x9000004B  }
0xb6: {  	_ =	sfence  }
0xb7: {  	s30 =	sld [smem:$0x0];
	_ =	sdelay $0x2  }
0xb8: {  	s31 =	sshll.u32 s1, $0xD;
	s1 =	sshrl.u32 s1, $0x2  }
0xb9: {  	s3 =	sand.u32 $0x4000, s31;
	s1 =	sadd.s32 s1, s30  }
0xba: {  	s0 =	sor.u32 s3, s0;
	s1 =	sshll.u32 s1, $0x11  }
0xbb: {  	s0 =	sor.u32 s1, s0  }
0xbc: {  	s0 =	sadd.s32 $0x8F2B, s0  }
0xbd: {  	[sflag:s0] =	ssyncadd.remote.s32 $0x1  }
0xbe: {  	_ =	sfence.sel $0xFFFF  }
0xbf: {  	[dreg:$0x0] =	wrdreg $0xFFFFFFFF;
	(pc) =	sbr.abs _section_cstart, $3  }
0xc0: {  	[dreg:$0x1] =	wrdreg $0xFFFFFFFF  }
0xc1: {  	_ =	task.clear_ibuf [dreg:s6], $0x2FFFF;
	_ =	strace $0x9FFFFFFF  }
0xc2: {  	(tm) =	ssettm $0x7FFFFFFF  }
0xc3: {  	_ =	shalt  }
tec
execute0_lowered:
.L_overlay_start_1:
0x0: {  	(tag) =	ssettag $0x1  }
0x1: {  	s0 =	rddreg [dreg:$0x0]  }
0x2: {  	s1 =	rddreg [dreg:$0x1];
	s2 =	srdreg.scid  }
0x3: {  	s3 =	simm.s32 $0x0;
	s16 =	stileid.u32;
	s18 =	simm.s32 $0x1C000  }
0x4: {  	s19 =	simm.s32 $0x3;
	s20 =	simm.s32 $0x2;
	s21 =	simm.s32 $0x50  }
0x5: {  	s22 =	simm.s32 $0x14800;
	s23 =	simm.s32 $0x17000;
	s24 =	simm.s32 $0x19800  }
0x6: {  	s25 =	simm.s32 $0x1;
	s2 =	sand.u32 $0x1, s2;
	s8 =	smul.u32 $0x50000, s16  }
0x7: {  	[smem:$0x7FF] =	sst s3;
	s15 =	sadd.s32 $0x73400, s0;
	s13 =	smul.u32 $0x5400, s16  }
0x8: {  	s14 =	sadd.s32 $0x5E400, s0;
	s29 =	smul.u32 $0x2800, s16;
	s4 =	sshll.u32 s2, $0x4  }
0x9: {  	_ =	strace $0x8000004A;
	s6 =	ssub.s32 $0x2, s2;
	s11 =	smul.u32 $0x54000, s2  }
0xa: {  	p0 =	seq.s32 s2, $0x1;
	s2 =	simm.s32 $0xD7600;
	s5 =	sor.u32 s16, s4  }
0xb: {  	s4 =	sadd.s32 $0x88400, s0;
	s7 =	sshrl.u32 s6, $0x1;
	s28 =	sshrl.u32 s8, $0x2  }
0xc: {  	s2 =	simm.s32 @!p0 $0xAF600;
	s16 =	simm.s32 $0x0;
	s5 =	smul.u32 $0x5400, s5  }
0xd: {  	s12 =	ssub.s32 s6, s7;
	s7 =	sadd.s32 s28, s1;
	s11 =	sadd.s32 s13, s11  }
0xe: {  	s0 =	sadd.s32 s2, s0;
	s8 =	sadd.s32 $0x4000, s7;
	s9 =	sadd.s32 $0x8000, s7  }
0xf: {  	s10 =	sadd.s32 $0xC000, s7;
	s30 =	sor.u32 $0x200, s11;
	s11 =	sadd.s32 $0x10000, s7  }
0x10: {  	s12 =	smax.u32 s12, $0x1;
	s13 =	sadd.s32 s0, s29;
	s26 =	sshrl.u32 s5, $0x3  }
0x11: {  	s0 =	simm.s32 $0x14700;
	s31 =	sshrl.u32 s30, $0x3;
	s5 =	sadd.s32 s15, s26  }
0x12: {  	v0 =	vimm.f32 $0.0e+00;
	s6 =	sadd.s32 s14, s26;
	s14 =	sadd.s32 s31, s14;
	s15 =	sadd.s32 s31, s15  }
.LBB2_1:
0x13: {  	s2 =	simm.s32 $0x14000  }
0x14: {  	[tilespmem:s2], [sflag:$0x2] =	stream.linear.gather [hbm4b:s5+s3], $0x180, $0x38;
	v63 =	vld [tilespmem:$0x0]  }
0x15: {  	s31 =	simm.s32 $0x14400;
	s17 =	simm.s32 $0x200;
	s2 =	simm.s32 $0x0  }
0x16: {  	[tilespmem:s31], [sflag:$0x2] =	stream.linear.gather [hbm4b:s6+s3], $0x180, $0x38;
	v63 =	vld [tilespmem:$0x0]  }
.LBB2_2:
0x17: {  	p0 =	sne.s32 s17, $0xFE00;
	[tilespmem:s2+$0x1C070] =	vst v0  }
0x18: {  	[tilespmem:s2+$0x1C000] =	vst v0  }
0x19: {  	[tilespmem:s2+$0x1C010] =	vst v0  }
.Ltmp0:
0x1a: {  	[tilespmem:s2+$0x1C020] =	vst v0;
	(pc) =	sbr.rel @p0 .LBB2_2-.Ltmp0, $4  }
0x1b: {  	[tilespmem:s2+$0x1C030] =	vst v0  }
0x1c: {  	[tilespmem:s2+$0x1C040] =	vst v0  }
0x1d: {  	[tilespmem:s2+$0x1C050] =	vst v0  }
0x1e: {  	[tilespmem:s2+$0x1C060] =	vst v0;
	s2 =	sshra.s32 s17, $0x2;
	s17 =	sadd.s32 $0x200, s17  }
0x1f: {  	[tilespmem:s2+$0x1C070] =	vst v0  }
0x20: {  	[tilespmem:s2+$0x1C000] =	vst v0  }
0x21: {  	[tilespmem:s2+$0x1C010] =	vst v0  }
0x22: {  	[tilespmem:s2+$0x1C020] =	vst v0  }
0x23: {  	[tilespmem:s2+$0x1C030] =	vst v0  }
0x24: {  	[tilespmem:s2+$0x1C040] =	vst v0  }
0x25: {  	[tilespmem:s2+$0x1C050] =	vst v0  }
0x26: {  	[tilespmem:s2+$0x1C060] =	vst v0  }
0x27: {  	[spmem:s7] =	stream.linear.scatter [tilespmem:s18], [sflag:$0x3], $0x4000, $0x38;
	v63 =	vld [tilespmem:$0x0]  }
0x28: {  	_ =	swait.ge [sflag:s19], $0x4000  }
0x29: {  	[sflag:s19] =	ssyncset.done $0x0  }
0x2a: {  	[sflag:s19] =	ssyncadd.s32 $0xFFFFC000  }
0x2b: {  	[spmem:s8] =	stream.linear.scatter [tilespmem:s18], [sflag:$0x3], $0x4000, $0x38;
	v63 =	vld [tilespmem:$0x0]  }
0x2c: {  	_ =	swait.ge [sflag:s19], $0x4000  }
0x2d: {  	[sflag:s19] =	ssyncset.done $0x0  }
0x2e: {  	[sflag:s19] =	ssyncadd.s32 $0xFFFFC000  }
0x2f: {  	[spmem:s9] =	stream.linear.scatter [tilespmem:s18], [sflag:$0x3], $0x4000, $0x38;
	v63 =	vld [tilespmem:$0x0]  }
0x30: {  	_ =	swait.ge [sflag:s19], $0x4000  }
0x31: {  	[sflag:s19] =	ssyncset.done $0x0  }
0x32: {  	[sflag:s19] =	ssyncadd.s32 $0xFFFFC000  }
0x33: {  	[spmem:s10] =	stream.linear.scatter [tilespmem:s18], [sflag:$0x3], $0x4000, $0x38;
	v63 =	vld [tilespmem:$0x0]  }
0x34: {  	_ =	swait.ge [sflag:s19], $0x4000  }
0x35: {  	[sflag:s19] =	ssyncset.done $0x0  }
0x36: {  	[sflag:s19] =	ssyncadd.s32 $0xFFFFC000  }
0x37: {  	[spmem:s11] =	stream.linear.scatter [tilespmem:s18], [sflag:$0x3], $0x4000, $0x38;
	v63 =	vld [tilespmem:$0x0]  }
0x38: {  	_ =	swait.ge [sflag:s19], $0x4000  }
0x39: {  	[sflag:s19] =	ssyncset.done $0x0  }
0x3a: {  	[sflag:s19] =	ssyncadd.s32 $0xFFFFC000  }
0x3b: {  	_ =	swait.ge [sflag:s20], $0x180  }
0x3c: {  	[sflag:s20] =	ssyncset.done $0x0  }
0x3d: {  	[sflag:s20] =	ssyncadd.s32 $0xFFFFFE80  }
0x3e: {  	_ =	swait.ge [sflag:s20], $0x180  }
0x3f: {  	s26 =	simm.s32 $0x0;
	[sflag:s20] =	ssyncset.done $0x0  }
0x40: {  	s2 =	sand.u32 $0x200, s26;
	[sflag:s20] =	ssyncadd.s32 $0xFFFFFE80  }
0x41: {  	s17 =	sxor.u32 $0x14200, s2;
	[bflag:$0x0] =	sbarrier.arrive $0xFFFF  }
0x42: {  	[tilespmem:s17], [sflag:$0x2] =	stream.linear.gather [hbm4b:s15+s3], $0x180, $0x38;
	v63 =	vld [tilespmem:$0x0]  }
0x43: {  	s29 =	sxor.u32 $0x14600, s2  }
0x44: {  	[tilespmem:s29], [sflag:$0x2] =	stream.linear.gather [hbm4b:s14+s3], $0x180, $0x38;
	v63 =	vld [tilespmem:$0x0]  }
0x45: {  	s30 =	sor.u32 $0x14000, s2  }
0x46: {  	[tilespmem:s22], [sflag:$0x1] =	stream.indirect.gather [hbm4b:s4+s21], $0x80, s30, s21, $0xb8;
	v63 =	vld [tilespmem:$0x0]  }
0x47: {  	s31 =	sor.u32 $0x14080, s2  }
0x48: {  	[tilespmem:s23], [sflag:$0x1] =	stream.indirect.gather [hbm4b:s4+s21], $0x80, s31, s21, $0xb8;
	v63 =	vld [tilespmem:$0x0]  }
0x49: {  	s26 =	sor.u32 $0x14100, s2  }
0x4a: {  	[tilespmem:s24], [sflag:$0x1] =	stream.indirect.gather [hbm4b:s4+s21], $0x80, s26, s21, $0xb8;
	v63 =	vld [tilespmem:$0x0]  }
0x4b: {  	_ =	swait.ge [sflag:s25], $0x2800  }
0x4c: {  	[sflag:s25] =	ssyncset.done $0x0  }
0x4d: {  	s29 =	sor.u32 $0x14400, s2;
	[sflag:s25] =	ssyncadd.s32 $0xFFFFD800  }
0x4e: {  	[spmem:s1] =	stream.indirect.scatter.add.f32 [tilespmem:s22], [sflag:$0x3], $0x80, s29, s21, $0xb8;
	v63 =	vld [tilespmem:$0x0]  }
0x4f: {  	_ =	swait.ge [sflag:s19], $0x2800  }
0x50: {  	[sflag:s19] =	ssyncset.done $0x0  }
0x51: {  	[sflag:s19] =	ssyncadd.s32 $0xFFFFD800  }
0x52: {  	_ =	swait.ge [sflag:s25], $0x2800  }
0x53: {  	[sflag:s25] =	ssyncset.done $0x0  }
0x54: {  	s30 =	sor.u32 $0x14480, s2;
	[sflag:s25] =	ssyncadd.s32 $0xFFFFD800  }
0x55: {  	[spmem:s1] =	stream.indirect.scatter.add.f32 [tilespmem:s23], [sflag:$0x3], $0x80, s30, s21, $0xb8;
	v63 =	vld [tilespmem:$0x0]  }
0x56: {  	_ =	swait.ge [sflag:s19], $0x2800  }
0x57: {  	[sflag:s19] =	ssyncset.done $0x0  }
0x58: {  	[sflag:s19] =	ssyncadd.s32 $0xFFFFD800  }
0x59: {  	_ =	swait.ge [sflag:s25], $0x2800  }
0x5a: {  	[sflag:s25] =	ssyncset.done $0x0  }
0x5b: {  	s2 =	sor.u32 $0x14500, s2;
	[sflag:s25] =	ssyncadd.s32 $0xFFFFD800  }
0x5c: {  	[spmem:s1] =	stream.indirect.scatter.add.f32 [tilespmem:s24], [sflag:$0x3], $0x80, s2, s21, $0xb8;
	v63 =	vld [tilespmem:$0x0]  }
0x5d: {  	_ =	swait.ge [sflag:s19], $0x2800  }
0x5e: {  	[sflag:s19] =	ssyncset.done $0x0  }
0x5f: {  	[sflag:s19] =	ssyncadd.s32 $0xFFFFD800  }
0x60: {  	_ =	swait.ge [sflag:s20], $0x180  }
0x61: {  	[sflag:s20] =	ssyncset.done $0x0  }
0x62: {  	s31 =	simm.s32 $0x200;
	[sflag:s20] =	ssyncadd.s32 $0xFFFFFE80  }
0x63: {  	s28 =	simm.s32 $0x400;
	s17 =	sand.u32 $0x200, s31;
	_ =	swait.ge [sflag:s20], $0x180  }
0x64: {  	s26 =	sadd.s32 $0x40, s14;
	s2 =	sadd.s32 $0x40, s15;
	[sflag:s20] =	ssyncset.done $0x0  }
.LBB2_4:
0x65: {  	s31 =	sxor.u32 $0x14200, s17  }
0x66: {  	[sflag:s20] =	ssyncadd.s32 $0xFFFFFE80;
	s29 =	smov.u32 s28;
	s30 =	sadd.s32 $0x200, s28  }
0x67: {  	[tilespmem:s31], [sflag:$0x2] =	stream.linear.gather [hbm4b:s2+s3], $0x180, $0x38;
	v63 =	vld [tilespmem:$0x0]  }
0x68: {  	p0 =	sne.s32 s28, $0x5000;
	s28 =	sxor.u32 $0x14600, s17  }
0x69: {  	[tilespmem:s28], [sflag:$0x2] =	stream.linear.gather [hbm4b:s26+s3], $0x180, $0x38;
	v63 =	vld [tilespmem:$0x0]  }
0x6a: {  	s28 =	sor.u32 $0x14000, s17  }
0x6b: {  	[tilespmem:s22], [sflag:$0x1] =	stream.indirect.gather [hbm4b:s4+s21], $0x80, s28, s21, $0xb8;
	v63 =	vld [tilespmem:$0x0]  }
0x6c: {  	s28 =	sor.u32 $0x14080, s17  }
0x6d: {  	[tilespmem:s23], [sflag:$0x1] =	stream.indirect.gather [hbm4b:s4+s21], $0x80, s28, s21, $0xb8;
	v63 =	vld [tilespmem:$0x0]  }
0x6e: {  	s28 =	sor.u32 $0x14100, s17  }
0x6f: {  	[tilespmem:s24], [sflag:$0x1] =	stream.indirect.gather [hbm4b:s4+s21], $0x80, s28, s21, $0xb8;
	v63 =	vld [tilespmem:$0x0]  }
0x70: {  	_ =	swait.ge [sflag:s25], $0x2800  }
0x71: {  	[sflag:s25] =	ssyncset.done $0x0  }
0x72: {  	s28 =	sor.u32 $0x14400, s17;
	[sflag:s25] =	ssyncadd.s32 $0xFFFFD800  }
0x73: {  	[spmem:s1] =	stream.indirect.scatter.add.f32 [tilespmem:s22], [sflag:$0x3], $0x80, s28, s21, $0xb8;
	v63 =	vld [tilespmem:$0x0]  }
0x74: {  	_ =	swait.ge [sflag:s19], $0x2800  }
0x75: {  	[sflag:s19] =	ssyncset.done $0x0  }
0x76: {  	[sflag:s19] =	ssyncadd.s32 $0xFFFFD800  }
0x77: {  	_ =	swait.ge [sflag:s25], $0x2800  }
0x78: {  	[sflag:s25] =	ssyncset.done $0x0  }
0x79: {  	s28 =	sor.u32 $0x14480, s17;
	[sflag:s25] =	ssyncadd.s32 $0xFFFFD800  }
0x7a: {  	[spmem:s1] =	stream.indirect.scatter.add.f32 [tilespmem:s23], [sflag:$0x3], $0x80, s28, s21, $0xb8;
	v63 =	vld [tilespmem:$0x0]  }
0x7b: {  	_ =	swait.ge [sflag:s19], $0x2800  }
0x7c: {  	[sflag:s19] =	ssyncset.done $0x0  }
0x7d: {  	[sflag:s19] =	ssyncadd.s32 $0xFFFFD800  }
0x7e: {  	_ =	swait.ge [sflag:s25], $0x2800  }
0x7f: {  	[sflag:s25] =	ssyncset.done $0x0  }
0x80: {  	s17 =	sor.u32 $0x14500, s17;
	[sflag:s25] =	ssyncadd.s32 $0xFFFFD800  }
0x81: {  	[spmem:s1] =	stream.indirect.scatter.add.f32 [tilespmem:s24], [sflag:$0x3], $0x80, s17, s21, $0xb8;
	v63 =	vld [tilespmem:$0x0]  }
0x82: {  	_ =	swait.ge [sflag:s19], $0x2800  }
0x83: {  	[sflag:s19] =	ssyncset.done $0x0  }
0x84: {  	[sflag:s19] =	ssyncadd.s32 $0xFFFFD800  }
.Ltmp1:
0x85: {  	_ =	swait.ge [sflag:s20], $0x180;
	(pc) =	sbr.rel @p0 .LBB2_4-.Ltmp1, $4  }
0x86: {  	[sflag:s20] =	ssyncset.done $0x0  }
0x87: {  	[sflag:s20] =	ssyncadd.s32 $0xFFFFFE80  }
0x88: {  	s2 =	sadd.s32 $0x40, s2;
	s26 =	sadd.s32 $0x40, s26;
	_ =	swait.ge [sflag:s20], $0x180  }
0x89: {  	s28 =	smov.u32 s30;
	s17 =	sand.u32 $0x200, s29;
	[sflag:s20] =	ssyncset.done $0x0  }
0x8a: {  	s28 =	sxor.u32 $0x14200, s17;
	[sflag:s20] =	ssyncadd.s32 $0xFFFFFE80  }
0x8b: {  	[tilespmem:s28], [sflag:$0x2] =	stream.linear.gather [hbm4b:s2+s3], $0x180, $0x38;
	v63 =	vld [tilespmem:$0x0]  }
0x8c: {  	s29 =	sxor.u32 $0x14600, s17  }
0x8d: {  	[tilespmem:s29], [sflag:$0x2] =	stream.linear.gather [hbm4b:s26+s3], $0x180, $0x38;
	v63 =	vld [tilespmem:$0x0]  }
0x8e: {  	s30 =	sor.u32 $0x14000, s17  }
0x8f: {  	[tilespmem:s22], [sflag:$0x1] =	stream.indirect.gather [hbm4b:s4+s21], $0x80, s30, s21, $0xb8;
	v63 =	vld [tilespmem:$0x0]  }
0x90: {  	s31 =	sor.u32 $0x14080, s17  }
0x91: {  	[tilespmem:s23], [sflag:$0x1] =	stream.indirect.gather [hbm4b:s4+s21], $0x80, s31, s21, $0xb8;
	v63 =	vld [tilespmem:$0x0]  }
0x92: {  	s26 =	sor.u32 $0x14100, s17  }
0x93: {  	[tilespmem:s24], [sflag:$0x1] =	stream.indirect.gather [hbm4b:s4+s21], $0x80, s26, s21, $0xb8;
	v63 =	vld [tilespmem:$0x0]  }
0x94: {  	_ =	swait.ge [sflag:s25], $0x2800  }
0x95: {  	[sflag:s25] =	ssyncset.done $0x0  }
0x96: {  	s28 =	sor.u32 $0x14400, s17;
	[sflag:s25] =	ssyncadd.s32 $0xFFFFD800  }
0x97: {  	[spmem:s1] =	stream.indirect.scatter.add.f32 [tilespmem:s22], [sflag:$0x3], $0x80, s28, s21, $0xb8;
	v63 =	vld [tilespmem:$0x0]  }
0x98: {  	_ =	swait.ge [sflag:s19], $0x2800  }
0x99: {  	[sflag:s19] =	ssyncset.done $0x0  }
0x9a: {  	[sflag:s19] =	ssyncadd.s32 $0xFFFFD800  }
0x9b: {  	_ =	swait.ge [sflag:s25], $0x2800  }
0x9c: {  	[sflag:s25] =	ssyncset.done $0x0  }
0x9d: {  	s29 =	sor.u32 $0x14480, s17;
	[sflag:s25] =	ssyncadd.s32 $0xFFFFD800  }
0x9e: {  	[spmem:s1] =	stream.indirect.scatter.add.f32 [tilespmem:s23], [sflag:$0x3], $0x80, s29, s21, $0xb8;
	v63 =	vld [tilespmem:$0x0]  }
0x9f: {  	_ =	swait.ge [sflag:s19], $0x2800  }
0xa0: {  	[sflag:s19] =	ssyncset.done $0x0  }
0xa1: {  	[sflag:s19] =	ssyncadd.s32 $0xFFFFD800  }
0xa2: {  	_ =	swait.ge [sflag:s25], $0x2800  }
0xa3: {  	[sflag:s25] =	ssyncset.done $0x0  }
0xa4: {  	s30 =	sor.u32 $0x14500, s17;
	[sflag:s25] =	ssyncadd.s32 $0xFFFFD800  }
0xa5: {  	[spmem:s1] =	stream.indirect.scatter.add.f32 [tilespmem:s24], [sflag:$0x3], $0x80, s30, s21, $0xb8;
	v63 =	vld [tilespmem:$0x0]  }
0xa6: {  	_ =	swait.ge [sflag:s19], $0x2800  }
0xa7: {  	[sflag:s19] =	ssyncset.done $0x0  }
0xa8: {  	[sflag:s19] =	ssyncadd.s32 $0xFFFFD800  }
0xa9: {  	_ =	swait.ge [sflag:s20], $0x180  }
0xaa: {  	[sflag:s20] =	ssyncset.done $0x0  }
0xab: {  	[sflag:s20] =	ssyncadd.s32 $0xFFFFFE80  }
0xac: {  	_ =	swait.ge [sflag:s20], $0x180  }
0xad: {  	[sflag:s20] =	ssyncset.done $0x0  }
0xae: {  	s31 =	simm.s32 $0x14200;
	[sflag:s20] =	ssyncadd.s32 $0xFFFFFE80  }
0xaf: {  	[tilespmem:s22], [sflag:$0x1] =	stream.indirect.gather [hbm4b:s4+s21], $0x80, s31, s21, $0xb8;
	v63 =	vld [tilespmem:$0x0]  }
0xb0: {  	s17 =	simm.s32 $0x14280  }
0xb1: {  	[tilespmem:s23], [sflag:$0x1] =	stream.indirect.gather [hbm4b:s4+s21], $0x80, s17, s21, $0xb8;
	v63 =	vld [tilespmem:$0x0]  }
0xb2: {  	s26 =	simm.s32 $0x14300  }
0xb3: {  	[tilespmem:s24], [sflag:$0x1] =	stream.indirect.gather [hbm4b:s4+s21], $0x80, s26, s21, $0xb8;
	v63 =	vld [tilespmem:$0x0]  }
0xb4: {  	_ =	swait.ge [sflag:s25], $0x2800  }
0xb5: {  	[sflag:s25] =	ssyncset.done $0x0  }
0xb6: {  	s28 =	simm.s32 $0x14600;
	[sflag:s25] =	ssyncadd.s32 $0xFFFFD800  }
0xb7: {  	[spmem:s1] =	stream.indirect.scatter.add.f32 [tilespmem:s22], [sflag:$0x3], $0x80, s28, s21, $0xb8;
	v63 =	vld [tilespmem:$0x0]  }
0xb8: {  	_ =	swait.ge [sflag:s19], $0x2800  }
0xb9: {  	[sflag:s19] =	ssyncset.done $0x0  }
0xba: {  	[sflag:s19] =	ssyncadd.s32 $0xFFFFD800  }
0xbb: {  	_ =	swait.ge [sflag:s25], $0x2800  }
0xbc: {  	[sflag:s25] =	ssyncset.done $0x0  }
0xbd: {  	s29 =	simm.s32 $0x14680;
	[sflag:s25] =	ssyncadd.s32 $0xFFFFD800  }
0xbe: {  	[spmem:s1] =	stream.indirect.scatter.add.f32 [tilespmem:s23], [sflag:$0x3], $0x80, s29, s21, $0xb8;
	v63 =	vld [tilespmem:$0x0]  }
0xbf: {  	_ =	swait.ge [sflag:s19], $0x2800  }
0xc0: {  	[sflag:s19] =	ssyncset.done $0x0  }
0xc1: {  	[sflag:s19] =	ssyncadd.s32 $0xFFFFD800  }
0xc2: {  	_ =	swait.ge [sflag:s25], $0x2800  }
0xc3: {  	[sflag:s25] =	ssyncset.done $0x0  }
0xc4: {  	[sflag:s25] =	ssyncadd.s32 $0xFFFFD800  }
0xc5: {  	[spmem:s1] =	stream.indirect.scatter.add.f32 [tilespmem:s24], [sflag:$0x3], $0x80, s0, s21, $0xb8;
	v63 =	vld [tilespmem:$0x0]  }
0xc6: {  	s30 =	stileid.u32;
	_ =	swait.ge [sflag:s19], $0x2800  }
0xc7: {  	s16 =	sadd.s32 $0x1, s16;
	s2 =	sshll.u32 s30, $0x6;
	[sflag:s19] =	ssyncset.done $0x0  }
0xc8: {  	p0 =	sne.s32 s16, s12;
	s2 =	sor.u32 $0x1C03, s2;
	[sflag:s19] =	ssyncadd.s32 $0xFFFFD800  }
.Ltmp2:
0xc9: {  	s31 =	sshrl.u32 s7, $0x3;
	[bflag:$0x0] =	sbarrier.arrive $0xFFFF;
	(pc) =	sbr.rel @p0 .LBB2_1-.Ltmp2, $4  }
0xca: {  	[hbm:s13], [sflag:s2] =	dma.local [spmem:s31], $0x2800  }
0xcb: {  	_ =	swait.ge [sflag:s19], $0x2800  }
0xcc: {  	[sflag:s19] =	ssyncset.done $0x0  }
0xcd: {  	[sflag:s19] =	ssyncadd.s32 $0xFFFFD800  }
0xce: {  	_ =	sfence.sel $0x180000  }
0xcf: {  	[bflag:$0x0] =	sbarrier.arrive $0xFFFF  }
0xd0: {  	_ =	strace $0x9000004A  }
0xd1: {  	s0 =	stileid.u32;
	[bflag:$0x2] =	sbarrier.arrive $0xFFFF  }
0xd2: {  	p0 =	sne.s32 s0, $0x0;
	s0 =	rddreg [dreg:$0x2]  }
0xd3: {  	s0 =	sadd.s32 @!p0 $0x100000, s0  }
0xd4: {  	[sflag:s0] =	ssyncadd.tile.s32 @!p0 $0x1;
	_ =	shalt  }
.Lfunc_end2:
_tile_overlayer_lowered:
.L_overlay_start_2:
0xd5: {  	(tag) =	ssettag $0x2  }
0xd6: {  	s0 =	rddreg [dreg:$0x0];
	s2 =	stileid.u32  }
0xd7: {  	s1 =	rddreg [dreg:$0x1];
	p0 =	sne.s32 s2, $0x0  }
0xd8: {  	s3 =	rddreg [dreg:$0x2];
	[bflag:$0x3] =	sbarrier.arrive $0xFFFF;
	s2 =	simm.s32 @!p0 $0x1C03  }
0xd9: {  	[timem:s3], [sflag:s2] =	dma.local @!p0 [hbm:s0], s1  }
0xda: {  	s0 =	simm.s32 @!p0 $0x3  }
0xdb: {  	_ =	swait.ge @!p0 [sflag:s0], s1  }
0xdc: {  	s1 =	ssub.s32 @!p0 $0x0, s1;
	[sflag:s0] =	ssyncset.done @!p0 $0x0  }
0xdd: {  	[sflag:s0] =	ssyncadd.s32 @!p0 s1  }
0xde: {  	[bflag:$0x3] =	sbarrier.arrive $0xFFFF  }
0xdf: {  	_ =	shalt  }

// kernel: kernel.16.cloned.1.call-start
scs
__scs_entry_jumppad:
0x0: {  	(pc) =	sbr.rel $0x88, $3  }
0x1: {  	(tag) =	ssettag $0x0;
	lr =	simm.s32 $0x1  }
0x2: {  	[smem:$0x3F93] =	sst lr;
	_ =	strace $0xD0000000  }
0x3: {  	_ = 	snop  }
0x4: {  	_ = 	snop  }
0x5: {  	_ = 	snop  }
0x6: {  	_ = 	snop  }
0x7: {  	_ = 	snop  }
__scs_overlays_trampoline_lowered:
0x8: {  	[smem:$0x3FA2] =	sst s0  }
0x9: {  	[smem:$0x3FA3] =	sst s1  }
0xa: {  	[smem:$0x3FA4] =	sst s2  }
0xb: {  	[smem:$0x3FA5] =	sst s3  }
0xc: {  	[smem:$0x3FA6] =	sst s4  }
0xd: {  	[smem:$0x3FA7] =	sst s5  }
0xe: {  	[smem:$0x3FA8] =	sst s6  }
0xf: {  	[smem:$0x3FA9] =	sst s7  }
0x10: {  	[smem:$0x3FAA] =	sst s8  }
0x11: {  	[smem:$0x3FAB] =	sst s9;
	s0 =	simm.s32 @!p0 $0x0  }
0x12: {  	s1 =	sld [smem:$0x3F91];
	s0 =	simm.s32 @p0 $0x1  }
0x13: {  	[smem:$0x3FAC] =	sst s0;
	s0 =	simm.s32 @!p1 $0x0  }
0x14: {  	s2 =	sld [smem:$0x3F90];
	s0 =	simm.s32 @p1 $0x1  }
0x15: {  	[smem:$0x3FAD] =	sst s0;
	s0 =	simm.s32 @!p2 $0x0  }
0x16: {  	s3 =	sld [smem:$0x3FDB];
	s0 =	simm.s32 @p2 $0x1  }
0x17: {  	s4 =	simm.s32 $0x1BF5;
	[smem:$0x3FAF] =	sst s0  }
0x18: {  	s0 =	sld [smem:$0x3F92];
	_ =	swait.ge [sflag:s4], $0x0  }
0x19: {  	s7 =	sld [smem:$0x3F93]  }
0x1a: {  	s8 =	sadd.s32 $0xFFFFE003, lr  }
0x1b: {  	s9 =	sadd.s32 $0xFFFFFEF7, lr;
	s5 =	simm.s32 $0xFFFFFFFF;
	p2 =	slt.u32 s8, $0xFFFFF086  }
0x1c: {  	p1 =	slt.u32 s9, $0xF7A;
	s5 =	simm.s32 @!p2 $0x0  }
0x1d: {  	s5 =	simm.s32 @p1 $0x1;
	p0 =	seq.s32 s7, s2  }
0x1e: {  	s7 =	smul.u32 @!p0 $0xF7A, s2;
	p2 =	seq.s32 @!p0 s5, $0x0  }
0x1f: {  	s9 =	smul.u32 $0xF7A, s1;
	s8 =	simm.s32 @!p0 $0x1BF5;
	p2 =	por !p2, p0  }
0x20: {  	[sflag:s8] =	ssyncset.s32 @!p0 $0xFFFFF086;
	s6 =	sadd.s32 @!p0 s3, s7;
	s7 =	simm.s32 @!p0 $0x108  }
0x21: {  	s3 =	sadd.s32 s3, s9;
	s6 =	sadd.s32 @!p0 $0x88, s6;
	s7 =	simm.s32 @p2 $0x1082  }
0x22: {  	[simem:s7], [sflag:s8] =	dma.local @!p0 [hbm:s6], $0xF7A  }
0x23: {  	s9 =	sor.u32 $0xD0000000, s2;
	s6 =	simm.s32 $0x108;
	_ =	swait.ge @!p0 [sflag:s8], $0x0  }
0x24: {  	s3 =	sadd.s32 $0x88, s3;
	s6 =	simm.s32 @!p1 $0x1082;
	[sflag:s4] =	ssyncset.s32 $0xFFFFF086  }
0x25: {  	[simem:s6], [sflag:s4] =	dma.local [hbm:s3], $0xF7A  }
0x26: {  	[smem:$0x3F93] =	sst s1;
	(tag) =	ssettag s2;
	_ =	strace s9  }
0x27: {  	s1 =	sld [smem:$0x3FA3]  }
0x28: {  	s2 =	sld [smem:$0x3FA4]  }
0x29: {  	s4 =	sld [smem:$0x3FA6]  }
0x2a: {  	p0 =	seq.s32 s5, $0x0;
	s5 =	sld [smem:$0x3FA7]  }
0x2b: {  	s6 =	sld [smem:$0x3FA8]  }
0x2c: {  	s7 =	sld [smem:$0x3FA9]  }
0x2d: {  	s3 =	simm.s32 $0x108;
	s8 =	sld [smem:$0x3FAA]  }
0x2e: {  	s3 =	simm.s32 @!p0 $0x1082;
	s9 =	sld [smem:$0x3FAB]  }
0x2f: {  	lr =	sadd.s32 s0, s3;
	s0 =	sld [smem:$0x3FA2]  }
0x30: {  	s3 =	sld [smem:$0x3FA5]  }
0x31: {  	[smem:$0x3FAE] =	sst s10  }
0x32: {  	s10 =	sld [smem:$0x3FAC];
	_ =	sdelay $0x3  }
0x33: {  	p0 =	seq.s32 s10, $0x1;
	s10 =	sld [smem:$0x3FAE];
	_ =	sdelay $0x3  }
0x34: {  	[smem:$0x3FAE] =	sst s10  }
0x35: {  	s10 =	sld [smem:$0x3FAD];
	_ =	sdelay $0x3  }
0x36: {  	p1 =	seq.s32 s10, $0x1;
	s10 =	sld [smem:$0x3FAE];
	_ =	sdelay $0x3  }
0x37: {  	[smem:$0x3FAE] =	sst s10  }
0x38: {  	s10 =	sld [smem:$0x3FAF]  }
0x39: {  	_ = 	snop;
	(pc) =	sbr.ind lr, $3  }
0x3a: {  	_ = 	snop  }
0x3b: {  	_ = 	snop  }
0x3c: {  	p2 =	seq.s32 s10, $0x1;
	s10 =	sld [smem:$0x3FAE]  }
0x3d: {  	_ =	shalt  }
0x3e: {  	_ =	shalt  }
0x3f: {  	_ =	shalt  }
0x40: {  	_ =	shalt  }
0x41: {  	_ =	shalt  }
0x42: {  	_ =	shalt  }
0x43: {  	_ =	shalt  }
0x44: {  	_ =	shalt  }
0x45: {  	_ =	shalt  }
0x46: {  	_ =	shalt  }
0x47: {  	_ =	shalt  }
0x48: {  	_ =	shalt  }
0x49: {  	_ =	shalt  }
0x4a: {  	_ =	shalt  }
0x4b: {  	_ =	shalt  }
0x4c: {  	_ =	shalt  }
0x4d: {  	_ =	shalt  }
0x4e: {  	_ =	shalt  }
0x4f: {  	_ =	shalt  }
0x50: {  	_ =	shalt  }
0x51: {  	_ =	shalt  }
0x52: {  	_ =	shalt  }
0x53: {  	_ =	shalt  }
0x54: {  	_ =	shalt  }
0x55: {  	_ =	shalt  }
0x56: {  	_ =	shalt  }
0x57: {  	_ =	shalt  }
0x58: {  	_ =	shalt  }
0x59: {  	_ =	shalt  }
0x5a: {  	_ =	shalt  }
0x5b: {  	_ =	shalt  }
0x5c: {  	_ =	shalt  }
0x5d: {  	_ =	shalt  }
0x5e: {  	_ =	shalt  }
0x5f: {  	_ =	shalt  }
0x60: {  	_ =	shalt  }
0x61: {  	_ =	shalt  }
0x62: {  	_ =	shalt  }
0x63: {  	_ =	shalt  }
0x64: {  	_ =	shalt  }
0x65: {  	_ =	shalt  }
0x66: {  	_ =	shalt  }
0x67: {  	_ =	shalt  }
0x68: {  	_ =	shalt  }
0x69: {  	_ =	shalt  }
0x6a: {  	_ =	shalt  }
0x6b: {  	_ =	shalt  }
0x6c: {  	_ =	shalt  }
0x6d: {  	_ =	shalt  }
0x6e: {  	_ =	shalt  }
0x6f: {  	_ =	shalt  }
0x70: {  	_ =	shalt  }
0x71: {  	_ =	shalt  }
0x72: {  	_ =	shalt  }
0x73: {  	_ =	shalt  }
0x74: {  	_ =	shalt  }
0x75: {  	_ =	shalt  }
0x76: {  	_ =	shalt  }
0x77: {  	_ =	shalt  }
0x78: {  	_ =	shalt  }
0x79: {  	_ =	shalt  }
0x7a: {  	_ =	shalt  }
0x7b: {  	_ =	shalt  }
0x7c: {  	_ =	shalt  }
0x7d: {  	_ =	shalt  }
0x7e: {  	_ =	shalt  }
0x7f: {  	_ =	shalt  }
0x80: {  	_ =	shalt  }
0x81: {  	_ =	shalt  }
0x82: {  	_ =	shalt  }
0x83: {  	_ =	shalt  }
0x84: {  	_ =	shalt  }
0x85: {  	_ =	shalt  }
0x86: {  	_ =	shalt  }
0x87: {  	_ =	shalt  }
.Lfunc_end0:
.L_simem_size_0:
called_computation.2_lowered:
.L_overlay_start_0:
0x88: {  	s2 =	sld [smem:$0x3FD9]  }
0x89: {  	s3 =	sld [smem:$0x3FFE];
	_ =	sdelay $0x1  }
0x8a: {  	s1 =	srdreg.scid  }
0x8b: {  	s0 =	sand.u32 $0x1, s1  }
0x8c: {  	s16 =	sshll.u32 s0, $0xA;
	s2 =	sadd.s32 s3, s2  }
0x8d: {  	s2 =	sadd.s32 s2, s16  }
0x8e: {  	[smem:$0x3FBA] =	sst s2  }
0x8f: {  	_ = 	snop  }
0x90: {  	(tm) =	ssettm $0x1  }
0x91: {  	s17 =	sld [smem:$0x3FFB];
	_ =	sdelay $0x3  }
0x92: {  	_ =	strace s17  }
0x93: {  	s2 =	sld [smem:$0x3FFC];
	_ =	sdelay $0x3  }
0x94: {  	_ =	strace s2  }
0x95: {  	s2 =	sld [smem:$0x3FFD];
	_ =	sdelay $0x3  }
0x96: {  	_ =	strace s2  }
0x97: {  	_ =	strace $0x8FFFFFFF  }
0x98: {  	s18 =	sld [smem:$0x3FDB];
	_ =	sdelay $0x1  }
0x99: {  	s19 =	simm.s32 $_scs_section_size  }
0x9a: {  	s4 =	simm.s32 $_size__tile_overlayer_lowered;
	s5 =	simm.s32 $_tile_overlayer_lowered  }
0x9b: {  	s22 =	simm.s32 $0x1BFF;
	s21 =	sshll.u32 s5, $0x1;
	s2 =	sadd.s32 s19, s18  }
0x9c: {  	s6 =	simm.s32 $0x0;
	s20 =	sshll.u32 s4, $0x1;
	s4 =	sadd.s32 s21, s2  }
0x9d: {  	[timem:s6], [sflag:s22] =	dma.local [hbm:s4], s20  }
0x9e: {  	_ =	swait.ge [sflag:s22], s20  }
0x9f: {  	s3 =	ssub.s32 $0x0, s20;
	[sflag:s22] =	ssyncset.done $0x0  }
0xa0: {  	[sflag:s22] =	ssyncadd.s32 s3;
	_ =	sdelay $0x1  }
0xa1: {  	s23 =	simm.s32 $0x1B8B  }
0xa2: {  	_ =	swait.ge [sflag:s23], $0x1  }
0xa3: {  	[sflag:s23] =	ssyncset.done $0x0  }
0xa4: {  	s25 =	simm.s32 $0x1B8E;
	s24 =	sld [smem:$0x3FFE];
	[sflag:s23] =	ssyncadd.s32 $0xFFFFFFFF  }
0xa5: {  	s26 =	simm.s32 $execute0_lowered;
	[smem:$0x3FD2] =	sst s25  }
0xa6: {  	s4 =	sshll.u32 s26, $0x1;
	_ =	strace $0x8000004C;
	[dreg:$0x1] =	wrdreg $0xFFFFFFFF  }
0xa7: {  	s28 =	simm.s32 $_size_execute0_lowered;
	s2 =	sadd.s32 s2, s4;
	[dreg:$0x0] =	wrdreg $0x0  }
0xa8: {  	s4 =	sshll.u32 s28, $0x1;
	[dreg:$0x2] =	wrdreg s2  }
0xa9: {  	[dreg:$0x3] =	wrdreg s4  }
0xaa: {  	[dreg:$0x4] =	wrdreg $0xC0  }
0xab: {  	_ =	task [dreg:s6], $0x5FFFF  }
0xac: {  	[dreg:$0x1] =	wrdreg $0xFFFFFFFF  }
0xad: {  	[dreg:$0x0] =	wrdreg $0x60  }
0xae: {  	[dreg:$0x2] =	wrdreg s24  }
0xaf: {  	[dreg:$0x3] =	wrdreg $0x0  }
0xb0: {  	[dreg:$0x4] =	wrdreg $0x9  }
0xb1: {  	_ =	task.clear_ibuf [dreg:s6], $0x5FFFF;
	_ =	strace $0x9000004C  }
0xb2: {  	s29 =	simm.s32 $0x9;
	_ =	strace $0x8000004E  }
0xb3: {  	_ =	swait.ge [sflag:s29], $0x1  }
0xb4: {  	[sflag:s29] =	ssyncadd.s32 $0xFFFFFFFF  }
0xb5: {  	_ =	strace $0x9000004E  }
0xb6: {  	_ =	sfence  }
0xb7: {  	s30 =	sld [smem:$0x0];
	_ =	sdelay $0x2  }
0xb8: {  	s31 =	sshll.u32 s1, $0xD;
	s1 =	sshrl.u32 s1, $0x2  }
0xb9: {  	s3 =	sand.u32 $0x4000, s31;
	s1 =	sadd.s32 s1, s30  }
0xba: {  	s0 =	sor.u32 s3, s0;
	s1 =	sshll.u32 s1, $0x11  }
0xbb: {  	s0 =	sor.u32 s1, s0  }
0xbc: {  	s0 =	sadd.s32 $0x8F2B, s0  }
0xbd: {  	[sflag:s0] =	ssyncadd.remote.s32 $0x1  }
0xbe: {  	_ =	sfence.sel $0xFFFF  }
0xbf: {  	[dreg:$0x0] =	wrdreg $0xFFFFFFFF;
	(pc) =	sbr.abs _section_cstart, $3  }
0xc0: {  	[dreg:$0x1] =	wrdreg $0xFFFFFFFF  }
0xc1: {  	_ =	task.clear_ibuf [dreg:s6], $0x2FFFF;
	_ =	strace $0x9FFFFFFF  }
0xc2: {  	(tm) =	ssettm $0x7FFFFFFF  }
0xc3: {  	_ =	shalt  }
tec
execute0_lowered:
.L_overlay_start_1:
0x0: {  	(tag) =	ssettag $0x1  }
0x1: {  	s0 =	rddreg [dreg:$0x0]  }
0x2: {  	s1 =	rddreg [dreg:$0x1];
	s2 =	srdreg.scid  }
0x3: {  	s3 =	simm.s32 $0x0;
	s16 =	stileid.u32;
	s18 =	simm.s32 $0x1C000  }
0x4: {  	s19 =	simm.s32 $0x3;
	s20 =	simm.s32 $0x2;
	s21 =	simm.s32 $0x50  }
0x5: {  	s22 =	simm.s32 $0x14800;
	s23 =	simm.s32 $0x17000;
	s24 =	simm.s32 $0x19800  }
0x6: {  	s25 =	simm.s32 $0x1;
	s2 =	sand.u32 $0x1, s2;
	s8 =	smul.u32 $0x50000, s16  }
0x7: {  	[smem:$0x7FF] =	sst s3;
	s15 =	sadd.s32 $0x73400, s0;
	s13 =	smul.u32 $0x5400, s16  }
0x8: {  	s14 =	sadd.s32 $0x5E400, s0;
	s29 =	smul.u32 $0x2800, s16;
	s4 =	sshll.u32 s2, $0x4  }
0x9: {  	_ =	strace $0x8000004D;
	s6 =	ssub.s32 $0x2, s2;
	s11 =	smul.u32 $0x54000, s2  }
0xa: {  	p0 =	seq.s32 s2, $0x1;
	s2 =	simm.s32 $0xD7600;
	s5 =	sor.u32 s16, s4  }
0xb: {  	s4 =	sadd.s32 $0x88400, s0;
	s7 =	sshrl.u32 s6, $0x1;
	s28 =	sshrl.u32 s8, $0x2  }
0xc: {  	s2 =	simm.s32 @!p0 $0xAF600;
	s16 =	simm.s32 $0x0;
	s5 =	smul.u32 $0x5400, s5  }
0xd: {  	s12 =	ssub.s32 s6, s7;
	s7 =	sadd.s32 s28, s1;
	s11 =	sadd.s32 s13, s11  }
0xe: {  	s0 =	sadd.s32 s2, s0;
	s8 =	sadd.s32 $0x4000, s7;
	s9 =	sadd.s32 $0x8000, s7  }
0xf: {  	s10 =	sadd.s32 $0xC000, s7;
	s30 =	sor.u32 $0x200, s11;
	s11 =	sadd.s32 $0x10000, s7  }
0x10: {  	s12 =	smax.u32 s12, $0x1;
	s13 =	sadd.s32 s0, s29;
	s26 =	sshrl.u32 s5, $0x3  }
0x11: {  	s0 =	simm.s32 $0x14700;
	s31 =	sshrl.u32 s30, $0x3;
	s5 =	sadd.s32 s15, s26  }
0x12: {  	v0 =	vimm.f32 $0.0e+00;
	s6 =	sadd.s32 s14, s26;
	s14 =	sadd.s32 s31, s14;
	s15 =	sadd.s32 s31, s15  }
.LBB2_1:
0x13: {  	s2 =	simm.s32 $0x14000  }
0x14: {  	[tilespmem:s2], [sflag:$0x2] =	stream.linear.gather [hbm4b:s5+s3], $0x180, $0x38;
	v63 =	vld [tilespmem:$0x0]  }
0x15: {  	s31 =	simm.s32 $0x14400;
	s17 =	simm.s32 $0x200;
	s2 =	simm.s32 $0x0  }
0x16: {  	[tilespmem:s31], [sflag:$0x2] =	stream.linear.gather [hbm4b:s6+s3], $0x180, $0x38;
	v63 =	vld [tilespmem:$0x0]  }
.LBB2_2:
0x17: {  	p0 =	sne.s32 s17, $0xFE00;
	[tilespmem:s2+$0x1C070] =	vst v0  }
0x18: {  	[tilespmem:s2+$0x1C000] =	vst v0  }
0x19: {  	[tilespmem:s2+$0x1C010] =	vst v0  }
.Ltmp0:
0x1a: {  	[tilespmem:s2+$0x1C020] =	vst v0;
	(pc) =	sbr.rel @p0 .LBB2_2-.Ltmp0, $4  }
0x1b: {  	[tilespmem:s2+$0x1C030] =	vst v0  }
0x1c: {  	[tilespmem:s2+$0x1C040] =	vst v0  }
0x1d: {  	[tilespmem:s2+$0x1C050] =	vst v0  }
0x1e: {  	[tilespmem:s2+$0x1C060] =	vst v0;
	s2 =	sshra.s32 s17, $0x2;
	s17 =	sadd.s32 $0x200, s17  }
0x1f: {  	[tilespmem:s2+$0x1C070] =	vst v0  }
0x20: {  	[tilespmem:s2+$0x1C000] =	vst v0  }
0x21: {  	[tilespmem:s2+$0x1C010] =	vst v0  }
0x22: {  	[tilespmem:s2+$0x1C020] =	vst v0  }
0x23: {  	[tilespmem:s2+$0x1C030] =	vst v0  }
0x24: {  	[tilespmem:s2+$0x1C040] =	vst v0  }
0x25: {  	[tilespmem:s2+$0x1C050] =	vst v0  }
0x26: {  	[tilespmem:s2+$0x1C060] =	vst v0  }
0x27: {  	[spmem:s7] =	stream.linear.scatter [tilespmem:s18], [sflag:$0x3], $0x4000, $0x38;
	v63 =	vld [tilespmem:$0x0]  }
0x28: {  	_ =	swait.ge [sflag:s19], $0x4000  }
0x29: {  	[sflag:s19] =	ssyncset.done $0x0  }
0x2a: {  	[sflag:s19] =	ssyncadd.s32 $0xFFFFC000  }
0x2b: {  	[spmem:s8] =	stream.linear.scatter [tilespmem:s18], [sflag:$0x3], $0x4000, $0x38;
	v63 =	vld [tilespmem:$0x0]  }
0x2c: {  	_ =	swait.ge [sflag:s19], $0x4000  }
0x2d: {  	[sflag:s19] =	ssyncset.done $0x0  }
0x2e: {  	[sflag:s19] =	ssyncadd.s32 $0xFFFFC000  }
0x2f: {  	[spmem:s9] =	stream.linear.scatter [tilespmem:s18], [sflag:$0x3], $0x4000, $0x38;
	v63 =	vld [tilespmem:$0x0]  }
0x30: {  	_ =	swait.ge [sflag:s19], $0x4000  }
0x31: {  	[sflag:s19] =	ssyncset.done $0x0  }
0x32: {  	[sflag:s19] =	ssyncadd.s32 $0xFFFFC000  }
0x33: {  	[spmem:s10] =	stream.linear.scatter [tilespmem:s18], [sflag:$0x3], $0x4000, $0x38;
	v63 =	vld [tilespmem:$0x0]  }
0x34: {  	_ =	swait.ge [sflag:s19], $0x4000  }
0x35: {  	[sflag:s19] =	ssyncset.done $0x0  }
0x36: {  	[sflag:s19] =	ssyncadd.s32 $0xFFFFC000  }
0x37: {  	[spmem:s11] =	stream.linear.scatter [tilespmem:s18], [sflag:$0x3], $0x4000, $0x38;
	v63 =	vld [tilespmem:$0x0]  }
0x38: {  	_ =	swait.ge [sflag:s19], $0x4000  }
0x39: {  	[sflag:s19] =	ssyncset.done $0x0  }
0x3a: {  	[sflag:s19] =	ssyncadd.s32 $0xFFFFC000  }
0x3b: {  	_ =	swait.ge [sflag:s20], $0x180  }
0x3c: {  	[sflag:s20] =	ssyncset.done $0x0  }
0x3d: {  	[sflag:s20] =	ssyncadd.s32 $0xFFFFFE80  }
0x3e: {  	_ =	swait.ge [sflag:s20], $0x180  }
0x3f: {  	s26 =	simm.s32 $0x0;
	[sflag:s20] =	ssyncset.done $0x0  }
0x40: {  	s2 =	sand.u32 $0x200, s26;
	[sflag:s20] =	ssyncadd.s32 $0xFFFFFE80  }
0x41: {  	s17 =	sxor.u32 $0x14200, s2;
	[bflag:$0x0] =	sbarrier.arrive $0xFFFF  }
0x42: {  	[tilespmem:s17], [sflag:$0x2] =	stream.linear.gather [hbm4b:s15+s3], $0x180, $0x38;
	v63 =	vld [tilespmem:$0x0]  }
0x43: {  	s29 =	sxor.u32 $0x14600, s2  }
0x44: {  	[tilespmem:s29], [sflag:$0x2] =	stream.linear.gather [hbm4b:s14+s3], $0x180, $0x38;
	v63 =	vld [tilespmem:$0x0]  }
0x45: {  	s30 =	sor.u32 $0x14000, s2  }
0x46: {  	[tilespmem:s22], [sflag:$0x1] =	stream.indirect.gather [hbm4b:s4+s21], $0x80, s30, s21, $0xb8;
	v63 =	vld [tilespmem:$0x0]  }
0x47: {  	s31 =	sor.u32 $0x14080, s2  }
0x48: {  	[tilespmem:s23], [sflag:$0x1] =	stream.indirect.gather [hbm4b:s4+s21], $0x80, s31, s21, $0xb8;
	v63 =	vld [tilespmem:$0x0]  }
0x49: {  	s26 =	sor.u32 $0x14100, s2  }
0x4a: {  	[tilespmem:s24], [sflag:$0x1] =	stream.indirect.gather [hbm4b:s4+s21], $0x80, s26, s21, $0xb8;
	v63 =	vld [tilespmem:$0x0]  }
0x4b: {  	_ =	swait.ge [sflag:s25], $0x2800  }
0x4c: {  	[sflag:s25] =	ssyncset.done $0x0  }
0x4d: {  	s29 =	sor.u32 $0x14400, s2;
	[sflag:s25] =	ssyncadd.s32 $0xFFFFD800  }
0x4e: {  	[spmem:s1] =	stream.indirect.scatter.add.f32 [tilespmem:s22], [sflag:$0x3], $0x80, s29, s21, $0xb8;
	v63 =	vld [tilespmem:$0x0]  }
0x4f: {  	_ =	swait.ge [sflag:s19], $0x2800  }
0x50: {  	[sflag:s19] =	ssyncset.done $0x0  }
0x51: {  	[sflag:s19] =	ssyncadd.s32 $0xFFFFD800  }
0x52: {  	_ =	swait.ge [sflag:s25], $0x2800  }
0x53: {  	[sflag:s25] =	ssyncset.done $0x0  }
0x54: {  	s30 =	sor.u32 $0x14480, s2;
	[sflag:s25] =	ssyncadd.s32 $0xFFFFD800  }
0x55: {  	[spmem:s1] =	stream.indirect.scatter.add.f32 [tilespmem:s23], [sflag:$0x3], $0x80, s30, s21, $0xb8;
	v63 =	vld [tilespmem:$0x0]  }
0x56: {  	_ =	swait.ge [sflag:s19], $0x2800  }
0x57: {  	[sflag:s19] =	ssyncset.done $0x0  }
0x58: {  	[sflag:s19] =	ssyncadd.s32 $0xFFFFD800  }
0x59: {  	_ =	swait.ge [sflag:s25], $0x2800  }
0x5a: {  	[sflag:s25] =	ssyncset.done $0x0  }
0x5b: {  	s2 =	sor.u32 $0x14500, s2;
	[sflag:s25] =	ssyncadd.s32 $0xFFFFD800  }
0x5c: {  	[spmem:s1] =	stream.indirect.scatter.add.f32 [tilespmem:s24], [sflag:$0x3], $0x80, s2, s21, $0xb8;
	v63 =	vld [tilespmem:$0x0]  }
0x5d: {  	_ =	swait.ge [sflag:s19], $0x2800  }
0x5e: {  	[sflag:s19] =	ssyncset.done $0x0  }
0x5f: {  	[sflag:s19] =	ssyncadd.s32 $0xFFFFD800  }
0x60: {  	_ =	swait.ge [sflag:s20], $0x180  }
0x61: {  	[sflag:s20] =	ssyncset.done $0x0  }
0x62: {  	s31 =	simm.s32 $0x200;
	[sflag:s20] =	ssyncadd.s32 $0xFFFFFE80  }
0x63: {  	s28 =	simm.s32 $0x400;
	s17 =	sand.u32 $0x200, s31;
	_ =	swait.ge [sflag:s20], $0x180  }
0x64: {  	s26 =	sadd.s32 $0x40, s14;
	s2 =	sadd.s32 $0x40, s15;
	[sflag:s20] =	ssyncset.done $0x0  }
.LBB2_4:
0x65: {  	s31 =	sxor.u32 $0x14200, s17  }
0x66: {  	[sflag:s20] =	ssyncadd.s32 $0xFFFFFE80;
	s29 =	smov.u32 s28;
	s30 =	sadd.s32 $0x200, s28  }
0x67: {  	[tilespmem:s31], [sflag:$0x2] =	stream.linear.gather [hbm4b:s2+s3], $0x180, $0x38;
	v63 =	vld [tilespmem:$0x0]  }
0x68: {  	p0 =	sne.s32 s28, $0x5000;
	s28 =	sxor.u32 $0x14600, s17  }
0x69: {  	[tilespmem:s28], [sflag:$0x2] =	stream.linear.gather [hbm4b:s26+s3], $0x180, $0x38;
	v63 =	vld [tilespmem:$0x0]  }
0x6a: {  	s28 =	sor.u32 $0x14000, s17  }
0x6b: {  	[tilespmem:s22], [sflag:$0x1] =	stream.indirect.gather [hbm4b:s4+s21], $0x80, s28, s21, $0xb8;
	v63 =	vld [tilespmem:$0x0]  }
0x6c: {  	s28 =	sor.u32 $0x14080, s17  }
0x6d: {  	[tilespmem:s23], [sflag:$0x1] =	stream.indirect.gather [hbm4b:s4+s21], $0x80, s28, s21, $0xb8;
	v63 =	vld [tilespmem:$0x0]  }
0x6e: {  	s28 =	sor.u32 $0x14100, s17  }
0x6f: {  	[tilespmem:s24], [sflag:$0x1] =	stream.indirect.gather [hbm4b:s4+s21], $0x80, s28, s21, $0xb8;
	v63 =	vld [tilespmem:$0x0]  }
0x70: {  	_ =	swait.ge [sflag:s25], $0x2800  }
0x71: {  	[sflag:s25] =	ssyncset.done $0x0  }
0x72: {  	s28 =	sor.u32 $0x14400, s17;
	[sflag:s25] =	ssyncadd.s32 $0xFFFFD800  }
0x73: {  	[spmem:s1] =	stream.indirect.scatter.add.f32 [tilespmem:s22], [sflag:$0x3], $0x80, s28, s21, $0xb8;
	v63 =	vld [tilespmem:$0x0]  }
0x74: {  	_ =	swait.ge [sflag:s19], $0x2800  }
0x75: {  	[sflag:s19] =	ssyncset.done $0x0  }
0x76: {  	[sflag:s19] =	ssyncadd.s32 $0xFFFFD800  }
0x77: {  	_ =	swait.ge [sflag:s25], $0x2800  }
0x78: {  	[sflag:s25] =	ssyncset.done $0x0  }
0x79: {  	s28 =	sor.u32 $0x14480, s17;
	[sflag:s25] =	ssyncadd.s32 $0xFFFFD800  }
0x7a: {  	[spmem:s1] =	stream.indirect.scatter.add.f32 [tilespmem:s23], [sflag:$0x3], $0x80, s28, s21, $0xb8;
	v63 =	vld [tilespmem:$0x0]  }
0x7b: {  	_ =	swait.ge [sflag:s19], $0x2800  }
0x7c: {  	[sflag:s19] =	ssyncset.done $0x0  }
0x7d: {  	[sflag:s19] =	ssyncadd.s32 $0xFFFFD800  }
0x7e: {  	_ =	swait.ge [sflag:s25], $0x2800  }
0x7f: {  	[sflag:s25] =	ssyncset.done $0x0  }
0x80: {  	s17 =	sor.u32 $0x14500, s17;
	[sflag:s25] =	ssyncadd.s32 $0xFFFFD800  }
0x81: {  	[spmem:s1] =	stream.indirect.scatter.add.f32 [tilespmem:s24], [sflag:$0x3], $0x80, s17, s21, $0xb8;
	v63 =	vld [tilespmem:$0x0]  }
0x82: {  	_ =	swait.ge [sflag:s19], $0x2800  }
0x83: {  	[sflag:s19] =	ssyncset.done $0x0  }
0x84: {  	[sflag:s19] =	ssyncadd.s32 $0xFFFFD800  }
.Ltmp1:
0x85: {  	_ =	swait.ge [sflag:s20], $0x180;
	(pc) =	sbr.rel @p0 .LBB2_4-.Ltmp1, $4  }
0x86: {  	[sflag:s20] =	ssyncset.done $0x0  }
0x87: {  	[sflag:s20] =	ssyncadd.s32 $0xFFFFFE80  }
0x88: {  	s2 =	sadd.s32 $0x40, s2;
	s26 =	sadd.s32 $0x40, s26;
	_ =	swait.ge [sflag:s20], $0x180  }
0x89: {  	s28 =	smov.u32 s30;
	s17 =	sand.u32 $0x200, s29;
	[sflag:s20] =	ssyncset.done $0x0  }
0x8a: {  	s28 =	sxor.u32 $0x14200, s17;
	[sflag:s20] =	ssyncadd.s32 $0xFFFFFE80  }
0x8b: {  	[tilespmem:s28], [sflag:$0x2] =	stream.linear.gather [hbm4b:s2+s3], $0x180, $0x38;
	v63 =	vld [tilespmem:$0x0]  }
0x8c: {  	s29 =	sxor.u32 $0x14600, s17  }
0x8d: {  	[tilespmem:s29], [sflag:$0x2] =	stream.linear.gather [hbm4b:s26+s3], $0x180, $0x38;
	v63 =	vld [tilespmem:$0x0]  }
0x8e: {  	s30 =	sor.u32 $0x14000, s17  }
0x8f: {  	[tilespmem:s22], [sflag:$0x1] =	stream.indirect.gather [hbm4b:s4+s21], $0x80, s30, s21, $0xb8;
	v63 =	vld [tilespmem:$0x0]  }
0x90: {  	s31 =	sor.u32 $0x14080, s17  }
0x91: {  	[tilespmem:s23], [sflag:$0x1] =	stream.indirect.gather [hbm4b:s4+s21], $0x80, s31, s21, $0xb8;
	v63 =	vld [tilespmem:$0x0]  }
0x92: {  	s26 =	sor.u32 $0x14100, s17  }
0x93: {  	[tilespmem:s24], [sflag:$0x1] =	stream.indirect.gather [hbm4b:s4+s21], $0x80, s26, s21, $0xb8;
	v63 =	vld [tilespmem:$0x0]  }
0x94: {  	_ =	swait.ge [sflag:s25], $0x2800  }
0x95: {  	[sflag:s25] =	ssyncset.done $0x0  }
0x96: {  	s28 =	sor.u32 $0x14400, s17;
	[sflag:s25] =	ssyncadd.s32 $0xFFFFD800  }
0x97: {  	[spmem:s1] =	stream.indirect.scatter.add.f32 [tilespmem:s22], [sflag:$0x3], $0x80, s28, s21, $0xb8;
	v63 =	vld [tilespmem:$0x0]  }
0x98: {  	_ =	swait.ge [sflag:s19], $0x2800  }
0x99: {  	[sflag:s19] =	ssyncset.done $0x0  }
0x9a: {  	[sflag:s19] =	ssyncadd.s32 $0xFFFFD800  }
0x9b: {  	_ =	swait.ge [sflag:s25], $0x2800  }
0x9c: {  	[sflag:s25] =	ssyncset.done $0x0  }
0x9d: {  	s29 =	sor.u32 $0x14480, s17;
	[sflag:s25] =	ssyncadd.s32 $0xFFFFD800  }
0x9e: {  	[spmem:s1] =	stream.indirect.scatter.add.f32 [tilespmem:s23], [sflag:$0x3], $0x80, s29, s21, $0xb8;
	v63 =	vld [tilespmem:$0x0]  }
0x9f: {  	_ =	swait.ge [sflag:s19], $0x2800  }
0xa0: {  	[sflag:s19] =	ssyncset.done $0x0  }
0xa1: {  	[sflag:s19] =	ssyncadd.s32 $0xFFFFD800  }
0xa2: {  	_ =	swait.ge [sflag:s25], $0x2800  }
0xa3: {  	[sflag:s25] =	ssyncset.done $0x0  }
0xa4: {  	s30 =	sor.u32 $0x14500, s17;
	[sflag:s25] =	ssyncadd.s32 $0xFFFFD800  }
0xa5: {  	[spmem:s1] =	stream.indirect.scatter.add.f32 [tilespmem:s24], [sflag:$0x3], $0x80, s30, s21, $0xb8;
	v63 =	vld [tilespmem:$0x0]  }
0xa6: {  	_ =	swait.ge [sflag:s19], $0x2800  }
0xa7: {  	[sflag:s19] =	ssyncset.done $0x0  }
0xa8: {  	[sflag:s19] =	ssyncadd.s32 $0xFFFFD800  }
0xa9: {  	_ =	swait.ge [sflag:s20], $0x180  }
0xaa: {  	[sflag:s20] =	ssyncset.done $0x0  }
0xab: {  	[sflag:s20] =	ssyncadd.s32 $0xFFFFFE80  }
0xac: {  	_ =	swait.ge [sflag:s20], $0x180  }
0xad: {  	[sflag:s20] =	ssyncset.done $0x0  }
0xae: {  	s31 =	simm.s32 $0x14200;
	[sflag:s20] =	ssyncadd.s32 $0xFFFFFE80  }
0xaf: {  	[tilespmem:s22], [sflag:$0x1] =	stream.indirect.gather [hbm4b:s4+s21], $0x80, s31, s21, $0xb8;
	v63 =	vld [tilespmem:$0x0]  }
0xb0: {  	s17 =	simm.s32 $0x14280  }
0xb1: {  	[tilespmem:s23], [sflag:$0x1] =	stream.indirect.gather [hbm4b:s4+s21], $0x80, s17, s21, $0xb8;
	v63 =	vld [tilespmem:$0x0]  }
0xb2: {  	s26 =	simm.s32 $0x14300  }
0xb3: {  	[tilespmem:s24], [sflag:$0x1] =	stream.indirect.gather [hbm4b:s4+s21], $0x80, s26, s21, $0xb8;
	v63 =	vld [tilespmem:$0x0]  }
0xb4: {  	_ =	swait.ge [sflag:s25], $0x2800  }
0xb5: {  	[sflag:s25] =	ssyncset.done $0x0  }
0xb6: {  	s28 =	simm.s32 $0x14600;
	[sflag:s25] =	ssyncadd.s32 $0xFFFFD800  }
0xb7: {  	[spmem:s1] =	stream.indirect.scatter.add.f32 [tilespmem:s22], [sflag:$0x3], $0x80, s28, s21, $0xb8;
	v63 =	vld [tilespmem:$0x0]  }
0xb8: {  	_ =	swait.ge [sflag:s19], $0x2800  }
0xb9: {  	[sflag:s19] =	ssyncset.done $0x0  }
0xba: {  	[sflag:s19] =	ssyncadd.s32 $0xFFFFD800  }
0xbb: {  	_ =	swait.ge [sflag:s25], $0x2800  }
0xbc: {  	[sflag:s25] =	ssyncset.done $0x0  }
0xbd: {  	s29 =	simm.s32 $0x14680;
	[sflag:s25] =	ssyncadd.s32 $0xFFFFD800  }
0xbe: {  	[spmem:s1] =	stream.indirect.scatter.add.f32 [tilespmem:s23], [sflag:$0x3], $0x80, s29, s21, $0xb8;
	v63 =	vld [tilespmem:$0x0]  }
0xbf: {  	_ =	swait.ge [sflag:s19], $0x2800  }
0xc0: {  	[sflag:s19] =	ssyncset.done $0x0  }
0xc1: {  	[sflag:s19] =	ssyncadd.s32 $0xFFFFD800  }
0xc2: {  	_ =	swait.ge [sflag:s25], $0x2800  }
0xc3: {  	[sflag:s25] =	ssyncset.done $0x0  }
0xc4: {  	[sflag:s25] =	ssyncadd.s32 $0xFFFFD800  }
0xc5: {  	[spmem:s1] =	stream.indirect.scatter.add.f32 [tilespmem:s24], [sflag:$0x3], $0x80, s0, s21, $0xb8;
	v63 =	vld [tilespmem:$0x0]  }
0xc6: {  	s30 =	stileid.u32;
	_ =	swait.ge [sflag:s19], $0x2800  }
0xc7: {  	s16 =	sadd.s32 $0x1, s16;
	s2 =	sshll.u32 s30, $0x6;
	[sflag:s19] =	ssyncset.done $0x0  }
0xc8: {  	p0 =	sne.s32 s16, s12;
	s2 =	sor.u32 $0x1C03, s2;
	[sflag:s19] =	ssyncadd.s32 $0xFFFFD800  }
.Ltmp2:
0xc9: {  	s31 =	sshrl.u32 s7, $0x3;
	[bflag:$0x0] =	sbarrier.arrive $0xFFFF;
	(pc) =	sbr.rel @p0 .LBB2_1-.Ltmp2, $4  }
0xca: {  	[hbm:s13], [sflag:s2] =	dma.local [spmem:s31], $0x2800  }
0xcb: {  	_ =	swait.ge [sflag:s19], $0x2800  }
0xcc: {  	[sflag:s19] =	ssyncset.done $0x0  }
0xcd: {  	[sflag:s19] =	ssyncadd.s32 $0xFFFFD800  }
0xce: {  	_ =	sfence.sel $0x180000  }
0xcf: {  	[bflag:$0x0] =	sbarrier.arrive $0xFFFF  }
0xd0: {  	_ =	strace $0x9000004D  }
0xd1: {  	s0 =	stileid.u32;
	[bflag:$0x2] =	sbarrier.arrive $0xFFFF  }
0xd2: {  	p0 =	sne.s32 s0, $0x0;
	s0 =	rddreg [dreg:$0x2]  }
0xd3: {  	s0 =	sadd.s32 @!p0 $0x100000, s0  }
0xd4: {  	[sflag:s0] =	ssyncadd.tile.s32 @!p0 $0x1;
	_ =	shalt  }
.Lfunc_end2:
_tile_overlayer_lowered:
.L_overlay_start_2:
0xd5: {  	(tag) =	ssettag $0x2  }
0xd6: {  	s0 =	rddreg [dreg:$0x0];
	s2 =	stileid.u32  }
0xd7: {  	s1 =	rddreg [dreg:$0x1];
	p0 =	sne.s32 s2, $0x0  }
0xd8: {  	s3 =	rddreg [dreg:$0x2];
	[bflag:$0x3] =	sbarrier.arrive $0xFFFF;
	s2 =	simm.s32 @!p0 $0x1C03  }
0xd9: {  	[timem:s3], [sflag:s2] =	dma.local @!p0 [hbm:s0], s1  }
0xda: {  	s0 =	simm.s32 @!p0 $0x3  }
0xdb: {  	_ =	swait.ge @!p0 [sflag:s0], s1  }
0xdc: {  	s1 =	ssub.s32 @!p0 $0x0, s1;
	[sflag:s0] =	ssyncset.done @!p0 $0x0  }
0xdd: {  	[sflag:s0] =	ssyncadd.s32 @!p0 s1  }
0xde: {  	[bflag:$0x3] =	sbarrier.arrive $0xFFFF  }
0xdf: {  	_ =	shalt  }

// kernel: kernel.19.cloned.1.call-start
scs
__scs_entry_jumppad:
0x0: {  	(pc) =	sbr.rel $0x88, $3  }
0x1: {  	(tag) =	ssettag $0x0;
	lr =	simm.s32 $0x1  }
0x2: {  	[smem:$0x3F93] =	sst lr;
	_ =	strace $0xD0000000  }
0x3: {  	_ = 	snop  }
0x4: {  	_ = 	snop  }
0x5: {  	_ = 	snop  }
0x6: {  	_ = 	snop  }
0x7: {  	_ = 	snop  }
__scs_overlays_trampoline_lowered:
0x8: {  	[smem:$0x3FA2] =	sst s0  }
0x9: {  	[smem:$0x3FA3] =	sst s1  }
0xa: {  	[smem:$0x3FA4] =	sst s2  }
0xb: {  	[smem:$0x3FA5] =	sst s3  }
0xc: {  	[smem:$0x3FA6] =	sst s4  }
0xd: {  	[smem:$0x3FA7] =	sst s5  }
0xe: {  	[smem:$0x3FA8] =	sst s6  }
0xf: {  	[smem:$0x3FA9] =	sst s7  }
0x10: {  	[smem:$0x3FAA] =	sst s8  }
0x11: {  	[smem:$0x3FAB] =	sst s9;
	s0 =	simm.s32 @!p0 $0x0  }
0x12: {  	s1 =	sld [smem:$0x3F91];
	s0 =	simm.s32 @p0 $0x1  }
0x13: {  	[smem:$0x3FAC] =	sst s0;
	s0 =	simm.s32 @!p1 $0x0  }
0x14: {  	s2 =	sld [smem:$0x3F90];
	s0 =	simm.s32 @p1 $0x1  }
0x15: {  	[smem:$0x3FAD] =	sst s0;
	s0 =	simm.s32 @!p2 $0x0  }
0x16: {  	s3 =	sld [smem:$0x3FDB];
	s0 =	simm.s32 @p2 $0x1  }
0x17: {  	s4 =	simm.s32 $0x1BF5;
	[smem:$0x3FAF] =	sst s0  }
0x18: {  	s0 =	sld [smem:$0x3F92];
	_ =	swait.ge [sflag:s4], $0x0  }
0x19: {  	s7 =	sld [smem:$0x3F93]  }
0x1a: {  	s8 =	sadd.s32 $0xFFFFE003, lr  }
0x1b: {  	s9 =	sadd.s32 $0xFFFFFEF7, lr;
	s5 =	simm.s32 $0xFFFFFFFF;
	p2 =	slt.u32 s8, $0xFFFFF086  }
0x1c: {  	p1 =	slt.u32 s9, $0xF7A;
	s5 =	simm.s32 @!p2 $0x0  }
0x1d: {  	s5 =	simm.s32 @p1 $0x1;
	p0 =	seq.s32 s7, s2  }
0x1e: {  	s7 =	smul.u32 @!p0 $0xF7A, s2;
	p2 =	seq.s32 @!p0 s5, $0x0  }
0x1f: {  	s9 =	smul.u32 $0xF7A, s1;
	s8 =	simm.s32 @!p0 $0x1BF5;
	p2 =	por !p2, p0  }
0x20: {  	[sflag:s8] =	ssyncset.s32 @!p0 $0xFFFFF086;
	s6 =	sadd.s32 @!p0 s3, s7;
	s7 =	simm.s32 @!p0 $0x108  }
0x21: {  	s3 =	sadd.s32 s3, s9;
	s6 =	sadd.s32 @!p0 $0x88, s6;
	s7 =	simm.s32 @p2 $0x1082  }
0x22: {  	[simem:s7], [sflag:s8] =	dma.local @!p0 [hbm:s6], $0xF7A  }
0x23: {  	s9 =	sor.u32 $0xD0000000, s2;
	s6 =	simm.s32 $0x108;
	_ =	swait.ge @!p0 [sflag:s8], $0x0  }
0x24: {  	s3 =	sadd.s32 $0x88, s3;
	s6 =	simm.s32 @!p1 $0x1082;
	[sflag:s4] =	ssyncset.s32 $0xFFFFF086  }
0x25: {  	[simem:s6], [sflag:s4] =	dma.local [hbm:s3], $0xF7A  }
0x26: {  	[smem:$0x3F93] =	sst s1;
	(tag) =	ssettag s2;
	_ =	strace s9  }
0x27: {  	s1 =	sld [smem:$0x3FA3]  }
0x28: {  	s2 =	sld [smem:$0x3FA4]  }
0x29: {  	s4 =	sld [smem:$0x3FA6]  }
0x2a: {  	p0 =	seq.s32 s5, $0x0;
	s5 =	sld [smem:$0x3FA7]  }
0x2b: {  	s6 =	sld [smem:$0x3FA8]  }
0x2c: {  	s7 =	sld [smem:$0x3FA9]  }
0x2d: {  	s3 =	simm.s32 $0x108;
	s8 =	sld [smem:$0x3FAA]  }
0x2e: {  	s3 =	simm.s32 @!p0 $0x1082;
	s9 =	sld [smem:$0x3FAB]  }
0x2f: {  	lr =	sadd.s32 s0, s3;
	s0 =	sld [smem:$0x3FA2]  }
0x30: {  	s3 =	sld [smem:$0x3FA5]  }
0x31: {  	[smem:$0x3FAE] =	sst s10  }
0x32: {  	s10 =	sld [smem:$0x3FAC];
	_ =	sdelay $0x3  }
0x33: {  	p0 =	seq.s32 s10, $0x1;
	s10 =	sld [smem:$0x3FAE];
	_ =	sdelay $0x3  }
0x34: {  	[smem:$0x3FAE] =	sst s10  }
0x35: {  	s10 =	sld [smem:$0x3FAD];
	_ =	sdelay $0x3  }
0x36: {  	p1 =	seq.s32 s10, $0x1;
	s10 =	sld [smem:$0x3FAE];
	_ =	sdelay $0x3  }
0x37: {  	[smem:$0x3FAE] =	sst s10  }
0x38: {  	s10 =	sld [smem:$0x3FAF]  }
0x39: {  	_ = 	snop;
	(pc) =	sbr.ind lr, $3  }
0x3a: {  	_ = 	snop  }
0x3b: {  	_ = 	snop  }
0x3c: {  	p2 =	seq.s32 s10, $0x1;
	s10 =	sld [smem:$0x3FAE]  }
0x3d: {  	_ =	shalt  }
0x3e: {  	_ =	shalt  }
0x3f: {  	_ =	shalt  }
0x40: {  	_ =	shalt  }
0x41: {  	_ =	shalt  }
0x42: {  	_ =	shalt  }
0x43: {  	_ =	shalt  }
0x44: {  	_ =	shalt  }
0x45: {  	_ =	shalt  }
0x46: {  	_ =	shalt  }
0x47: {  	_ =	shalt  }
0x48: {  	_ =	shalt  }
0x49: {  	_ =	shalt  }
0x4a: {  	_ =	shalt  }
0x4b: {  	_ =	shalt  }
0x4c: {  	_ =	shalt  }
0x4d: {  	_ =	shalt  }
0x4e: {  	_ =	shalt  }
0x4f: {  	_ =	shalt  }
0x50: {  	_ =	shalt  }
0x51: {  	_ =	shalt  }
0x52: {  	_ =	shalt  }
0x53: {  	_ =	shalt  }
0x54: {  	_ =	shalt  }
0x55: {  	_ =	shalt  }
0x56: {  	_ =	shalt  }
0x57: {  	_ =	shalt  }
0x58: {  	_ =	shalt  }
0x59: {  	_ =	shalt  }
0x5a: {  	_ =	shalt  }
0x5b: {  	_ =	shalt  }
0x5c: {  	_ =	shalt  }
0x5d: {  	_ =	shalt  }
0x5e: {  	_ =	shalt  }
0x5f: {  	_ =	shalt  }
0x60: {  	_ =	shalt  }
0x61: {  	_ =	shalt  }
0x62: {  	_ =	shalt  }
0x63: {  	_ =	shalt  }
0x64: {  	_ =	shalt  }
0x65: {  	_ =	shalt  }
0x66: {  	_ =	shalt  }
0x67: {  	_ =	shalt  }
0x68: {  	_ =	shalt  }
0x69: {  	_ =	shalt  }
0x6a: {  	_ =	shalt  }
0x6b: {  	_ =	shalt  }
0x6c: {  	_ =	shalt  }
0x6d: {  	_ =	shalt  }
0x6e: {  	_ =	shalt  }
0x6f: {  	_ =	shalt  }
0x70: {  	_ =	shalt  }
0x71: {  	_ =	shalt  }
0x72: {  	_ =	shalt  }
0x73: {  	_ =	shalt  }
0x74: {  	_ =	shalt  }
0x75: {  	_ =	shalt  }
0x76: {  	_ =	shalt  }
0x77: {  	_ =	shalt  }
0x78: {  	_ =	shalt  }
0x79: {  	_ =	shalt  }
0x7a: {  	_ =	shalt  }
0x7b: {  	_ =	shalt  }
0x7c: {  	_ =	shalt  }
0x7d: {  	_ =	shalt  }
0x7e: {  	_ =	shalt  }
0x7f: {  	_ =	shalt  }
0x80: {  	_ =	shalt  }
0x81: {  	_ =	shalt  }
0x82: {  	_ =	shalt  }
0x83: {  	_ =	shalt  }
0x84: {  	_ =	shalt  }
0x85: {  	_ =	shalt  }
0x86: {  	_ =	shalt  }
0x87: {  	_ =	shalt  }
.Lfunc_end0:
.L_simem_size_0:
called_computation.3_lowered:
.L_overlay_start_0:
0x88: {  	s2 =	sld [smem:$0x3FD9]  }
0x89: {  	s3 =	sld [smem:$0x3FFE];
	_ =	sdelay $0x1  }
0x8a: {  	s1 =	srdreg.scid  }
0x8b: {  	s0 =	sand.u32 $0x1, s1  }
0x8c: {  	s16 =	sshll.u32 s0, $0xA;
	s2 =	sadd.s32 s3, s2  }
0x8d: {  	s2 =	sadd.s32 s2, s16  }
0x8e: {  	[smem:$0x3FBA] =	sst s2  }
0x8f: {  	_ = 	snop  }
0x90: {  	(tm) =	ssettm $0x1  }
0x91: {  	s17 =	sld [smem:$0x3FFB];
	_ =	sdelay $0x3  }
0x92: {  	_ =	strace s17  }
0x93: {  	s2 =	sld [smem:$0x3FFC];
	_ =	sdelay $0x3  }
0x94: {  	_ =	strace s2  }
0x95: {  	s2 =	sld [smem:$0x3FFD];
	_ =	sdelay $0x3  }
0x96: {  	_ =	strace s2  }
0x97: {  	_ =	strace $0x8FFFFFFF  }
0x98: {  	s18 =	sld [smem:$0x3FDB];
	_ =	sdelay $0x1  }
0x99: {  	s19 =	simm.s32 $_scs_section_size  }
0x9a: {  	s4 =	simm.s32 $_size__tile_overlayer_lowered;
	s5 =	simm.s32 $_tile_overlayer_lowered  }
0x9b: {  	s22 =	simm.s32 $0x1BFF;
	s21 =	sshll.u32 s5, $0x1;
	s2 =	sadd.s32 s19, s18  }
0x9c: {  	s6 =	simm.s32 $0x0;
	s20 =	sshll.u32 s4, $0x1;
	s4 =	sadd.s32 s21, s2  }
0x9d: {  	[timem:s6], [sflag:s22] =	dma.local [hbm:s4], s20  }
0x9e: {  	_ =	swait.ge [sflag:s22], s20  }
0x9f: {  	s3 =	ssub.s32 $0x0, s20;
	[sflag:s22] =	ssyncset.done $0x0  }
0xa0: {  	[sflag:s22] =	ssyncadd.s32 s3;
	_ =	sdelay $0x1  }
0xa1: {  	s23 =	simm.s32 $0x1B8B  }
0xa2: {  	_ =	swait.ge [sflag:s23], $0x1  }
0xa3: {  	[sflag:s23] =	ssyncset.done $0x0  }
0xa4: {  	s25 =	simm.s32 $0x1B8E;
	s24 =	sld [smem:$0x3FFE];
	[sflag:s23] =	ssyncadd.s32 $0xFFFFFFFF  }
0xa5: {  	s26 =	simm.s32 $execute0_lowered;
	[smem:$0x3FD2] =	sst s25  }
0xa6: {  	s4 =	sshll.u32 s26, $0x1;
	_ =	strace $0x8000004F;
	[dreg:$0x1] =	wrdreg $0xFFFFFFFF  }
0xa7: {  	s28 =	simm.s32 $_size_execute0_lowered;
	s2 =	sadd.s32 s2, s4;
	[dreg:$0x0] =	wrdreg $0x0  }
0xa8: {  	s4 =	sshll.u32 s28, $0x1;
	[dreg:$0x2] =	wrdreg s2  }
0xa9: {  	[dreg:$0x3] =	wrdreg s4  }
0xaa: {  	[dreg:$0x4] =	wrdreg $0xC0  }
0xab: {  	_ =	task [dreg:s6], $0x5FFFF  }
0xac: {  	[dreg:$0x1] =	wrdreg $0xFFFFFFFF  }
0xad: {  	[dreg:$0x0] =	wrdreg $0x60  }
0xae: {  	[dreg:$0x2] =	wrdreg s24  }
0xaf: {  	[dreg:$0x3] =	wrdreg $0x0  }
0xb0: {  	[dreg:$0x4] =	wrdreg $0x9  }
0xb1: {  	_ =	task.clear_ibuf [dreg:s6], $0x5FFFF;
	_ =	strace $0x9000004F  }
0xb2: {  	s29 =	simm.s32 $0x9;
	_ =	strace $0x80000051  }
0xb3: {  	_ =	swait.ge [sflag:s29], $0x1  }
0xb4: {  	[sflag:s29] =	ssyncadd.s32 $0xFFFFFFFF  }
0xb5: {  	_ =	strace $0x90000051  }
0xb6: {  	_ =	sfence  }
0xb7: {  	s30 =	sld [smem:$0x0];
	_ =	sdelay $0x2  }
0xb8: {  	s31 =	sshll.u32 s1, $0xD;
	s1 =	sshrl.u32 s1, $0x2  }
0xb9: {  	s3 =	sand.u32 $0x4000, s31;
	s1 =	sadd.s32 s1, s30  }
0xba: {  	s0 =	sor.u32 s3, s0;
	s1 =	sshll.u32 s1, $0x11  }
0xbb: {  	s0 =	sor.u32 s1, s0  }
0xbc: {  	s0 =	sadd.s32 $0x8F2B, s0  }
0xbd: {  	[sflag:s0] =	ssyncadd.remote.s32 $0x1  }
0xbe: {  	_ =	sfence.sel $0xFFFF  }
0xbf: {  	[dreg:$0x0] =	wrdreg $0xFFFFFFFF;
	(pc) =	sbr.abs _section_cstart, $3  }
0xc0: {  	[dreg:$0x1] =	wrdreg $0xFFFFFFFF  }
0xc1: {  	_ =	task.clear_ibuf [dreg:s6], $0x2FFFF;
	_ =	strace $0x9FFFFFFF  }
0xc2: {  	(tm) =	ssettm $0x7FFFFFFF  }
0xc3: {  	_ =	shalt  }
tec
execute0_lowered:
.L_overlay_start_1:
0x0: {  	(tag) =	ssettag $0x1  }
0x1: {  	s0 =	rddreg [dreg:$0x0]  }
0x2: {  	s1 =	rddreg [dreg:$0x1];
	s2 =	srdreg.scid  }
0x3: {  	s3 =	simm.s32 $0x0;
	s16 =	stileid.u32;
	s18 =	simm.s32 $0x1C000  }
0x4: {  	s19 =	simm.s32 $0x3;
	s20 =	simm.s32 $0x2;
	s21 =	simm.s32 $0x50  }
0x5: {  	s22 =	simm.s32 $0x14800;
	s23 =	simm.s32 $0x17000;
	s24 =	simm.s32 $0x19800  }
0x6: {  	s25 =	simm.s32 $0x1;
	s2 =	sand.u32 $0x1, s2;
	s8 =	smul.u32 $0x50000, s16  }
0x7: {  	[smem:$0x7FF] =	sst s3;
	s15 =	sadd.s32 $0x73400, s0;
	s13 =	smul.u32 $0x5400, s16  }
0x8: {  	s14 =	sadd.s32 $0x5E400, s0;
	s29 =	smul.u32 $0x2800, s16;
	s4 =	sshll.u32 s2, $0x4  }
0x9: {  	_ =	strace $0x80000050;
	s6 =	ssub.s32 $0x2, s2;
	s11 =	smul.u32 $0x54000, s2  }
0xa: {  	p0 =	seq.s32 s2, $0x1;
	s2 =	simm.s32 $0xD7600;
	s5 =	sor.u32 s16, s4  }
0xb: {  	s4 =	sadd.s32 $0x88400, s0;
	s7 =	sshrl.u32 s6, $0x1;
	s28 =	sshrl.u32 s8, $0x2  }
0xc: {  	s2 =	simm.s32 @!p0 $0xAF600;
	s16 =	simm.s32 $0x0;
	s5 =	smul.u32 $0x5400, s5  }
0xd: {  	s12 =	ssub.s32 s6, s7;
	s7 =	sadd.s32 s28, s1;
	s11 =	sadd.s32 s13, s11  }
0xe: {  	s0 =	sadd.s32 s2, s0;
	s8 =	sadd.s32 $0x4000, s7;
	s9 =	sadd.s32 $0x8000, s7  }
0xf: {  	s10 =	sadd.s32 $0xC000, s7;
	s30 =	sor.u32 $0x200, s11;
	s11 =	sadd.s32 $0x10000, s7  }
0x10: {  	s12 =	smax.u32 s12, $0x1;
	s13 =	sadd.s32 s0, s29;
	s26 =	sshrl.u32 s5, $0x3  }
0x11: {  	s0 =	simm.s32 $0x14700;
	s31 =	sshrl.u32 s30, $0x3;
	s5 =	sadd.s32 s15, s26  }
0x12: {  	v0 =	vimm.f32 $0.0e+00;
	s6 =	sadd.s32 s14, s26;
	s14 =	sadd.s32 s31, s14;
	s15 =	sadd.s32 s31, s15  }
.LBB2_1:
0x13: {  	s2 =	simm.s32 $0x14000  }
0x14: {  	[tilespmem:s2], [sflag:$0x2] =	stream.linear.gather [hbm4b:s5+s3], $0x180, $0x38;
	v63 =	vld [tilespmem:$0x0]  }
0x15: {  	s31 =	simm.s32 $0x14400;
	s17 =	simm.s32 $0x200;
	s2 =	simm.s32 $0x0  }
0x16: {  	[tilespmem:s31], [sflag:$0x2] =	stream.linear.gather [hbm4b:s6+s3], $0x180, $0x38;
	v63 =	vld [tilespmem:$0x0]  }
.LBB2_2:
0x17: {  	p0 =	sne.s32 s17, $0xFE00;
	[tilespmem:s2+$0x1C070] =	vst v0  }
0x18: {  	[tilespmem:s2+$0x1C000] =	vst v0  }
0x19: {  	[tilespmem:s2+$0x1C010] =	vst v0  }
.Ltmp0:
0x1a: {  	[tilespmem:s2+$0x1C020] =	vst v0;
	(pc) =	sbr.rel @p0 .LBB2_2-.Ltmp0, $4  }
0x1b: {  	[tilespmem:s2+$0x1C030] =	vst v0  }
0x1c: {  	[tilespmem:s2+$0x1C040] =	vst v0  }
0x1d: {  	[tilespmem:s2+$0x1C050] =	vst v0  }
0x1e: {  	[tilespmem:s2+$0x1C060] =	vst v0;
	s2 =	sshra.s32 s17, $0x2;
	s17 =	sadd.s32 $0x200, s17  }
0x1f: {  	[tilespmem:s2+$0x1C070] =	vst v0  }
0x20: {  	[tilespmem:s2+$0x1C000] =	vst v0  }
0x21: {  	[tilespmem:s2+$0x1C010] =	vst v0  }
0x22: {  	[tilespmem:s2+$0x1C020] =	vst v0  }
0x23: {  	[tilespmem:s2+$0x1C030] =	vst v0  }
0x24: {  	[tilespmem:s2+$0x1C040] =	vst v0  }
0x25: {  	[tilespmem:s2+$0x1C050] =	vst v0  }
0x26: {  	[tilespmem:s2+$0x1C060] =	vst v0  }
0x27: {  	[spmem:s7] =	stream.linear.scatter [tilespmem:s18], [sflag:$0x3], $0x4000, $0x38;
	v63 =	vld [tilespmem:$0x0]  }
0x28: {  	_ =	swait.ge [sflag:s19], $0x4000  }
0x29: {  	[sflag:s19] =	ssyncset.done $0x0  }
0x2a: {  	[sflag:s19] =	ssyncadd.s32 $0xFFFFC000  }
0x2b: {  	[spmem:s8] =	stream.linear.scatter [tilespmem:s18], [sflag:$0x3], $0x4000, $0x38;
	v63 =	vld [tilespmem:$0x0]  }
0x2c: {  	_ =	swait.ge [sflag:s19], $0x4000  }
0x2d: {  	[sflag:s19] =	ssyncset.done $0x0  }
0x2e: {  	[sflag:s19] =	ssyncadd.s32 $0xFFFFC000  }
0x2f: {  	[spmem:s9] =	stream.linear.scatter [tilespmem:s18], [sflag:$0x3], $0x4000, $0x38;
	v63 =	vld [tilespmem:$0x0]  }
0x30: {  	_ =	swait.ge [sflag:s19], $0x4000  }
0x31: {  	[sflag:s19] =	ssyncset.done $0x0  }
0x32: {  	[sflag:s19] =	ssyncadd.s32 $0xFFFFC000  }
0x33: {  	[spmem:s10] =	stream.linear.scatter [tilespmem:s18], [sflag:$0x3], $0x4000, $0x38;
	v63 =	vld [tilespmem:$0x0]  }
0x34: {  	_ =	swait.ge [sflag:s19], $0x4000  }
0x35: {  	[sflag:s19] =	ssyncset.done $0x0  }
0x36: {  	[sflag:s19] =	ssyncadd.s32 $0xFFFFC000  }
0x37: {  	[spmem:s11] =	stream.linear.scatter [tilespmem:s18], [sflag:$0x3], $0x4000, $0x38;
	v63 =	vld [tilespmem:$0x0]  }
0x38: {  	_ =	swait.ge [sflag:s19], $0x4000  }
0x39: {  	[sflag:s19] =	ssyncset.done $0x0  }
0x3a: {  	[sflag:s19] =	ssyncadd.s32 $0xFFFFC000  }
0x3b: {  	_ =	swait.ge [sflag:s20], $0x180  }
0x3c: {  	[sflag:s20] =	ssyncset.done $0x0  }
0x3d: {  	[sflag:s20] =	ssyncadd.s32 $0xFFFFFE80  }
0x3e: {  	_ =	swait.ge [sflag:s20], $0x180  }
0x3f: {  	s26 =	simm.s32 $0x0;
	[sflag:s20] =	ssyncset.done $0x0  }
0x40: {  	s2 =	sand.u32 $0x200, s26;
	[sflag:s20] =	ssyncadd.s32 $0xFFFFFE80  }
0x41: {  	s17 =	sxor.u32 $0x14200, s2;
	[bflag:$0x0] =	sbarrier.arrive $0xFFFF  }
0x42: {  	[tilespmem:s17], [sflag:$0x2] =	stream.linear.gather [hbm4b:s15+s3], $0x180, $0x38;
	v63 =	vld [tilespmem:$0x0]  }
0x43: {  	s29 =	sxor.u32 $0x14600, s2  }
0x44: {  	[tilespmem:s29], [sflag:$0x2] =	stream.linear.gather [hbm4b:s14+s3], $0x180, $0x38;
	v63 =	vld [tilespmem:$0x0]  }
0x45: {  	s30 =	sor.u32 $0x14000, s2  }
0x46: {  	[tilespmem:s22], [sflag:$0x1] =	stream.indirect.gather [hbm4b:s4+s21], $0x80, s30, s21, $0xb8;
	v63 =	vld [tilespmem:$0x0]  }
0x47: {  	s31 =	sor.u32 $0x14080, s2  }
0x48: {  	[tilespmem:s23], [sflag:$0x1] =	stream.indirect.gather [hbm4b:s4+s21], $0x80, s31, s21, $0xb8;
	v63 =	vld [tilespmem:$0x0]  }
0x49: {  	s26 =	sor.u32 $0x14100, s2  }
0x4a: {  	[tilespmem:s24], [sflag:$0x1] =	stream.indirect.gather [hbm4b:s4+s21], $0x80, s26, s21, $0xb8;
	v63 =	vld [tilespmem:$0x0]  }
0x4b: {  	_ =	swait.ge [sflag:s25], $0x2800  }
0x4c: {  	[sflag:s25] =	ssyncset.done $0x0  }
0x4d: {  	s29 =	sor.u32 $0x14400, s2;
	[sflag:s25] =	ssyncadd.s32 $0xFFFFD800  }
0x4e: {  	[spmem:s1] =	stream.indirect.scatter.add.f32 [tilespmem:s22], [sflag:$0x3], $0x80, s29, s21, $0xb8;
	v63 =	vld [tilespmem:$0x0]  }
0x4f: {  	_ =	swait.ge [sflag:s19], $0x2800  }
0x50: {  	[sflag:s19] =	ssyncset.done $0x0  }
0x51: {  	[sflag:s19] =	ssyncadd.s32 $0xFFFFD800  }
0x52: {  	_ =	swait.ge [sflag:s25], $0x2800  }
0x53: {  	[sflag:s25] =	ssyncset.done $0x0  }
0x54: {  	s30 =	sor.u32 $0x14480, s2;
	[sflag:s25] =	ssyncadd.s32 $0xFFFFD800  }
0x55: {  	[spmem:s1] =	stream.indirect.scatter.add.f32 [tilespmem:s23], [sflag:$0x3], $0x80, s30, s21, $0xb8;
	v63 =	vld [tilespmem:$0x0]  }
0x56: {  	_ =	swait.ge [sflag:s19], $0x2800  }
0x57: {  	[sflag:s19] =	ssyncset.done $0x0  }
0x58: {  	[sflag:s19] =	ssyncadd.s32 $0xFFFFD800  }
0x59: {  	_ =	swait.ge [sflag:s25], $0x2800  }
0x5a: {  	[sflag:s25] =	ssyncset.done $0x0  }
0x5b: {  	s2 =	sor.u32 $0x14500, s2;
	[sflag:s25] =	ssyncadd.s32 $0xFFFFD800  }
0x5c: {  	[spmem:s1] =	stream.indirect.scatter.add.f32 [tilespmem:s24], [sflag:$0x3], $0x80, s2, s21, $0xb8;
	v63 =	vld [tilespmem:$0x0]  }
0x5d: {  	_ =	swait.ge [sflag:s19], $0x2800  }
0x5e: {  	[sflag:s19] =	ssyncset.done $0x0  }
0x5f: {  	[sflag:s19] =	ssyncadd.s32 $0xFFFFD800  }
0x60: {  	_ =	swait.ge [sflag:s20], $0x180  }
0x61: {  	[sflag:s20] =	ssyncset.done $0x0  }
0x62: {  	s31 =	simm.s32 $0x200;
	[sflag:s20] =	ssyncadd.s32 $0xFFFFFE80  }
0x63: {  	s28 =	simm.s32 $0x400;
	s17 =	sand.u32 $0x200, s31;
	_ =	swait.ge [sflag:s20], $0x180  }
0x64: {  	s26 =	sadd.s32 $0x40, s14;
	s2 =	sadd.s32 $0x40, s15;
	[sflag:s20] =	ssyncset.done $0x0  }
.LBB2_4:
0x65: {  	s31 =	sxor.u32 $0x14200, s17  }
0x66: {  	[sflag:s20] =	ssyncadd.s32 $0xFFFFFE80;
	s29 =	smov.u32 s28;
	s30 =	sadd.s32 $0x200, s28  }
0x67: {  	[tilespmem:s31], [sflag:$0x2] =	stream.linear.gather [hbm4b:s2+s3], $0x180, $0x38;
	v63 =	vld [tilespmem:$0x0]  }
0x68: {  	p0 =	sne.s32 s28, $0x5000;
	s28 =	sxor.u32 $0x14600, s17  }
0x69: {  	[tilespmem:s28], [sflag:$0x2] =	stream.linear.gather [hbm4b:s26+s3], $0x180, $0x38;
	v63 =	vld [tilespmem:$0x0]  }
0x6a: {  	s28 =	sor.u32 $0x14000, s17  }
0x6b: {  	[tilespmem:s22], [sflag:$0x1] =	stream.indirect.gather [hbm4b:s4+s21], $0x80, s28, s21, $0xb8;
	v63 =	vld [tilespmem:$0x0]  }
0x6c: {  	s28 =	sor.u32 $0x14080, s17  }
0x6d: {  	[tilespmem:s23], [sflag:$0x1] =	stream.indirect.gather [hbm4b:s4+s21], $0x80, s28, s21, $0xb8;
	v63 =	vld [tilespmem:$0x0]  }
0x6e: {  	s28 =	sor.u32 $0x14100, s17  }
0x6f: {  	[tilespmem:s24], [sflag:$0x1] =	stream.indirect.gather [hbm4b:s4+s21], $0x80, s28, s21, $0xb8;
	v63 =	vld [tilespmem:$0x0]  }
0x70: {  	_ =	swait.ge [sflag:s25], $0x2800  }
0x71: {  	[sflag:s25] =	ssyncset.done $0x0  }
0x72: {  	s28 =	sor.u32 $0x14400, s17;
	[sflag:s25] =	ssyncadd.s32 $0xFFFFD800  }
0x73: {  	[spmem:s1] =	stream.indirect.scatter.add.f32 [tilespmem:s22], [sflag:$0x3], $0x80, s28, s21, $0xb8;
	v63 =	vld [tilespmem:$0x0]  }
0x74: {  	_ =	swait.ge [sflag:s19], $0x2800  }
0x75: {  	[sflag:s19] =	ssyncset.done $0x0  }
0x76: {  	[sflag:s19] =	ssyncadd.s32 $0xFFFFD800  }
0x77: {  	_ =	swait.ge [sflag:s25], $0x2800  }
0x78: {  	[sflag:s25] =	ssyncset.done $0x0  }
0x79: {  	s28 =	sor.u32 $0x14480, s17;
	[sflag:s25] =	ssyncadd.s32 $0xFFFFD800  }
0x7a: {  	[spmem:s1] =	stream.indirect.scatter.add.f32 [tilespmem:s23], [sflag:$0x3], $0x80, s28, s21, $0xb8;
	v63 =	vld [tilespmem:$0x0]  }
0x7b: {  	_ =	swait.ge [sflag:s19], $0x2800  }
0x7c: {  	[sflag:s19] =	ssyncset.done $0x0  }
0x7d: {  	[sflag:s19] =	ssyncadd.s32 $0xFFFFD800  }
0x7e: {  	_ =	swait.ge [sflag:s25], $0x2800  }
0x7f: {  	[sflag:s25] =	ssyncset.done $0x0  }
0x80: {  	s17 =	sor.u32 $0x14500, s17;
	[sflag:s25] =	ssyncadd.s32 $0xFFFFD800  }
0x81: {  	[spmem:s1] =	stream.indirect.scatter.add.f32 [tilespmem:s24], [sflag:$0x3], $0x80, s17, s21, $0xb8;
	v63 =	vld [tilespmem:$0x0]  }
0x82: {  	_ =	swait.ge [sflag:s19], $0x2800  }
0x83: {  	[sflag:s19] =	ssyncset.done $0x0  }
0x84: {  	[sflag:s19] =	ssyncadd.s32 $0xFFFFD800  }
.Ltmp1:
0x85: {  	_ =	swait.ge [sflag:s20], $0x180;
	(pc) =	sbr.rel @p0 .LBB2_4-.Ltmp1, $4  }
0x86: {  	[sflag:s20] =	ssyncset.done $0x0  }
0x87: {  	[sflag:s20] =	ssyncadd.s32 $0xFFFFFE80  }
0x88: {  	s2 =	sadd.s32 $0x40, s2;
	s26 =	sadd.s32 $0x40, s26;
	_ =	swait.ge [sflag:s20], $0x180  }
0x89: {  	s28 =	smov.u32 s30;
	s17 =	sand.u32 $0x200, s29;
	[sflag:s20] =	ssyncset.done $0x0  }
0x8a: {  	s28 =	sxor.u32 $0x14200, s17;
	[sflag:s20] =	ssyncadd.s32 $0xFFFFFE80  }
0x8b: {  	[tilespmem:s28], [sflag:$0x2] =	stream.linear.gather [hbm4b:s2+s3], $0x180, $0x38;
	v63 =	vld [tilespmem:$0x0]  }
0x8c: {  	s29 =	sxor.u32 $0x14600, s17  }
0x8d: {  	[tilespmem:s29], [sflag:$0x2] =	stream.linear.gather [hbm4b:s26+s3], $0x180, $0x38;
	v63 =	vld [tilespmem:$0x0]  }
0x8e: {  	s30 =	sor.u32 $0x14000, s17  }
0x8f: {  	[tilespmem:s22], [sflag:$0x1] =	stream.indirect.gather [hbm4b:s4+s21], $0x80, s30, s21, $0xb8;
	v63 =	vld [tilespmem:$0x0]  }
0x90: {  	s31 =	sor.u32 $0x14080, s17  }
0x91: {  	[tilespmem:s23], [sflag:$0x1] =	stream.indirect.gather [hbm4b:s4+s21], $0x80, s31, s21, $0xb8;
	v63 =	vld [tilespmem:$0x0]  }
0x92: {  	s26 =	sor.u32 $0x14100, s17  }
0x93: {  	[tilespmem:s24], [sflag:$0x1] =	stream.indirect.gather [hbm4b:s4+s21], $0x80, s26, s21, $0xb8;
	v63 =	vld [tilespmem:$0x0]  }
0x94: {  	_ =	swait.ge [sflag:s25], $0x2800  }
0x95: {  	[sflag:s25] =	ssyncset.done $0x0  }
0x96: {  	s28 =	sor.u32 $0x14400, s17;
	[sflag:s25] =	ssyncadd.s32 $0xFFFFD800  }
0x97: {  	[spmem:s1] =	stream.indirect.scatter.add.f32 [tilespmem:s22], [sflag:$0x3], $0x80, s28, s21, $0xb8;
	v63 =	vld [tilespmem:$0x0]  }
0x98: {  	_ =	swait.ge [sflag:s19], $0x2800  }
0x99: {  	[sflag:s19] =	ssyncset.done $0x0  }
0x9a: {  	[sflag:s19] =	ssyncadd.s32 $0xFFFFD800  }
0x9b: {  	_ =	swait.ge [sflag:s25], $0x2800  }
0x9c: {  	[sflag:s25] =	ssyncset.done $0x0  }
0x9d: {  	s29 =	sor.u32 $0x14480, s17;
	[sflag:s25] =	ssyncadd.s32 $0xFFFFD800  }
0x9e: {  	[spmem:s1] =	stream.indirect.scatter.add.f32 [tilespmem:s23], [sflag:$0x3], $0x80, s29, s21, $0xb8;
	v63 =	vld [tilespmem:$0x0]  }
0x9f: {  	_ =	swait.ge [sflag:s19], $0x2800  }
0xa0: {  	[sflag:s19] =	ssyncset.done $0x0  }
0xa1: {  	[sflag:s19] =	ssyncadd.s32 $0xFFFFD800  }
0xa2: {  	_ =	swait.ge [sflag:s25], $0x2800  }
0xa3: {  	[sflag:s25] =	ssyncset.done $0x0  }
0xa4: {  	s30 =	sor.u32 $0x14500, s17;
	[sflag:s25] =	ssyncadd.s32 $0xFFFFD800  }
0xa5: {  	[spmem:s1] =	stream.indirect.scatter.add.f32 [tilespmem:s24], [sflag:$0x3], $0x80, s30, s21, $0xb8;
	v63 =	vld [tilespmem:$0x0]  }
0xa6: {  	_ =	swait.ge [sflag:s19], $0x2800  }
0xa7: {  	[sflag:s19] =	ssyncset.done $0x0  }
0xa8: {  	[sflag:s19] =	ssyncadd.s32 $0xFFFFD800  }
0xa9: {  	_ =	swait.ge [sflag:s20], $0x180  }
0xaa: {  	[sflag:s20] =	ssyncset.done $0x0  }
0xab: {  	[sflag:s20] =	ssyncadd.s32 $0xFFFFFE80  }
0xac: {  	_ =	swait.ge [sflag:s20], $0x180  }
0xad: {  	[sflag:s20] =	ssyncset.done $0x0  }
0xae: {  	s31 =	simm.s32 $0x14200;
	[sflag:s20] =	ssyncadd.s32 $0xFFFFFE80  }
0xaf: {  	[tilespmem:s22], [sflag:$0x1] =	stream.indirect.gather [hbm4b:s4+s21], $0x80, s31, s21, $0xb8;
	v63 =	vld [tilespmem:$0x0]  }
0xb0: {  	s17 =	simm.s32 $0x14280  }
0xb1: {  	[tilespmem:s23], [sflag:$0x1] =	stream.indirect.gather [hbm4b:s4+s21], $0x80, s17, s21, $0xb8;
	v63 =	vld [tilespmem:$0x0]  }
0xb2: {  	s26 =	simm.s32 $0x14300  }
0xb3: {  	[tilespmem:s24], [sflag:$0x1] =	stream.indirect.gather [hbm4b:s4+s21], $0x80, s26, s21, $0xb8;
	v63 =	vld [tilespmem:$0x0]  }
0xb4: {  	_ =	swait.ge [sflag:s25], $0x2800  }
0xb5: {  	[sflag:s25] =	ssyncset.done $0x0  }
0xb6: {  	s28 =	simm.s32 $0x14600;
	[sflag:s25] =	ssyncadd.s32 $0xFFFFD800  }
0xb7: {  	[spmem:s1] =	stream.indirect.scatter.add.f32 [tilespmem:s22], [sflag:$0x3], $0x80, s28, s21, $0xb8;
	v63 =	vld [tilespmem:$0x0]  }
0xb8: {  	_ =	swait.ge [sflag:s19], $0x2800  }
0xb9: {  	[sflag:s19] =	ssyncset.done $0x0  }
0xba: {  	[sflag:s19] =	ssyncadd.s32 $0xFFFFD800  }
0xbb: {  	_ =	swait.ge [sflag:s25], $0x2800  }
0xbc: {  	[sflag:s25] =	ssyncset.done $0x0  }
0xbd: {  	s29 =	simm.s32 $0x14680;
	[sflag:s25] =	ssyncadd.s32 $0xFFFFD800  }
0xbe: {  	[spmem:s1] =	stream.indirect.scatter.add.f32 [tilespmem:s23], [sflag:$0x3], $0x80, s29, s21, $0xb8;
	v63 =	vld [tilespmem:$0x0]  }
0xbf: {  	_ =	swait.ge [sflag:s19], $0x2800  }
0xc0: {  	[sflag:s19] =	ssyncset.done $0x0  }
0xc1: {  	[sflag:s19] =	ssyncadd.s32 $0xFFFFD800  }
0xc2: {  	_ =	swait.ge [sflag:s25], $0x2800  }
0xc3: {  	[sflag:s25] =	ssyncset.done $0x0  }
0xc4: {  	[sflag:s25] =	ssyncadd.s32 $0xFFFFD800  }
0xc5: {  	[spmem:s1] =	stream.indirect.scatter.add.f32 [tilespmem:s24], [sflag:$0x3], $0x80, s0, s21, $0xb8;
	v63 =	vld [tilespmem:$0x0]  }
0xc6: {  	s30 =	stileid.u32;
	_ =	swait.ge [sflag:s19], $0x2800  }
0xc7: {  	s16 =	sadd.s32 $0x1, s16;
	s2 =	sshll.u32 s30, $0x6;
	[sflag:s19] =	ssyncset.done $0x0  }
0xc8: {  	p0 =	sne.s32 s16, s12;
	s2 =	sor.u32 $0x1C03, s2;
	[sflag:s19] =	ssyncadd.s32 $0xFFFFD800  }
.Ltmp2:
0xc9: {  	s31 =	sshrl.u32 s7, $0x3;
	[bflag:$0x0] =	sbarrier.arrive $0xFFFF;
	(pc) =	sbr.rel @p0 .LBB2_1-.Ltmp2, $4  }
0xca: {  	[hbm:s13], [sflag:s2] =	dma.local [spmem:s31], $0x2800  }
0xcb: {  	_ =	swait.ge [sflag:s19], $0x2800  }
0xcc: {  	[sflag:s19] =	ssyncset.done $0x0  }
0xcd: {  	[sflag:s19] =	ssyncadd.s32 $0xFFFFD800  }
0xce: {  	_ =	sfence.sel $0x180000  }
0xcf: {  	[bflag:$0x0] =	sbarrier.arrive $0xFFFF  }
0xd0: {  	_ =	strace $0x90000050  }
0xd1: {  	s0 =	stileid.u32;
	[bflag:$0x2] =	sbarrier.arrive $0xFFFF  }
0xd2: {  	p0 =	sne.s32 s0, $0x0;
	s0 =	rddreg [dreg:$0x2]  }
0xd3: {  	s0 =	sadd.s32 @!p0 $0x100000, s0  }
0xd4: {  	[sflag:s0] =	ssyncadd.tile.s32 @!p0 $0x1;
	_ =	shalt  }
.Lfunc_end2:
_tile_overlayer_lowered:
.L_overlay_start_2:
0xd5: {  	(tag) =	ssettag $0x2  }
0xd6: {  	s0 =	rddreg [dreg:$0x0];
	s2 =	stileid.u32  }
0xd7: {  	s1 =	rddreg [dreg:$0x1];
	p0 =	sne.s32 s2, $0x0  }
0xd8: {  	s3 =	rddreg [dreg:$0x2];
	[bflag:$0x3] =	sbarrier.arrive $0xFFFF;
	s2 =	simm.s32 @!p0 $0x1C03  }
0xd9: {  	[timem:s3], [sflag:s2] =	dma.local @!p0 [hbm:s0], s1  }
0xda: {  	s0 =	simm.s32 @!p0 $0x3  }
0xdb: {  	_ =	swait.ge @!p0 [sflag:s0], s1  }
0xdc: {  	s1 =	ssub.s32 @!p0 $0x0, s1;
	[sflag:s0] =	ssyncset.done @!p0 $0x0  }
0xdd: {  	[sflag:s0] =	ssyncadd.s32 @!p0 s1  }
0xde: {  	[bflag:$0x3] =	sbarrier.arrive $0xFFFF  }
0xdf: {  	_ =	shalt  }

</sc_bundles>
